<compile_context>
chip_gen: v7x
topology: tpu7x:2x2x1
jax: 0.10.2.dev20260603
libtpu: 0.0.44.dev20260713+nightly
codegen_flags: <defaults>
</compile_context>

<pallas_src>
import numpy as np
import jax
import jax.numpy as jnp
from jax import lax
from jax.experimental import pallas as pl
from jax.experimental.pallas import tpu as pltpu
from jax.experimental.pallas import tpu_sc as plsc

ALPHA = 4
FB = 4
NC, NS = 1, 16
SPLIT = 4
NBUF = 3


def _copy_body(in_ref, fast_ref):
    fast_ref[...] = in_ref[...]


def _make_sc_gather(C, T, H, W, N, a, b):
    HH = H // SPLIT
    n_chunks = C * N * SPLIT
    n_workers = NC * NS
    per_w = n_chunks // n_workers
    assert n_chunks % n_workers == 0

    mesh = plsc.VectorSubcoreMesh(
        core_axis_name="c", subcore_axis_name="s",
        num_cores=NC, num_subcores=NS,
    )

    def body(frames_hbm, slow_hbm, *scratch):
        bufs = scratch[:NBUF]
        sin = scratch[NBUF:2 * NBUF]
        sout = scratch[2 * NBUF:]
        wid = lax.axis_index("s") * NC + lax.axis_index("c")

        def chunk(j):
            q = wid * per_w + j
            c = q // (N * SPLIT)
            r = q % (N * SPLIT)
            k = r // SPLIT
            part = r % SPLIT
            t = (k * a) // b
            h0 = part * HH
            return (
                frames_hbm.at[c, t, pl.ds(h0, HH), :],
                slow_hbm.at[c, k, pl.ds(h0, HH), :],
            )

        in_cp, out_cp = {}, {}
        for j in range(per_w):
            src, dst = chunk(j)
            if j >= NBUF:
                out_cp[j - NBUF].wait()
            in_cp[j] = pltpu.make_async_copy(src, bufs[j % NBUF], sin[j % NBUF])
            in_cp[j].start()
            if j >= 1:
                p = j - 1
                in_cp[p].wait()
                _, dstp = chunk(p)
                out_cp[p] = pltpu.make_async_copy(bufs[p % NBUF], dstp, sout[p % NBUF])
                out_cp[p].start()
        last = per_w - 1
        in_cp[last].wait()
        _, dstl = chunk(last)
        out_cp[last] = pltpu.make_async_copy(bufs[last % NBUF], dstl, sout[last % NBUF])
        out_cp[last].start()
        for j in range(max(0, per_w - NBUF), per_w):
            out_cp[j].wait()

    return pl.kernel(
        body,
        out_type=jax.ShapeDtypeStruct((C, N, H, W), jnp.float32),
        mesh=mesh,
        scratch_types=(
            [pltpu.VMEM((HH, W), jnp.float32) for _ in range(NBUF)]
            + [pltpu.SemaphoreType.DMA for _ in range(2 * NBUF)]
        ),
    )


def kernel(frames):
    C, T, H, W = frames.shape
    N = T // ALPHA
    a, b = T - 1, N - 1

    idx = np.linspace(0, T - 1, N).astype(np.int64)
    idx_arith = (np.arange(N) * a) // b
    assert np.array_equal(idx, idx_arith), (idx, idx_arith)

    slow = _make_sc_gather(C, T, H, W, N, a, b)(frames)

    fast = pl.pallas_call(
        _copy_body,
        grid=(T // FB,),
        in_specs=[pl.BlockSpec((C, FB, H, W), lambda s: (0, s, 0, 0))],
        out_specs=pl.BlockSpec((C, FB, H, W), lambda s: (0, s, 0, 0)),
        out_shape=jax.ShapeDtypeStruct((C, T, H, W), frames.dtype),
    )(frames)

    return (slow, fast)

# --- scband reference (transcript-rebuilt; emitter-appended) ---
"""Pipeline reference for scband-pack-pathway-4131758539250 (READ-ONLY COPY).

The authoritative reference and input builder live on the scoring server;
editing this copy changes nothing except your own understanding.
"""

import jax, jax.numpy as jnp
import numpy as np

alpha = 4

def setup_inputs(seed: int = 0) -> dict:
    key = jax.random.key(seed)
    frames = jax.random.normal(key, (3, 64, 384, 384), dtype=jnp.float32)
    return {"frames": frames}

def reference(frames):
    T = frames.shape[1]
    # torch.linspace(0, T-1, T//alpha).long(): linspace then truncate to int
    idx = jnp.asarray(np.linspace(0, T - 1, T // alpha).astype(np.int64))
    slow_pathway = jnp.take(frames, idx, axis=1)
    fast_pathway = frames
    return (slow_pathway, fast_pathway)

if __name__ == "__main__":
    import jax
    _d = setup_inputs()
    print(jax.jit(kernel)(*tuple(_d.values())))

</pallas_src>

<mosaic_0001>
#map = affine_map<(d0, d1) -> (0, 0, 0, 0)>
module attributes {stable_mosaic.version = 14 : i64} {
  func.func @body(%arg0: i32, %arg1: i32, %arg2: memref<3x64x384x384xf32, #tpu.memory_space<hbm>>, %arg3: memref<3x16x384x384xf32, #tpu.memory_space<hbm>>, %arg4: memref<96x384xf32, #tpu.memory_space<vmem>>, %arg5: memref<96x384xf32, #tpu.memory_space<vmem>>, %arg6: memref<96x384xf32, #tpu.memory_space<vmem>>, %arg7: memref<!tpu.dma_semaphore, #tpu.memory_space<semaphore_mem>>, %arg8: memref<!tpu.dma_semaphore, #tpu.memory_space<semaphore_mem>>, %arg9: memref<!tpu.dma_semaphore, #tpu.memory_space<semaphore_mem>>, %arg10: memref<!tpu.dma_semaphore, #tpu.memory_space<semaphore_mem>>, %arg11: memref<!tpu.dma_semaphore, #tpu.memory_space<semaphore_mem>>, %arg12: memref<!tpu.dma_semaphore, #tpu.memory_space<semaphore_mem>>) attributes {dimension_semantics = [#tpu.dimension_semantics<core_parallel>, #tpu.dimension_semantics<subcore_parallel>], iteration_bounds = array<i64: 1, 16>, scalar_prefetch = 0 : i64, scratch_operands = 9 : i64, tpu.core_type = #tpu.core_type<sc_vector_subcore>, window_params = [{transform_indices = #map}, {transform_indices = #map}]} {
    %mul3A = arith.constant 1 : i32
    %mul3A_0 = arith.muli %arg1, %mul3A : i32
    %add3A = arith.addi %mul3A_0, %arg0 : i32
    %mul3A_1 = arith.constant 12 : i32
    %mul3A_2 = arith.muli %add3A, %mul3A_1 : i32
    %add3A_3 = arith.constant 0 : i32
    %add3A_4 = arith.addi %mul3A_2, %add3A_3 : i32
    %jit3A = arith.constant 64 : i32
    %div3A = arith.divsi %add3A_4, %jit3A : i32
    %sign3A = arith.constant 0 : i32
    %sign3A_5 = arith.cmpi sgt, %add3A_4, %sign3A : i32
    %sign3A_6 = arith.extui %sign3A_5 : i1 to i32
    %sign3A_7 = arith.constant 0 : i32
    %sign3A_8 = arith.cmpi slt, %add3A_4, %sign3A_7 : i32
    %sign3A_9 = arith.extui %sign3A_8 : i1 to i32
    %sign3A_10 = arith.subi %sign3A_6, %sign3A_9 : i32
    %sign3A_11 = arith.constant 0 : i32
    %sign3A_12 = arith.cmpi sgt, %jit3A, %sign3A_11 : i32
    %sign3A_13 = arith.extui %sign3A_12 : i1 to i32
    %sign3A_14 = arith.constant 0 : i32
    %sign3A_15 = arith.cmpi slt, %jit3A, %sign3A_14 : i32
    %sign3A_16 = arith.extui %sign3A_15 : i1 to i32
    %sign3A_17 = arith.subi %sign3A_13, %sign3A_16 : i32
    %ne3A = arith.cmpi ne, %sign3A_10, %sign3A_17 : i32
    %rem3A = arith.remsi %add3A_4, %jit3A : i32
    %ne3A_18 = arith.constant 0 : i32
    %ne3A_19 = arith.cmpi ne, %rem3A, %ne3A_18 : i32
    %and3A = arith.andi %ne3A, %ne3A_19 : i1
    %sub3A = arith.constant 1 : i32
    %sub3A_20 = arith.subi %div3A, %sub3A : i32
    %select_n3A = arith.select %and3A, %sub3A_20, %div3A : i32
    %jit3A_21 = arith.constant 64 : i32
    %eq3A = arith.constant 0 : i32
    %eq3A_22 = arith.cmpi eq, %jit3A_21, %eq3A : i32
    %jit3A_23 = arith.constant 1 : i32
    %select_n3A_24 = arith.select %eq3A_22, %jit3A_23, %jit3A_21 : i32
    %rem3A_25 = arith.remsi %add3A_4, %select_n3A_24 : i32
    %ne3A_26 = arith.constant 0 : i32
    %ne3A_27 = arith.cmpi ne, %rem3A_25, %ne3A_26 : i32
    %lt3A = arith.constant 0 : i32
    %lt3A_28 = arith.cmpi slt, %rem3A_25, %lt3A : i32
    %lt3A_29 = arith.constant 0 : i32
    %lt3A_30 = arith.cmpi slt, %select_n3A_24, %lt3A_29 : i32
    %ne3A_31 = arith.xori %lt3A_28, %lt3A_30 : i1
    %and3A_32 = arith.andi %ne3A_31, %ne3A_27 : i1
    %add3A_33 = arith.addi %rem3A_25, %select_n3A_24 : i32
    %select_n3A_34 = arith.select %and3A_32, %add3A_33, %rem3A_25 : i32
    %jit3A_35 = arith.constant 4 : i32
    %div3A_36 = arith.divsi %select_n3A_34, %jit3A_35 : i32
    %sign3A_37 = arith.constant 0 : i32
    %sign3A_38 = arith.cmpi sgt, %select_n3A_34, %sign3A_37 : i32
    %sign3A_39 = arith.extui %sign3A_38 : i1 to i32
    %sign3A_40 = arith.constant 0 : i32
    %sign3A_41 = arith.cmpi slt, %select_n3A_34, %sign3A_40 : i32
    %sign3A_42 = arith.extui %sign3A_41 : i1 to i32
    %sign3A_43 = arith.subi %sign3A_39, %sign3A_42 : i32
    %sign3A_44 = arith.constant 0 : i32
    %sign3A_45 = arith.cmpi sgt, %jit3A_35, %sign3A_44 : i32
    %sign3A_46 = arith.extui %sign3A_45 : i1 to i32
    %sign3A_47 = arith.constant 0 : i32
    %sign3A_48 = arith.cmpi slt, %jit3A_35, %sign3A_47 : i32
    %sign3A_49 = arith.extui %sign3A_48 : i1 to i32
    %sign3A_50 = arith.subi %sign3A_46, %sign3A_49 : i32
    %ne3A_51 = arith.cmpi ne, %sign3A_43, %sign3A_50 : i32
    %rem3A_52 = arith.remsi %select_n3A_34, %jit3A_35 : i32
    %ne3A_53 = arith.constant 0 : i32
    %ne3A_54 = arith.cmpi ne, %rem3A_52, %ne3A_53 : i32
    %and3A_55 = arith.andi %ne3A_51, %ne3A_54 : i1
    %sub3A_56 = arith.constant 1 : i32
    %sub3A_57 = arith.subi %div3A_36, %sub3A_56 : i32
    %select_n3A_58 = arith.select %and3A_55, %sub3A_57, %div3A_36 : i32
    %jit3A_59 = arith.constant 4 : i32
    %eq3A_60 = arith.constant 0 : i32
    %eq3A_61 = arith.cmpi eq, %jit3A_59, %eq3A_60 : i32
    %jit3A_62 = arith.constant 1 : i32
    %select_n3A_63 = arith.select %eq3A_61, %jit3A_62, %jit3A_59 : i32
    %rem3A_64 = arith.remsi %select_n3A_34, %select_n3A_63 : i32
    %ne3A_65 = arith.constant 0 : i32
    %ne3A_66 = arith.cmpi ne, %rem3A_64, %ne3A_65 : i32
    %lt3A_67 = arith.constant 0 : i32
    %lt3A_68 = arith.cmpi slt, %rem3A_64, %lt3A_67 : i32
    %lt3A_69 = arith.constant 0 : i32
    %lt3A_70 = arith.cmpi slt, %select_n3A_63, %lt3A_69 : i32
    %ne3A_71 = arith.xori %lt3A_68, %lt3A_70 : i1
    %and3A_72 = arith.andi %ne3A_71, %ne3A_66 : i1
    %add3A_73 = arith.addi %rem3A_64, %select_n3A_63 : i32
    %select_n3A_74 = arith.select %and3A_72, %add3A_73, %rem3A_64 : i32
    %mul3A_75 = arith.constant 63 : i32
    %mul3A_76 = arith.muli %select_n3A_58, %mul3A_75 : i32
    %jit3A_77 = arith.constant 15 : i32
    %div3A_78 = arith.divsi %mul3A_76, %jit3A_77 : i32
    %sign3A_79 = arith.constant 0 : i32
    %sign3A_80 = arith.cmpi sgt, %mul3A_76, %sign3A_79 : i32
    %sign3A_81 = arith.extui %sign3A_80 : i1 to i32
    %sign3A_82 = arith.constant 0 : i32
    %sign3A_83 = arith.cmpi slt, %mul3A_76, %sign3A_82 : i32
    %sign3A_84 = arith.extui %sign3A_83 : i1 to i32
    %sign3A_85 = arith.subi %sign3A_81, %sign3A_84 : i32
    %sign3A_86 = arith.constant 0 : i32
    %sign3A_87 = arith.cmpi sgt, %jit3A_77, %sign3A_86 : i32
    %sign3A_88 = arith.extui %sign3A_87 : i1 to i32
    %sign3A_89 = arith.constant 0 : i32
    %sign3A_90 = arith.cmpi slt, %jit3A_77, %sign3A_89 : i32
    %sign3A_91 = arith.extui %sign3A_90 : i1 to i32
    %sign3A_92 = arith.subi %sign3A_88, %sign3A_91 : i32
    %ne3A_93 = arith.cmpi ne, %sign3A_85, %sign3A_92 : i32
    %rem3A_94 = arith.remsi %mul3A_76, %jit3A_77 : i32
    %ne3A_95 = arith.constant 0 : i32
    %ne3A_96 = arith.cmpi ne, %rem3A_94, %ne3A_95 : i32
    %and3A_97 = arith.andi %ne3A_93, %ne3A_96 : i1
    %sub3A_98 = arith.constant 1 : i32
    %sub3A_99 = arith.subi %div3A_78, %sub3A_98 : i32
    %select_n3A_100 = arith.select %and3A_97, %sub3A_99, %div3A_78 : i32
    %mul3A_101 = arith.constant 96 : i32
    %mul3A_102 = arith.muli %select_n3A_74, %mul3A_101 : i32
    %dma_start3A = arith.constant 0 : i32
    %dma_start3A_103 = tpu.memref_slice %arg2[%select_n3A, %select_n3A_100, %mul3A_102, %dma_start3A] : memref<3x64x384x384xf32, #tpu.memory_space<hbm>> -> memref<1x1x96x384xf32, #tpu.memory_space<hbm>>
    %dma_start3A_104 = tpu.memref_squeeze %dma_start3A_103 : memref<1x1x96x384xf32, #tpu.memory_space<hbm>> -> memref<96x384xf32, #tpu.memory_space<hbm>>
    %dma_start3A_105 = arith.constant 0 : i32
    %dma_start3A_106 = tpu.memref_slice %arg2[%select_n3A, %select_n3A_100, %mul3A_102, %dma_start3A_105] : memref<3x64x384x384xf32, #tpu.memory_space<hbm>> -> memref<1x1x96x384xf32, #tpu.memory_space<hbm>>
    %dma_start3A_107 = tpu.memref_squeeze %dma_start3A_106 : memref<1x1x96x384xf32, #tpu.memory_space<hbm>> -> memref<96x384xf32, #tpu.memory_space<hbm>>
    tpu.enqueue_dma source(%dma_start3A_107 : memref<96x384xf32, #tpu.memory_space<hbm>>) target(%arg4 : memref<96x384xf32, #tpu.memory_space<vmem>>) target_semaphore(%arg7 : memref<!tpu.dma_semaphore, #tpu.memory_space<semaphore_mem>>)
    %mul3A_108 = arith.constant 12 : i32
    %mul3A_109 = arith.muli %add3A, %mul3A_108 : i32
    %add3A_110 = arith.constant 1 : i32
    %add3A_111 = arith.addi %mul3A_109, %add3A_110 : i32
    %jit3A_112 = arith.constant 64 : i32
    %div3A_113 = arith.divsi %add3A_111, %jit3A_112 : i32
    %sign3A_114 = arith.constant 0 : i32
    %sign3A_115 = arith.cmpi sgt, %add3A_111, %sign3A_114 : i32
    %sign3A_116 = arith.extui %sign3A_115 : i1 to i32
    %sign3A_117 = arith.constant 0 : i32
    %sign3A_118 = arith.cmpi slt, %add3A_111, %sign3A_117 : i32
    %sign3A_119 = arith.extui %sign3A_118 : i1 to i32
    %sign3A_120 = arith.subi %sign3A_116, %sign3A_119 : i32
    %sign3A_121 = arith.constant 0 : i32
    %sign3A_122 = arith.cmpi sgt, %jit3A_112, %sign3A_121 : i32
    %sign3A_123 = arith.extui %sign3A_122 : i1 to i32
    %sign3A_124 = arith.constant 0 : i32
    %sign3A_125 = arith.cmpi slt, %jit3A_112, %sign3A_124 : i32
    %sign3A_126 = arith.extui %sign3A_125 : i1 to i32
    %sign3A_127 = arith.subi %sign3A_123, %sign3A_126 : i32
    %ne3A_128 = arith.cmpi ne, %sign3A_120, %sign3A_127 : i32
    %rem3A_129 = arith.remsi %add3A_111, %jit3A_112 : i32
    %ne3A_130 = arith.constant 0 : i32
    %ne3A_131 = arith.cmpi ne, %rem3A_129, %ne3A_130 : i32
    %and3A_132 = arith.andi %ne3A_128, %ne3A_131 : i1
    %sub3A_133 = arith.constant 1 : i32
    %sub3A_134 = arith.subi %div3A_113, %sub3A_133 : i32
    %select_n3A_135 = arith.select %and3A_132, %sub3A_134, %div3A_113 : i32
    %jit3A_136 = arith.constant 64 : i32
    %eq3A_137 = arith.constant 0 : i32
    %eq3A_138 = arith.cmpi eq, %jit3A_136, %eq3A_137 : i32
    %jit3A_139 = arith.constant 1 : i32
    %select_n3A_140 = arith.select %eq3A_138, %jit3A_139, %jit3A_136 : i32
    %rem3A_141 = arith.remsi %add3A_111, %select_n3A_140 : i32
    %ne3A_142 = arith.constant 0 : i32
    %ne3A_143 = arith.cmpi ne, %rem3A_141, %ne3A_142 : i32
    %lt3A_144 = arith.constant 0 : i32
    %lt3A_145 = arith.cmpi slt, %rem3A_141, %lt3A_144 : i32
    %lt3A_146 = arith.constant 0 : i32
    %lt3A_147 = arith.cmpi slt, %select_n3A_140, %lt3A_146 : i32
    %ne3A_148 = arith.xori %lt3A_145, %lt3A_147 : i1
    %and3A_149 = arith.andi %ne3A_148, %ne3A_143 : i1
    %add3A_150 = arith.addi %rem3A_141, %select_n3A_140 : i32
    %select_n3A_151 = arith.select %and3A_149, %add3A_150, %rem3A_141 : i32
    %jit3A_152 = arith.constant 4 : i32
    %div3A_153 = arith.divsi %select_n3A_151, %jit3A_152 : i32
    %sign3A_154 = arith.constant 0 : i32
    %sign3A_155 = arith.cmpi sgt, %select_n3A_151, %sign3A_154 : i32
    %sign3A_156 = arith.extui %sign3A_155 : i1 to i32
    %sign3A_157 = arith.constant 0 : i32
    %sign3A_158 = arith.cmpi slt, %select_n3A_151, %sign3A_157 : i32
    %sign3A_159 = arith.extui %sign3A_158 : i1 to i32
    %sign3A_160 = arith.subi %sign3A_156, %sign3A_159 : i32
    %sign3A_161 = arith.constant 0 : i32
    %sign3A_162 = arith.cmpi sgt, %jit3A_152, %sign3A_161 : i32
    %sign3A_163 = arith.extui %sign3A_162 : i1 to i32
    %sign3A_164 = arith.constant 0 : i32
    %sign3A_165 = arith.cmpi slt, %jit3A_152, %sign3A_164 : i32
    %sign3A_166 = arith.extui %sign3A_165 : i1 to i32
    %sign3A_167 = arith.subi %sign3A_163, %sign3A_166 : i32
    %ne3A_168 = arith.cmpi ne, %sign3A_160, %sign3A_167 : i32
    %rem3A_169 = arith.remsi %select_n3A_151, %jit3A_152 : i32
    %ne3A_170 = arith.constant 0 : i32
    %ne3A_171 = arith.cmpi ne, %rem3A_169, %ne3A_170 : i32
    %and3A_172 = arith.andi %ne3A_168, %ne3A_171 : i1
    %sub3A_173 = arith.constant 1 : i32
    %sub3A_174 = arith.subi %div3A_153, %sub3A_173 : i32
    %select_n3A_175 = arith.select %and3A_172, %sub3A_174, %div3A_153 : i32
    %jit3A_176 = arith.constant 4 : i32
    %eq3A_177 = arith.constant 0 : i32
    %eq3A_178 = arith.cmpi eq, %jit3A_176, %eq3A_177 : i32
    %jit3A_179 = arith.constant 1 : i32
    %select_n3A_180 = arith.select %eq3A_178, %jit3A_179, %jit3A_176 : i32
    %rem3A_181 = arith.remsi %select_n3A_151, %select_n3A_180 : i32
    %ne3A_182 = arith.constant 0 : i32
    %ne3A_183 = arith.cmpi ne, %rem3A_181, %ne3A_182 : i32
    %lt3A_184 = arith.constant 0 : i32
    %lt3A_185 = arith.cmpi slt, %rem3A_181, %lt3A_184 : i32
    %lt3A_186 = arith.constant 0 : i32
    %lt3A_187 = arith.cmpi slt, %select_n3A_180, %lt3A_186 : i32
    %ne3A_188 = arith.xori %lt3A_185, %lt3A_187 : i1
    %and3A_189 = arith.andi %ne3A_188, %ne3A_183 : i1
    %add3A_190 = arith.addi %rem3A_181, %select_n3A_180 : i32
    %select_n3A_191 = arith.select %and3A_189, %add3A_190, %rem3A_181 : i32
    %mul3A_192 = arith.constant 63 : i32
    %mul3A_193 = arith.muli %select_n3A_175, %mul3A_192 : i32
    %jit3A_194 = arith.constant 15 : i32
    %div3A_195 = arith.divsi %mul3A_193, %jit3A_194 : i32
    %sign3A_196 = arith.constant 0 : i32
    %sign3A_197 = arith.cmpi sgt, %mul3A_193, %sign3A_196 : i32
    %sign3A_198 = arith.extui %sign3A_197 : i1 to i32
    %sign3A_199 = arith.constant 0 : i32
    %sign3A_200 = arith.cmpi slt, %mul3A_193, %sign3A_199 : i32
    %sign3A_201 = arith.extui %sign3A_200 : i1 to i32
    %sign3A_202 = arith.subi %sign3A_198, %sign3A_201 : i32
    %sign3A_203 = arith.constant 0 : i32
    %sign3A_204 = arith.cmpi sgt, %jit3A_194, %sign3A_203 : i32
    %sign3A_205 = arith.extui %sign3A_204 : i1 to i32
    %sign3A_206 = arith.constant 0 : i32
    %sign3A_207 = arith.cmpi slt, %jit3A_194, %sign3A_206 : i32
    %sign3A_208 = arith.extui %sign3A_207 : i1 to i32
    %sign3A_209 = arith.subi %sign3A_205, %sign3A_208 : i32
    %ne3A_210 = arith.cmpi ne, %sign3A_202, %sign3A_209 : i32
    %rem3A_211 = arith.remsi %mul3A_193, %jit3A_194 : i32
    %ne3A_212 = arith.constant 0 : i32
    %ne3A_213 = arith.cmpi ne, %rem3A_211, %ne3A_212 : i32
    %and3A_214 = arith.andi %ne3A_210, %ne3A_213 : i1
    %sub3A_215 = arith.constant 1 : i32
    %sub3A_216 = arith.subi %div3A_195, %sub3A_215 : i32
    %select_n3A_217 = arith.select %and3A_214, %sub3A_216, %div3A_195 : i32
    %mul3A_218 = arith.constant 96 : i32
    %mul3A_219 = arith.muli %select_n3A_191, %mul3A_218 : i32
    %dma_start3A_220 = arith.constant 0 : i32
    %dma_start3A_221 = tpu.memref_slice %arg2[%select_n3A_135, %select_n3A_217, %mul3A_219, %dma_start3A_220] : memref<3x64x384x384xf32, #tpu.memory_space<hbm>> -> memref<1x1x96x384xf32, #tpu.memory_space<hbm>>
    %dma_start3A_222 = tpu.memref_squeeze %dma_start3A_221 : memref<1x1x96x384xf32, #tpu.memory_space<hbm>> -> memref<96x384xf32, #tpu.memory_space<hbm>>
    %dma_start3A_223 = arith.constant 0 : i32
    %dma_start3A_224 = tpu.memref_slice %arg2[%select_n3A_135, %select_n3A_217, %mul3A_219, %dma_start3A_223] : memref<3x64x384x384xf32, #tpu.memory_space<hbm>> -> memref<1x1x96x384xf32, #tpu.memory_space<hbm>>
    %dma_start3A_225 = tpu.memref_squeeze %dma_start3A_224 : memref<1x1x96x384xf32, #tpu.memory_space<hbm>> -> memref<96x384xf32, #tpu.memory_space<hbm>>
    tpu.enqueue_dma source(%dma_start3A_225 : memref<96x384xf32, #tpu.memory_space<hbm>>) target(%arg5 : memref<96x384xf32, #tpu.memory_space<vmem>>) target_semaphore(%arg8 : memref<!tpu.dma_semaphore, #tpu.memory_space<semaphore_mem>>)
    %dma_wait3A = arith.constant 0 : i32
    %dma_wait3A_226 = tpu.memref_slice %arg2[%select_n3A, %select_n3A_100, %mul3A_102, %dma_wait3A] : memref<3x64x384x384xf32, #tpu.memory_space<hbm>> -> memref<1x1x96x384xf32, #tpu.memory_space<hbm>>
    %dma_wait3A_227 = tpu.memref_squeeze %dma_wait3A_226 : memref<1x1x96x384xf32, #tpu.memory_space<hbm>> -> memref<96x384xf32, #tpu.memory_space<hbm>>
    %dma_wait3A_228 = arith.constant 0 : i32
    %dma_wait3A_229 = tpu.memref_slice %arg2[%select_n3A, %select_n3A_100, %mul3A_102, %dma_wait3A_228] : memref<3x64x384x384xf32, #tpu.memory_space<hbm>> -> memref<1x1x96x384xf32, #tpu.memory_space<hbm>>
    %dma_wait3A_230 = tpu.memref_squeeze %dma_wait3A_229 : memref<1x1x96x384xf32, #tpu.memory_space<hbm>> -> memref<96x384xf32, #tpu.memory_space<hbm>>
    tpu.wait_dma2 semaphore(%arg7 : memref<!tpu.dma_semaphore, #tpu.memory_space<semaphore_mem>>) src(%dma_wait3A_230 : memref<96x384xf32, #tpu.memory_space<hbm>>) dst(%arg4 : memref<96x384xf32, #tpu.memory_space<vmem>>)
    %mul3A_231 = arith.constant 12 : i32
    %mul3A_232 = arith.muli %add3A, %mul3A_231 : i32
    %add3A_233 = arith.constant 0 : i32
    %add3A_234 = arith.addi %mul3A_232, %add3A_233 : i32
    %jit3A_235 = arith.constant 64 : i32
    %div3A_236 = arith.divsi %add3A_234, %jit3A_235 : i32
    %sign3A_237 = arith.constant 0 : i32
    %sign3A_238 = arith.cmpi sgt, %add3A_234, %sign3A_237 : i32
    %sign3A_239 = arith.extui %sign3A_238 : i1 to i32
    %sign3A_240 = arith.constant 0 : i32
    %sign3A_241 = arith.cmpi slt, %add3A_234, %sign3A_240 : i32
    %sign3A_242 = arith.extui %sign3A_241 : i1 to i32
    %sign3A_243 = arith.subi %sign3A_239, %sign3A_242 : i32
    %sign3A_244 = arith.constant 0 : i32
    %sign3A_245 = arith.cmpi sgt, %jit3A_235, %sign3A_244 : i32
    %sign3A_246 = arith.extui %sign3A_245 : i1 to i32
    %sign3A_247 = arith.constant 0 : i32
    %sign3A_248 = arith.cmpi slt, %jit3A_235, %sign3A_247 : i32
    %sign3A_249 = arith.extui %sign3A_248 : i1 to i32
    %sign3A_250 = arith.subi %sign3A_246, %sign3A_249 : i32
    %ne3A_251 = arith.cmpi ne, %sign3A_243, %sign3A_250 : i32
    %rem3A_252 = arith.remsi %add3A_234, %jit3A_235 : i32
    %ne3A_253 = arith.constant 0 : i32
    %ne3A_254 = arith.cmpi ne, %rem3A_252, %ne3A_253 : i32
    %and3A_255 = arith.andi %ne3A_251, %ne3A_254 : i1
    %sub3A_256 = arith.constant 1 : i32
    %sub3A_257 = arith.subi %div3A_236, %sub3A_256 : i32
    %select_n3A_258 = arith.select %and3A_255, %sub3A_257, %div3A_236 : i32
    %jit3A_259 = arith.constant 64 : i32
    %eq3A_260 = arith.constant 0 : i32
    %eq3A_261 = arith.cmpi eq, %jit3A_259, %eq3A_260 : i32
    %jit3A_262 = arith.constant 1 : i32
    %select_n3A_263 = arith.select %eq3A_261, %jit3A_262, %jit3A_259 : i32
    %rem3A_264 = arith.remsi %add3A_234, %select_n3A_263 : i32
    %ne3A_265 = arith.constant 0 : i32
    %ne3A_266 = arith.cmpi ne, %rem3A_264, %ne3A_265 : i32
    %lt3A_267 = arith.constant 0 : i32
    %lt3A_268 = arith.cmpi slt, %rem3A_264, %lt3A_267 : i32
    %lt3A_269 = arith.constant 0 : i32
    %lt3A_270 = arith.cmpi slt, %select_n3A_263, %lt3A_269 : i32
    %ne3A_271 = arith.xori %lt3A_268, %lt3A_270 : i1
    %and3A_272 = arith.andi %ne3A_271, %ne3A_266 : i1
    %add3A_273 = arith.addi %rem3A_264, %select_n3A_263 : i32
    %select_n3A_274 = arith.select %and3A_272, %add3A_273, %rem3A_264 : i32
    %jit3A_275 = arith.constant 4 : i32
    %div3A_276 = arith.divsi %select_n3A_274, %jit3A_275 : i32
    %sign3A_277 = arith.constant 0 : i32
    %sign3A_278 = arith.cmpi sgt, %select_n3A_274, %sign3A_277 : i32
    %sign3A_279 = arith.extui %sign3A_278 : i1 to i32
    %sign3A_280 = arith.constant 0 : i32
    %sign3A_281 = arith.cmpi slt, %select_n3A_274, %sign3A_280 : i32
    %sign3A_282 = arith.extui %sign3A_281 : i1 to i32
    %sign3A_283 = arith.subi %sign3A_279, %sign3A_282 : i32
    %sign3A_284 = arith.constant 0 : i32
    %sign3A_285 = arith.cmpi sgt, %jit3A_275, %sign3A_284 : i32
    %sign3A_286 = arith.extui %sign3A_285 : i1 to i32
    %sign3A_287 = arith.constant 0 : i32
    %sign3A_288 = arith.cmpi slt, %jit3A_275, %sign3A_287 : i32
    %sign3A_289 = arith.extui %sign3A_288 : i1 to i32
    %sign3A_290 = arith.subi %sign3A_286, %sign3A_289 : i32
    %ne3A_291 = arith.cmpi ne, %sign3A_283, %sign3A_290 : i32
    %rem3A_292 = arith.remsi %select_n3A_274, %jit3A_275 : i32
    %ne3A_293 = arith.constant 0 : i32
    %ne3A_294 = arith.cmpi ne, %rem3A_292, %ne3A_293 : i32
    %and3A_295 = arith.andi %ne3A_291, %ne3A_294 : i1
    %sub3A_296 = arith.constant 1 : i32
    %sub3A_297 = arith.subi %div3A_276, %sub3A_296 : i32
    %select_n3A_298 = arith.select %and3A_295, %sub3A_297, %div3A_276 : i32
    %jit3A_299 = arith.constant 4 : i32
    %eq3A_300 = arith.constant 0 : i32
    %eq3A_301 = arith.cmpi eq, %jit3A_299, %eq3A_300 : i32
    %jit3A_302 = arith.constant 1 : i32
    %select_n3A_303 = arith.select %eq3A_301, %jit3A_302, %jit3A_299 : i32
    %rem3A_304 = arith.remsi %select_n3A_274, %select_n3A_303 : i32
    %ne3A_305 = arith.constant 0 : i32
    %ne3A_306 = arith.cmpi ne, %rem3A_304, %ne3A_305 : i32
    %lt3A_307 = arith.constant 0 : i32
    %lt3A_308 = arith.cmpi slt, %rem3A_304, %lt3A_307 : i32
    %lt3A_309 = arith.constant 0 : i32
    %lt3A_310 = arith.cmpi slt, %select_n3A_303, %lt3A_309 : i32
    %ne3A_311 = arith.xori %lt3A_308, %lt3A_310 : i1
    %and3A_312 = arith.andi %ne3A_311, %ne3A_306 : i1
    %add3A_313 = arith.addi %rem3A_304, %select_n3A_303 : i32
    %select_n3A_314 = arith.select %and3A_312, %add3A_313, %rem3A_304 : i32
    %mul3A_315 = arith.constant 63 : i32
    %mul3A_316 = arith.muli %select_n3A_298, %mul3A_315 : i32
    %jit3A_317 = arith.constant 15 : i32
    %div3A_318 = arith.divsi %mul3A_316, %jit3A_317 : i32
    %sign3A_319 = arith.constant 0 : i32
    %sign3A_320 = arith.cmpi sgt, %mul3A_316, %sign3A_319 : i32
    %sign3A_321 = arith.extui %sign3A_320 : i1 to i32
    %sign3A_322 = arith.constant 0 : i32
    %sign3A_323 = arith.cmpi slt, %mul3A_316, %sign3A_322 : i32
    %sign3A_324 = arith.extui %sign3A_323 : i1 to i32
    %sign3A_325 = arith.subi %sign3A_321, %sign3A_324 : i32
    %sign3A_326 = arith.constant 0 : i32
    %sign3A_327 = arith.cmpi sgt, %jit3A_317, %sign3A_326 : i32
    %sign3A_328 = arith.extui %sign3A_327 : i1 to i32
    %sign3A_329 = arith.constant 0 : i32
    %sign3A_330 = arith.cmpi slt, %jit3A_317, %sign3A_329 : i32
    %sign3A_331 = arith.extui %sign3A_330 : i1 to i32
    %sign3A_332 = arith.subi %sign3A_328, %sign3A_331 : i32
    %ne3A_333 = arith.cmpi ne, %sign3A_325, %sign3A_332 : i32
    %rem3A_334 = arith.remsi %mul3A_316, %jit3A_317 : i32
    %ne3A_335 = arith.constant 0 : i32
    %ne3A_336 = arith.cmpi ne, %rem3A_334, %ne3A_335 : i32
    %and3A_337 = arith.andi %ne3A_333, %ne3A_336 : i1
    %sub3A_338 = arith.constant 1 : i32
    %sub3A_339 = arith.subi %div3A_318, %sub3A_338 : i32
    %select_n3A_340 = arith.select %and3A_337, %sub3A_339, %div3A_318 : i32
    %mul3A_341 = arith.constant 96 : i32
    %mul3A_342 = arith.muli %select_n3A_314, %mul3A_341 : i32
    %dma_start3A_343 = arith.constant 0 : i32
    %dma_start3A_344 = tpu.memref_slice %arg3[%select_n3A_258, %select_n3A_298, %mul3A_342, %dma_start3A_343] : memref<3x16x384x384xf32, #tpu.memory_space<hbm>> -> memref<1x1x96x384xf32, #tpu.memory_space<hbm>>
    %dma_start3A_345 = tpu.memref_squeeze %dma_start3A_344 : memref<1x1x96x384xf32, #tpu.memory_space<hbm>> -> memref<96x384xf32, #tpu.memory_space<hbm>>
    %dma_start3A_346 = arith.constant 0 : i32
    %dma_start3A_347 = tpu.memref_slice %arg3[%select_n3A_258, %select_n3A_298, %mul3A_342, %dma_start3A_346] : memref<3x16x384x384xf32, #tpu.memory_space<hbm>> -> memref<1x1x96x384xf32, #tpu.memory_space<hbm>>
    %dma_start3A_348 = tpu.memref_squeeze %dma_start3A_347 : memref<1x1x96x384xf32, #tpu.memory_space<hbm>> -> memref<96x384xf32, #tpu.memory_space<hbm>>
    tpu.enqueue_dma source(%arg4 : memref<96x384xf32, #tpu.memory_space<vmem>>) target(%dma_start3A_348 : memref<96x384xf32, #tpu.memory_space<hbm>>) target_semaphore(%arg10 : memref<!tpu.dma_semaphore, #tpu.memory_space<semaphore_mem>>)
    %mul3A_349 = arith.constant 12 : i32
    %mul3A_350 = arith.muli %add3A, %mul3A_349 : i32
    %add3A_351 = arith.constant 2 : i32
    %add3A_352 = arith.addi %mul3A_350, %add3A_351 : i32
    %jit3A_353 = arith.constant 64 : i32
    %div3A_354 = arith.divsi %add3A_352, %jit3A_353 : i32
    %sign3A_355 = arith.constant 0 : i32
    %sign3A_356 = arith.cmpi sgt, %add3A_352, %sign3A_355 : i32
    %sign3A_357 = arith.extui %sign3A_356 : i1 to i32
    %sign3A_358 = arith.constant 0 : i32
    %sign3A_359 = arith.cmpi slt, %add3A_352, %sign3A_358 : i32
    %sign3A_360 = arith.extui %sign3A_359 : i1 to i32
    %sign3A_361 = arith.subi %sign3A_357, %sign3A_360 : i32
    %sign3A_362 = arith.constant 0 : i32
    %sign3A_363 = arith.cmpi sgt, %jit3A_353, %sign3A_362 : i32
    %sign3A_364 = arith.extui %sign3A_363 : i1 to i32
    %sign3A_365 = arith.constant 0 : i32
    %sign3A_366 = arith.cmpi slt, %jit3A_353, %sign3A_365 : i32
    %sign3A_367 = arith.extui %sign3A_366 : i1 to i32
    %sign3A_368 = arith.subi %sign3A_364, %sign3A_367 : i32
    %ne3A_369 = arith.cmpi ne, %sign3A_361, %sign3A_368 : i32
    %rem3A_370 = arith.remsi %add3A_352, %jit3A_353 : i32
    %ne3A_371 = arith.constant 0 : i32
    %ne3A_372 = arith.cmpi ne, %rem3A_370, %ne3A_371 : i32
    %and3A_373 = arith.andi %ne3A_369, %ne3A_372 : i1
    %sub3A_374 = arith.constant 1 : i32
    %sub3A_375 = arith.subi %div3A_354, %sub3A_374 : i32
    %select_n3A_376 = arith.select %and3A_373, %sub3A_375, %div3A_354 : i32
    %jit3A_377 = arith.constant 64 : i32
    %eq3A_378 = arith.constant 0 : i32
    %eq3A_379 = arith.cmpi eq, %jit3A_377, %eq3A_378 : i32
    %jit3A_380 = arith.constant 1 : i32
    %select_n3A_381 = arith.select %eq3A_379, %jit3A_380, %jit3A_377 : i32
    %rem3A_382 = arith.remsi %add3A_352, %select_n3A_381 : i32
    %ne3A_383 = arith.constant 0 : i32
    %ne3A_384 = arith.cmpi ne, %rem3A_382, %ne3A_383 : i32
    %lt3A_385 = arith.constant 0 : i32
    %lt3A_386 = arith.cmpi slt, %rem3A_382, %lt3A_385 : i32
    %lt3A_387 = arith.constant 0 : i32
    %lt3A_388 = arith.cmpi slt, %select_n3A_381, %lt3A_387 : i32
    %ne3A_389 = arith.xori %lt3A_386, %lt3A_388 : i1
    %and3A_390 = arith.andi %ne3A_389, %ne3A_384 : i1
    %add3A_391 = arith.addi %rem3A_382, %select_n3A_381 : i32
    %select_n3A_392 = arith.select %and3A_390, %add3A_391, %rem3A_382 : i32
    %jit3A_393 = arith.constant 4 : i32
    %div3A_394 = arith.divsi %select_n3A_392, %jit3A_393 : i32
    %sign3A_395 = arith.constant 0 : i32
    %sign3A_396 = arith.cmpi sgt, %select_n3A_392, %sign3A_395 : i32
    %sign3A_397 = arith.extui %sign3A_396 : i1 to i32
    %sign3A_398 = arith.constant 0 : i32
    %sign3A_399 = arith.cmpi slt, %select_n3A_392, %sign3A_398 : i32
    %sign3A_400 = arith.extui %sign3A_399 : i1 to i32
    %sign3A_401 = arith.subi %sign3A_397, %sign3A_400 : i32
    %sign3A_402 = arith.constant 0 : i32
    %sign3A_403 = arith.cmpi sgt, %jit3A_393, %sign3A_402 : i32
    %sign3A_404 = arith.extui %sign3A_403 : i1 to i32
    %sign3A_405 = arith.constant 0 : i32
    %sign3A_406 = arith.cmpi slt, %jit3A_393, %sign3A_405 : i32
    %sign3A_407 = arith.extui %sign3A_406 : i1 to i32
    %sign3A_408 = arith.subi %sign3A_404, %sign3A_407 : i32
    %ne3A_409 = arith.cmpi ne, %sign3A_401, %sign3A_408 : i32
    %rem3A_410 = arith.remsi %select_n3A_392, %jit3A_393 : i32
    %ne3A_411 = arith.constant 0 : i32
    %ne3A_412 = arith.cmpi ne, %rem3A_410, %ne3A_411 : i32
    %and3A_413 = arith.andi %ne3A_409, %ne3A_412 : i1
    %sub3A_414 = arith.constant 1 : i32
    %sub3A_415 = arith.subi %div3A_394, %sub3A_414 : i32
    %select_n3A_416 = arith.select %and3A_413, %sub3A_415, %div3A_394 : i32
    %jit3A_417 = arith.constant 4 : i32
    %eq3A_418 = arith.constant 0 : i32
    %eq3A_419 = arith.cmpi eq, %jit3A_417, %eq3A_418 : i32
    %jit3A_420 = arith.constant 1 : i32
    %select_n3A_421 = arith.select %eq3A_419, %jit3A_420, %jit3A_417 : i32
    %rem3A_422 = arith.remsi %select_n3A_392, %select_n3A_421 : i32
    %ne3A_423 = arith.constant 0 : i32
    %ne3A_424 = arith.cmpi ne, %rem3A_422, %ne3A_423 : i32
    %lt3A_425 = arith.constant 0 : i32
    %lt3A_426 = arith.cmpi slt, %rem3A_422, %lt3A_425 : i32
    %lt3A_427 = arith.constant 0 : i32
    %lt3A_428 = arith.cmpi slt, %select_n3A_421, %lt3A_427 : i32
    %ne3A_429 = arith.xori %lt3A_426, %lt3A_428 : i1
    %and3A_430 = arith.andi %ne3A_429, %ne3A_424 : i1
    %add3A_431 = arith.addi %rem3A_422, %select_n3A_421 : i32
    %select_n3A_432 = arith.select %and3A_430, %add3A_431, %rem3A_422 : i32
    %mul3A_433 = arith.constant 63 : i32
    %mul3A_434 = arith.muli %select_n3A_416, %mul3A_433 : i32
    %jit3A_435 = arith.constant 15 : i32
    %div3A_436 = arith.divsi %mul3A_434, %jit3A_435 : i32
    %sign3A_437 = arith.constant 0 : i32
    %sign3A_438 = arith.cmpi sgt, %mul3A_434, %sign3A_437 : i32
    %sign3A_439 = arith.extui %sign3A_438 : i1 to i32
    %sign3A_440 = arith.constant 0 : i32
    %sign3A_441 = arith.cmpi slt, %mul3A_434, %sign3A_440 : i32
    %sign3A_442 = arith.extui %sign3A_441 : i1 to i32
    %sign3A_443 = arith.subi %sign3A_439, %sign3A_442 : i32
    %sign3A_444 = arith.constant 0 : i32
    %sign3A_445 = arith.cmpi sgt, %jit3A_435, %sign3A_444 : i32
    %sign3A_446 = arith.extui %sign3A_445 : i1 to i32
    %sign3A_447 = arith.constant 0 : i32
    %sign3A_448 = arith.cmpi slt, %jit3A_435, %sign3A_447 : i32
    %sign3A_449 = arith.extui %sign3A_448 : i1 to i32
    %sign3A_450 = arith.subi %sign3A_446, %sign3A_449 : i32
    %ne3A_451 = arith.cmpi ne, %sign3A_443, %sign3A_450 : i32
    %rem3A_452 = arith.remsi %mul3A_434, %jit3A_435 : i32
    %ne3A_453 = arith.constant 0 : i32
    %ne3A_454 = arith.cmpi ne, %rem3A_452, %ne3A_453 : i32
    %and3A_455 = arith.andi %ne3A_451, %ne3A_454 : i1
    %sub3A_456 = arith.constant 1 : i32
    %sub3A_457 = arith.subi %div3A_436, %sub3A_456 : i32
    %select_n3A_458 = arith.select %and3A_455, %sub3A_457, %div3A_436 : i32
    %mul3A_459 = arith.constant 96 : i32
    %mul3A_460 = arith.muli %select_n3A_432, %mul3A_459 : i32
    %dma_start3A_461 = arith.constant 0 : i32
    %dma_start3A_462 = tpu.memref_slice %arg2[%select_n3A_376, %select_n3A_458, %mul3A_460, %dma_start3A_461] : memref<3x64x384x384xf32, #tpu.memory_space<hbm>> -> memref<1x1x96x384xf32, #tpu.memory_space<hbm>>
    %dma_start3A_463 = tpu.memref_squeeze %dma_start3A_462 : memref<1x1x96x384xf32, #tpu.memory_space<hbm>> -> memref<96x384xf32, #tpu.memory_space<hbm>>
    %dma_start3A_464 = arith.constant 0 : i32
    %dma_start3A_465 = tpu.memref_slice %arg2[%select_n3A_376, %select_n3A_458, %mul3A_460, %dma_start3A_464] : memref<3x64x384x384xf32, #tpu.memory_space<hbm>> -> memref<1x1x96x384xf32, #tpu.memory_space<hbm>>
    %dma_start3A_466 = tpu.memref_squeeze %dma_start3A_465 : memref<1x1x96x384xf32, #tpu.memory_space<hbm>> -> memref<96x384xf32, #tpu.memory_space<hbm>>
    tpu.enqueue_dma source(%dma_start3A_466 : memref<96x384xf32, #tpu.memory_space<hbm>>) target(%arg6 : memref<96x384xf32, #tpu.memory_space<vmem>>) target_semaphore(%arg9 : memref<!tpu.dma_semaphore, #tpu.memory_space<semaphore_mem>>)
    %dma_wait3A_467 = arith.constant 0 : i32
    %dma_wait3A_468 = tpu.memref_slice %arg2[%select_n3A_135, %select_n3A_217, %mul3A_219, %dma_wait3A_467] : memref<3x64x384x384xf32, #tpu.memory_space<hbm>> -> memref<1x1x96x384xf32, #tpu.memory_space<hbm>>
    %dma_wait3A_469 = tpu.memref_squeeze %dma_wait3A_468 : memref<1x1x96x384xf32, #tpu.memory_space<hbm>> -> memref<96x384xf32, #tpu.memory_space<hbm>>
    %dma_wait3A_470 = arith.constant 0 : i32
    %dma_wait3A_471 = tpu.memref_slice %arg2[%select_n3A_135, %select_n3A_217, %mul3A_219, %dma_wait3A_470] : memref<3x64x384x384xf32, #tpu.memory_space<hbm>> -> memref<1x1x96x384xf32, #tpu.memory_space<hbm>>
    %dma_wait3A_472 = tpu.memref_squeeze %dma_wait3A_471 : memref<1x1x96x384xf32, #tpu.memory_space<hbm>> -> memref<96x384xf32, #tpu.memory_space<hbm>>
    tpu.wait_dma2 semaphore(%arg8 : memref<!tpu.dma_semaphore, #tpu.memory_space<semaphore_mem>>) src(%dma_wait3A_472 : memref<96x384xf32, #tpu.memory_space<hbm>>) dst(%arg5 : memref<96x384xf32, #tpu.memory_space<vmem>>)
    %mul3A_473 = arith.constant 12 : i32
    %mul3A_474 = arith.muli %add3A, %mul3A_473 : i32
    %add3A_475 = arith.constant 1 : i32
    %add3A_476 = arith.addi %mul3A_474, %add3A_475 : i32
    %jit3A_477 = arith.constant 64 : i32
    %div3A_478 = arith.divsi %add3A_476, %jit3A_477 : i32
    %sign3A_479 = arith.constant 0 : i32
    %sign3A_480 = arith.cmpi sgt, %add3A_476, %sign3A_479 : i32
    %sign3A_481 = arith.extui %sign3A_480 : i1 to i32
    %sign3A_482 = arith.constant 0 : i32
    %sign3A_483 = arith.cmpi slt, %add3A_476, %sign3A_482 : i32
    %sign3A_484 = arith.extui %sign3A_483 : i1 to i32
    %sign3A_485 = arith.subi %sign3A_481, %sign3A_484 : i32
    %sign3A_486 = arith.constant 0 : i32
    %sign3A_487 = arith.cmpi sgt, %jit3A_477, %sign3A_486 : i32
    %sign3A_488 = arith.extui %sign3A_487 : i1 to i32
    %sign3A_489 = arith.constant 0 : i32
    %sign3A_490 = arith.cmpi slt, %jit3A_477, %sign3A_489 : i32
    %sign3A_491 = arith.extui %sign3A_490 : i1 to i32
    %sign3A_492 = arith.subi %sign3A_488, %sign3A_491 : i32
    %ne3A_493 = arith.cmpi ne, %sign3A_485, %sign3A_492 : i32
    %rem3A_494 = arith.remsi %add3A_476, %jit3A_477 : i32
    %ne3A_495 = arith.constant 0 : i32
    %ne3A_496 = arith.cmpi ne, %rem3A_494, %ne3A_495 : i32
    %and3A_497 = arith.andi %ne3A_493, %ne3A_496 : i1
    %sub3A_498 = arith.constant 1 : i32
    %sub3A_499 = arith.subi %div3A_478, %sub3A_498 : i32
    %select_n3A_500 = arith.select %and3A_497, %sub3A_499, %div3A_478 : i32
    %jit3A_501 = arith.constant 64 : i32
    %eq3A_502 = arith.constant 0 : i32
    %eq3A_503 = arith.cmpi eq, %jit3A_501, %eq3A_502 : i32
    %jit3A_504 = arith.constant 1 : i32
    %select_n3A_505 = arith.select %eq3A_503, %jit3A_504, %jit3A_501 : i32
    %rem3A_506 = arith.remsi %add3A_476, %select_n3A_505 : i32
    %ne3A_507 = arith.constant 0 : i32
    %ne3A_508 = arith.cmpi ne, %rem3A_506, %ne3A_507 : i32
    %lt3A_509 = arith.constant 0 : i32
    %lt3A_510 = arith.cmpi slt, %rem3A_506, %lt3A_509 : i32
    %lt3A_511 = arith.constant 0 : i32
    %lt3A_512 = arith.cmpi slt, %select_n3A_505, %lt3A_511 : i32
    %ne3A_513 = arith.xori %lt3A_510, %lt3A_512 : i1
    %and3A_514 = arith.andi %ne3A_513, %ne3A_508 : i1
    %add3A_515 = arith.addi %rem3A_506, %select_n3A_505 : i32
    %select_n3A_516 = arith.select %and3A_514, %add3A_515, %rem3A_506 : i32
    %jit3A_517 = arith.constant 4 : i32
    %div3A_518 = arith.divsi %select_n3A_516, %jit3A_517 : i32
    %sign3A_519 = arith.constant 0 : i32
    %sign3A_520 = arith.cmpi sgt, %select_n3A_516, %sign3A_519 : i32
    %sign3A_521 = arith.extui %sign3A_520 : i1 to i32
    %sign3A_522 = arith.constant 0 : i32
    %sign3A_523 = arith.cmpi slt, %select_n3A_516, %sign3A_522 : i32
    %sign3A_524 = arith.extui %sign3A_523 : i1 to i32
    %sign3A_525 = arith.subi %sign3A_521, %sign3A_524 : i32
    %sign3A_526 = arith.constant 0 : i32
    %sign3A_527 = arith.cmpi sgt, %jit3A_517, %sign3A_526 : i32
    %sign3A_528 = arith.extui %sign3A_527 : i1 to i32
    %sign3A_529 = arith.constant 0 : i32
    %sign3A_530 = arith.cmpi slt, %jit3A_517, %sign3A_529 : i32
    %sign3A_531 = arith.extui %sign3A_530 : i1 to i32
    %sign3A_532 = arith.subi %sign3A_528, %sign3A_531 : i32
    %ne3A_533 = arith.cmpi ne, %sign3A_525, %sign3A_532 : i32
    %rem3A_534 = arith.remsi %select_n3A_516, %jit3A_517 : i32
    %ne3A_535 = arith.constant 0 : i32
    %ne3A_536 = arith.cmpi ne, %rem3A_534, %ne3A_535 : i32
    %and3A_537 = arith.andi %ne3A_533, %ne3A_536 : i1
    %sub3A_538 = arith.constant 1 : i32
    %sub3A_539 = arith.subi %div3A_518, %sub3A_538 : i32
    %select_n3A_540 = arith.select %and3A_537, %sub3A_539, %div3A_518 : i32
    %jit3A_541 = arith.constant 4 : i32
    %eq3A_542 = arith.constant 0 : i32
    %eq3A_543 = arith.cmpi eq, %jit3A_541, %eq3A_542 : i32
    %jit3A_544 = arith.constant 1 : i32
    %select_n3A_545 = arith.select %eq3A_543, %jit3A_544, %jit3A_541 : i32
    %rem3A_546 = arith.remsi %select_n3A_516, %select_n3A_545 : i32
    %ne3A_547 = arith.constant 0 : i32
    %ne3A_548 = arith.cmpi ne, %rem3A_546, %ne3A_547 : i32
    %lt3A_549 = arith.constant 0 : i32
    %lt3A_550 = arith.cmpi slt, %rem3A_546, %lt3A_549 : i32
    %lt3A_551 = arith.constant 0 : i32
    %lt3A_552 = arith.cmpi slt, %select_n3A_545, %lt3A_551 : i32
    %ne3A_553 = arith.xori %lt3A_550, %lt3A_552 : i1
    %and3A_554 = arith.andi %ne3A_553, %ne3A_548 : i1
    %add3A_555 = arith.addi %rem3A_546, %select_n3A_545 : i32
    %select_n3A_556 = arith.select %and3A_554, %add3A_555, %rem3A_546 : i32
    %mul3A_557 = arith.constant 63 : i32
    %mul3A_558 = arith.muli %select_n3A_540, %mul3A_557 : i32
    %jit3A_559 = arith.constant 15 : i32
    %div3A_560 = arith.divsi %mul3A_558, %jit3A_559 : i32
    %sign3A_561 = arith.constant 0 : i32
    %sign3A_562 = arith.cmpi sgt, %mul3A_558, %sign3A_561 : i32
    %sign3A_563 = arith.extui %sign3A_562 : i1 to i32
    %sign3A_564 = arith.constant 0 : i32
    %sign3A_565 = arith.cmpi slt, %mul3A_558, %sign3A_564 : i32
    %sign3A_566 = arith.extui %sign3A_565 : i1 to i32
    %sign3A_567 = arith.subi %sign3A_563, %sign3A_566 : i32
    %sign3A_568 = arith.constant 0 : i32
    %sign3A_569 = arith.cmpi sgt, %jit3A_559, %sign3A_568 : i32
    %sign3A_570 = arith.extui %sign3A_569 : i1 to i32
    %sign3A_571 = arith.constant 0 : i32
    %sign3A_572 = arith.cmpi slt, %jit3A_559, %sign3A_571 : i32
    %sign3A_573 = arith.extui %sign3A_572 : i1 to i32
    %sign3A_574 = arith.subi %sign3A_570, %sign3A_573 : i32
    %ne3A_575 = arith.cmpi ne, %sign3A_567, %sign3A_574 : i32
    %rem3A_576 = arith.remsi %mul3A_558, %jit3A_559 : i32
    %ne3A_577 = arith.constant 0 : i32
    %ne3A_578 = arith.cmpi ne, %rem3A_576, %ne3A_577 : i32
    %and3A_579 = arith.andi %ne3A_575, %ne3A_578 : i1
    %sub3A_580 = arith.constant 1 : i32
    %sub3A_581 = arith.subi %div3A_560, %sub3A_580 : i32
    %select_n3A_582 = arith.select %and3A_579, %sub3A_581, %div3A_560 : i32
    %mul3A_583 = arith.constant 96 : i32
    %mul3A_584 = arith.muli %select_n3A_556, %mul3A_583 : i32
    %dma_start3A_585 = arith.constant 0 : i32
    %dma_start3A_586 = tpu.memref_slice %arg3[%select_n3A_500, %select_n3A_540, %mul3A_584, %dma_start3A_585] : memref<3x16x384x384xf32, #tpu.memory_space<hbm>> -> memref<1x1x96x384xf32, #tpu.memory_space<hbm>>
    %dma_start3A_587 = tpu.memref_squeeze %dma_start3A_586 : memref<1x1x96x384xf32, #tpu.memory_space<hbm>> -> memref<96x384xf32, #tpu.memory_space<hbm>>
    %dma_start3A_588 = arith.constant 0 : i32
    %dma_start3A_589 = tpu.memref_slice %arg3[%select_n3A_500, %select_n3A_540, %mul3A_584, %dma_start3A_588] : memref<3x16x384x384xf32, #tpu.memory_space<hbm>> -> memref<1x1x96x384xf32, #tpu.memory_space<hbm>>
    %dma_start3A_590 = tpu.memref_squeeze %dma_start3A_589 : memref<1x1x96x384xf32, #tpu.memory_space<hbm>> -> memref<96x384xf32, #tpu.memory_space<hbm>>
    tpu.enqueue_dma source(%arg5 : memref<96x384xf32, #tpu.memory_space<vmem>>) target(%dma_start3A_590 : memref<96x384xf32, #tpu.memory_space<hbm>>) target_semaphore(%arg11 : memref<!tpu.dma_semaphore, #tpu.memory_space<semaphore_mem>>)
    %mul3A_591 = arith.constant 12 : i32
    %mul3A_592 = arith.muli %add3A, %mul3A_591 : i32
    %add3A_593 = arith.constant 3 : i32
    %add3A_594 = arith.addi %mul3A_592, %add3A_593 : i32
    %jit3A_595 = arith.constant 64 : i32
    %div3A_596 = arith.divsi %add3A_594, %jit3A_595 : i32
    %sign3A_597 = arith.constant 0 : i32
    %sign3A_598 = arith.cmpi sgt, %add3A_594, %sign3A_597 : i32
    %sign3A_599 = arith.extui %sign3A_598 : i1 to i32
    %sign3A_600 = arith.constant 0 : i32
    %sign3A_601 = arith.cmpi slt, %add3A_594, %sign3A_600 : i32
    %sign3A_602 = arith.extui %sign3A_601 : i1 to i32
    %sign3A_603 = arith.subi %sign3A_599, %sign3A_602 : i32
    %sign3A_604 = arith.constant 0 : i32
    %sign3A_605 = arith.cmpi sgt, %jit3A_595, %sign3A_604 : i32
    %sign3A_606 = arith.extui %sign3A_605 : i1 to i32
    %sign3A_607 = arith.constant 0 : i32
    %sign3A_608 = arith.cmpi slt, %jit3A_595, %sign3A_607 : i32
    %sign3A_609 = arith.extui %sign3A_608 : i1 to i32
    %sign3A_610 = arith.subi %sign3A_606, %sign3A_609 : i32
    %ne3A_611 = arith.cmpi ne, %sign3A_603, %sign3A_610 : i32
    %rem3A_612 = arith.remsi %add3A_594, %jit3A_595 : i32
    %ne3A_613 = arith.constant 0 : i32
    %ne3A_614 = arith.cmpi ne, %rem3A_612, %ne3A_613 : i32
    %and3A_615 = arith.andi %ne3A_611, %ne3A_614 : i1
    %sub3A_616 = arith.constant 1 : i32
    %sub3A_617 = arith.subi %div3A_596, %sub3A_616 : i32
    %select_n3A_618 = arith.select %and3A_615, %sub3A_617, %div3A_596 : i32
    %jit3A_619 = arith.constant 64 : i32
    %eq3A_620 = arith.constant 0 : i32
    %eq3A_621 = arith.cmpi eq, %jit3A_619, %eq3A_620 : i32
    %jit3A_622 = arith.constant 1 : i32
    %select_n3A_623 = arith.select %eq3A_621, %jit3A_622, %jit3A_619 : i32
    %rem3A_624 = arith.remsi %add3A_594, %select_n3A_623 : i32
    %ne3A_625 = arith.constant 0 : i32
    %ne3A_626 = arith.cmpi ne, %rem3A_624, %ne3A_625 : i32
    %lt3A_627 = arith.constant 0 : i32
    %lt3A_628 = arith.cmpi slt, %rem3A_624, %lt3A_627 : i32
    %lt3A_629 = arith.constant 0 : i32
    %lt3A_630 = arith.cmpi slt, %select_n3A_623, %lt3A_629 : i32
    %ne3A_631 = arith.xori %lt3A_628, %lt3A_630 : i1
    %and3A_632 = arith.andi %ne3A_631, %ne3A_626 : i1
    %add3A_633 = arith.addi %rem3A_624, %select_n3A_623 : i32
    %select_n3A_634 = arith.select %and3A_632, %add3A_633, %rem3A_624 : i32
    %jit3A_635 = arith.constant 4 : i32
    %div3A_636 = arith.divsi %select_n3A_634, %jit3A_635 : i32
    %sign3A_637 = arith.constant 0 : i32
    %sign3A_638 = arith.cmpi sgt, %select_n3A_634, %sign3A_637 : i32
    %sign3A_639 = arith.extui %sign3A_638 : i1 to i32
    %sign3A_640 = arith.constant 0 : i32
    %sign3A_641 = arith.cmpi slt, %select_n3A_634, %sign3A_640 : i32
    %sign3A_642 = arith.extui %sign3A_641 : i1 to i32
    %sign3A_643 = arith.subi %sign3A_639, %sign3A_642 : i32
    %sign3A_644 = arith.constant 0 : i32
    %sign3A_645 = arith.cmpi sgt, %jit3A_635, %sign3A_644 : i32
    %sign3A_646 = arith.extui %sign3A_645 : i1 to i32
    %sign3A_647 = arith.constant 0 : i32
    %sign3A_648 = arith.cmpi slt, %jit3A_635, %sign3A_647 : i32
    %sign3A_649 = arith.extui %sign3A_648 : i1 to i32
    %sign3A_650 = arith.subi %sign3A_646, %sign3A_649 : i32
    %ne3A_651 = arith.cmpi ne, %sign3A_643, %sign3A_650 : i32
    %rem3A_652 = arith.remsi %select_n3A_634, %jit3A_635 : i32
    %ne3A_653 = arith.constant 0 : i32
    %ne3A_654 = arith.cmpi ne, %rem3A_652, %ne3A_653 : i32
    %and3A_655 = arith.andi %ne3A_651, %ne3A_654 : i1
    %sub3A_656 = arith.constant 1 : i32
    %sub3A_657 = arith.subi %div3A_636, %sub3A_656 : i32
    %select_n3A_658 = arith.select %and3A_655, %sub3A_657, %div3A_636 : i32
    %jit3A_659 = arith.constant 4 : i32
    %eq3A_660 = arith.constant 0 : i32
    %eq3A_661 = arith.cmpi eq, %jit3A_659, %eq3A_660 : i32
    %jit3A_662 = arith.constant 1 : i32
    %select_n3A_663 = arith.select %eq3A_661, %jit3A_662, %jit3A_659 : i32
    %rem3A_664 = arith.remsi %select_n3A_634, %select_n3A_663 : i32
    %ne3A_665 = arith.constant 0 : i32
    %ne3A_666 = arith.cmpi ne, %rem3A_664, %ne3A_665 : i32
    %lt3A_667 = arith.constant 0 : i32
    %lt3A_668 = arith.cmpi slt, %rem3A_664, %lt3A_667 : i32
    %lt3A_669 = arith.constant 0 : i32
    %lt3A_670 = arith.cmpi slt, %select_n3A_663, %lt3A_669 : i32
    %ne3A_671 = arith.xori %lt3A_668, %lt3A_670 : i1
    %and3A_672 = arith.andi %ne3A_671, %ne3A_666 : i1
    %add3A_673 = arith.addi %rem3A_664, %select_n3A_663 : i32
    %select_n3A_674 = arith.select %and3A_672, %add3A_673, %rem3A_664 : i32
    %mul3A_675 = arith.constant 63 : i32
    %mul3A_676 = arith.muli %select_n3A_658, %mul3A_675 : i32
    %jit3A_677 = arith.constant 15 : i32
    %div3A_678 = arith.divsi %mul3A_676, %jit3A_677 : i32
    %sign3A_679 = arith.constant 0 : i32
    %sign3A_680 = arith.cmpi sgt, %mul3A_676, %sign3A_679 : i32
    %sign3A_681 = arith.extui %sign3A_680 : i1 to i32
    %sign3A_682 = arith.constant 0 : i32
    %sign3A_683 = arith.cmpi slt, %mul3A_676, %sign3A_682 : i32
    %sign3A_684 = arith.extui %sign3A_683 : i1 to i32
    %sign3A_685 = arith.subi %sign3A_681, %sign3A_684 : i32
    %sign3A_686 = arith.constant 0 : i32
    %sign3A_687 = arith.cmpi sgt, %jit3A_677, %sign3A_686 : i32
    %sign3A_688 = arith.extui %sign3A_687 : i1 to i32
    %sign3A_689 = arith.constant 0 : i32
    %sign3A_690 = arith.cmpi slt, %jit3A_677, %sign3A_689 : i32
    %sign3A_691 = arith.extui %sign3A_690 : i1 to i32
    %sign3A_692 = arith.subi %sign3A_688, %sign3A_691 : i32
    %ne3A_693 = arith.cmpi ne, %sign3A_685, %sign3A_692 : i32
    %rem3A_694 = arith.remsi %mul3A_676, %jit3A_677 : i32
    %ne3A_695 = arith.constant 0 : i32
    %ne3A_696 = arith.cmpi ne, %rem3A_694, %ne3A_695 : i32
    %and3A_697 = arith.andi %ne3A_693, %ne3A_696 : i1
    %sub3A_698 = arith.constant 1 : i32
    %sub3A_699 = arith.subi %div3A_678, %sub3A_698 : i32
    %select_n3A_700 = arith.select %and3A_697, %sub3A_699, %div3A_678 : i32
    %mul3A_701 = arith.constant 96 : i32
    %mul3A_702 = arith.muli %select_n3A_674, %mul3A_701 : i32
    %dma_wait3A_703 = arith.constant 0 : i32
    %dma_wait3A_704 = tpu.memref_slice %arg3[%select_n3A_258, %select_n3A_298, %mul3A_342, %dma_wait3A_703] : memref<3x16x384x384xf32, #tpu.memory_space<hbm>> -> memref<1x1x96x384xf32, #tpu.memory_space<hbm>>
    %dma_wait3A_705 = tpu.memref_squeeze %dma_wait3A_704 : memref<1x1x96x384xf32, #tpu.memory_space<hbm>> -> memref<96x384xf32, #tpu.memory_space<hbm>>
    %dma_wait3A_706 = arith.constant 0 : i32
    %dma_wait3A_707 = tpu.memref_slice %arg3[%select_n3A_258, %select_n3A_298, %mul3A_342, %dma_wait3A_706] : memref<3x16x384x384xf32, #tpu.memory_space<hbm>> -> memref<1x1x96x384xf32, #tpu.memory_space<hbm>>
    %dma_wait3A_708 = tpu.memref_squeeze %dma_wait3A_707 : memref<1x1x96x384xf32, #tpu.memory_space<hbm>> -> memref<96x384xf32, #tpu.memory_space<hbm>>
    tpu.wait_dma2 semaphore(%arg10 : memref<!tpu.dma_semaphore, #tpu.memory_space<semaphore_mem>>) src(%arg4 : memref<96x384xf32, #tpu.memory_space<vmem>>) dst(%dma_wait3A_708 : memref<96x384xf32, #tpu.memory_space<hbm>>)
    %dma_start3A_709 = arith.constant 0 : i32
    %dma_start3A_710 = tpu.memref_slice %arg2[%select_n3A_618, %select_n3A_700, %mul3A_702, %dma_start3A_709] : memref<3x64x384x384xf32, #tpu.memory_space<hbm>> -> memref<1x1x96x384xf32, #tpu.memory_space<hbm>>
    %dma_start3A_711 = tpu.memref_squeeze %dma_start3A_710 : memref<1x1x96x384xf32, #tpu.memory_space<hbm>> -> memref<96x384xf32, #tpu.memory_space<hbm>>
    %dma_start3A_712 = arith.constant 0 : i32
    %dma_start3A_713 = tpu.memref_slice %arg2[%select_n3A_618, %select_n3A_700, %mul3A_702, %dma_start3A_712] : memref<3x64x384x384xf32, #tpu.memory_space<hbm>> -> memref<1x1x96x384xf32, #tpu.memory_space<hbm>>
    %dma_start3A_714 = tpu.memref_squeeze %dma_start3A_713 : memref<1x1x96x384xf32, #tpu.memory_space<hbm>> -> memref<96x384xf32, #tpu.memory_space<hbm>>
    tpu.enqueue_dma source(%dma_start3A_714 : memref<96x384xf32, #tpu.memory_space<hbm>>) target(%arg4 : memref<96x384xf32, #tpu.memory_space<vmem>>) target_semaphore(%arg7 : memref<!tpu.dma_semaphore, #tpu.memory_space<semaphore_mem>>)
    %dma_wait3A_715 = arith.constant 0 : i32
    %dma_wait3A_716 = tpu.memref_slice %arg2[%select_n3A_376, %select_n3A_458, %mul3A_460, %dma_wait3A_715] : memref<3x64x384x384xf32, #tpu.memory_space<hbm>> -> memref<1x1x96x384xf32, #tpu.memory_space<hbm>>
    %dma_wait3A_717 = tpu.memref_squeeze %dma_wait3A_716 : memref<1x1x96x384xf32, #tpu.memory_space<hbm>> -> memref<96x384xf32, #tpu.memory_space<hbm>>
    %dma_wait3A_718 = arith.constant 0 : i32
    %dma_wait3A_719 = tpu.memref_slice %arg2[%select_n3A_376, %select_n3A_458, %mul3A_460, %dma_wait3A_718] : memref<3x64x384x384xf32, #tpu.memory_space<hbm>> -> memref<1x1x96x384xf32, #tpu.memory_space<hbm>>
    %dma_wait3A_720 = tpu.memref_squeeze %dma_wait3A_719 : memref<1x1x96x384xf32, #tpu.memory_space<hbm>> -> memref<96x384xf32, #tpu.memory_space<hbm>>
    tpu.wait_dma2 semaphore(%arg9 : memref<!tpu.dma_semaphore, #tpu.memory_space<semaphore_mem>>) src(%dma_wait3A_720 : memref<96x384xf32, #tpu.memory_space<hbm>>) dst(%arg6 : memref<96x384xf32, #tpu.memory_space<vmem>>)
    %mul3A_721 = arith.constant 12 : i32
    %mul3A_722 = arith.muli %add3A, %mul3A_721 : i32
    %add3A_723 = arith.constant 2 : i32
    %add3A_724 = arith.addi %mul3A_722, %add3A_723 : i32
    %jit3A_725 = arith.constant 64 : i32
    %div3A_726 = arith.divsi %add3A_724, %jit3A_725 : i32
    %sign3A_727 = arith.constant 0 : i32
    %sign3A_728 = arith.cmpi sgt, %add3A_724, %sign3A_727 : i32
    %sign3A_729 = arith.extui %sign3A_728 : i1 to i32
    %sign3A_730 = arith.constant 0 : i32
    %sign3A_731 = arith.cmpi slt, %add3A_724, %sign3A_730 : i32
    %sign3A_732 = arith.extui %sign3A_731 : i1 to i32
    %sign3A_733 = arith.subi %sign3A_729, %sign3A_732 : i32
    %sign3A_734 = arith.constant 0 : i32
    %sign3A_735 = arith.cmpi sgt, %jit3A_725, %sign3A_734 : i32
    %sign3A_736 = arith.extui %sign3A_735 : i1 to i32
    %sign3A_737 = arith.constant 0 : i32
    %sign3A_738 = arith.cmpi slt, %jit3A_725, %sign3A_737 : i32
    %sign3A_739 = arith.extui %sign3A_738 : i1 to i32
    %sign3A_740 = arith.subi %sign3A_736, %sign3A_739 : i32
    %ne3A_741 = arith.cmpi ne, %sign3A_733, %sign3A_740 : i32
    %rem3A_742 = arith.remsi %add3A_724, %jit3A_725 : i32
    %ne3A_743 = arith.constant 0 : i32
    %ne3A_744 = arith.cmpi ne, %rem3A_742, %ne3A_743 : i32
    %and3A_745 = arith.andi %ne3A_741, %ne3A_744 : i1
    %sub3A_746 = arith.constant 1 : i32
    %sub3A_747 = arith.subi %div3A_726, %sub3A_746 : i32
    %select_n3A_748 = arith.select %and3A_745, %sub3A_747, %div3A_726 : i32
    %jit3A_749 = arith.constant 64 : i32
    %eq3A_750 = arith.constant 0 : i32
    %eq3A_751 = arith.cmpi eq, %jit3A_749, %eq3A_750 : i32
    %jit3A_752 = arith.constant 1 : i32
    %select_n3A_753 = arith.select %eq3A_751, %jit3A_752, %jit3A_749 : i32
    %rem3A_754 = arith.remsi %add3A_724, %select_n3A_753 : i32
    %ne3A_755 = arith.constant 0 : i32
    %ne3A_756 = arith.cmpi ne, %rem3A_754, %ne3A_755 : i32
    %lt3A_757 = arith.constant 0 : i32
    %lt3A_758 = arith.cmpi slt, %rem3A_754, %lt3A_757 : i32
    %lt3A_759 = arith.constant 0 : i32
    %lt3A_760 = arith.cmpi slt, %select_n3A_753, %lt3A_759 : i32
    %ne3A_761 = arith.xori %lt3A_758, %lt3A_760 : i1
    %and3A_762 = arith.andi %ne3A_761, %ne3A_756 : i1
    %add3A_763 = arith.addi %rem3A_754, %select_n3A_753 : i32
    %select_n3A_764 = arith.select %and3A_762, %add3A_763, %rem3A_754 : i32
    %jit3A_765 = arith.constant 4 : i32
    %div3A_766 = arith.divsi %select_n3A_764, %jit3A_765 : i32
    %sign3A_767 = arith.constant 0 : i32
    %sign3A_768 = arith.cmpi sgt, %select_n3A_764, %sign3A_767 : i32
    %sign3A_769 = arith.extui %sign3A_768 : i1 to i32
    %sign3A_770 = arith.constant 0 : i32
    %sign3A_771 = arith.cmpi slt, %select_n3A_764, %sign3A_770 : i32
    %sign3A_772 = arith.extui %sign3A_771 : i1 to i32
    %sign3A_773 = arith.subi %sign3A_769, %sign3A_772 : i32
    %sign3A_774 = arith.constant 0 : i32
    %sign3A_775 = arith.cmpi sgt, %jit3A_765, %sign3A_774 : i32
    %sign3A_776 = arith.extui %sign3A_775 : i1 to i32
    %sign3A_777 = arith.constant 0 : i32
    %sign3A_778 = arith.cmpi slt, %jit3A_765, %sign3A_777 : i32
    %sign3A_779 = arith.extui %sign3A_778 : i1 to i32
    %sign3A_780 = arith.subi %sign3A_776, %sign3A_779 : i32
    %ne3A_781 = arith.cmpi ne, %sign3A_773, %sign3A_780 : i32
    %rem3A_782 = arith.remsi %select_n3A_764, %jit3A_765 : i32
    %ne3A_783 = arith.constant 0 : i32
    %ne3A_784 = arith.cmpi ne, %rem3A_782, %ne3A_783 : i32
    %and3A_785 = arith.andi %ne3A_781, %ne3A_784 : i1
    %sub3A_786 = arith.constant 1 : i32
    %sub3A_787 = arith.subi %div3A_766, %sub3A_786 : i32
    %select_n3A_788 = arith.select %and3A_785, %sub3A_787, %div3A_766 : i32
    %jit3A_789 = arith.constant 4 : i32
    %eq3A_790 = arith.constant 0 : i32
    %eq3A_791 = arith.cmpi eq, %jit3A_789, %eq3A_790 : i32
    %jit3A_792 = arith.constant 1 : i32
    %select_n3A_793 = arith.select %eq3A_791, %jit3A_792, %jit3A_789 : i32
    %rem3A_794 = arith.remsi %select_n3A_764, %select_n3A_793 : i32
    %ne3A_795 = arith.constant 0 : i32
    %ne3A_796 = arith.cmpi ne, %rem3A_794, %ne3A_795 : i32
    %lt3A_797 = arith.constant 0 : i32
    %lt3A_798 = arith.cmpi slt, %rem3A_794, %lt3A_797 : i32
    %lt3A_799 = arith.constant 0 : i32
    %lt3A_800 = arith.cmpi slt, %select_n3A_793, %lt3A_799 : i32
    %ne3A_801 = arith.xori %lt3A_798, %lt3A_800 : i1
    %and3A_802 = arith.andi %ne3A_801, %ne3A_796 : i1
    %add3A_803 = arith.addi %rem3A_794, %select_n3A_793 : i32
    %select_n3A_804 = arith.select %and3A_802, %add3A_803, %rem3A_794 : i32
    %mul3A_805 = arith.constant 63 : i32
    %mul3A_806 = arith.muli %select_n3A_788, %mul3A_805 : i32
    %jit3A_807 = arith.constant 15 : i32
    %div3A_808 = arith.divsi %mul3A_806, %jit3A_807 : i32
    %sign3A_809 = arith.constant 0 : i32
    %sign3A_810 = arith.cmpi sgt, %mul3A_806, %sign3A_809 : i32
    %sign3A_811 = arith.extui %sign3A_810 : i1 to i32
    %sign3A_812 = arith.constant 0 : i32
    %sign3A_813 = arith.cmpi slt, %mul3A_806, %sign3A_812 : i32
    %sign3A_814 = arith.extui %sign3A_813 : i1 to i32
    %sign3A_815 = arith.subi %sign3A_811, %sign3A_814 : i32
    %sign3A_816 = arith.constant 0 : i32
    %sign3A_817 = arith.cmpi sgt, %jit3A_807, %sign3A_816 : i32
    %sign3A_818 = arith.extui %sign3A_817 : i1 to i32
    %sign3A_819 = arith.constant 0 : i32
    %sign3A_820 = arith.cmpi slt, %jit3A_807, %sign3A_819 : i32
    %sign3A_821 = arith.extui %sign3A_820 : i1 to i32
    %sign3A_822 = arith.subi %sign3A_818, %sign3A_821 : i32
    %ne3A_823 = arith.cmpi ne, %sign3A_815, %sign3A_822 : i32
    %rem3A_824 = arith.remsi %mul3A_806, %jit3A_807 : i32
    %ne3A_825 = arith.constant 0 : i32
    %ne3A_826 = arith.cmpi ne, %rem3A_824, %ne3A_825 : i32
    %and3A_827 = arith.andi %ne3A_823, %ne3A_826 : i1
    %sub3A_828 = arith.constant 1 : i32
    %sub3A_829 = arith.subi %div3A_808, %sub3A_828 : i32
    %select_n3A_830 = arith.select %and3A_827, %sub3A_829, %div3A_808 : i32
    %mul3A_831 = arith.constant 96 : i32
    %mul3A_832 = arith.muli %select_n3A_804, %mul3A_831 : i32
    %dma_start3A_833 = arith.constant 0 : i32
    %dma_start3A_834 = tpu.memref_slice %arg3[%select_n3A_748, %select_n3A_788, %mul3A_832, %dma_start3A_833] : memref<3x16x384x384xf32, #tpu.memory_space<hbm>> -> memref<1x1x96x384xf32, #tpu.memory_space<hbm>>
    %dma_start3A_835 = tpu.memref_squeeze %dma_start3A_834 : memref<1x1x96x384xf32, #tpu.memory_space<hbm>> -> memref<96x384xf32, #tpu.memory_space<hbm>>
    %dma_start3A_836 = arith.constant 0 : i32
    %dma_start3A_837 = tpu.memref_slice %arg3[%select_n3A_748, %select_n3A_788, %mul3A_832, %dma_start3A_836] : memref<3x16x384x384xf32, #tpu.memory_space<hbm>> -> memref<1x1x96x384xf32, #tpu.memory_space<hbm>>
    %dma_start3A_838 = tpu.memref_squeeze %dma_start3A_837 : memref<1x1x96x384xf32, #tpu.memory_space<hbm>> -> memref<96x384xf32, #tpu.memory_space<hbm>>
    tpu.enqueue_dma source(%arg6 : memref<96x384xf32, #tpu.memory_space<vmem>>) target(%dma_start3A_838 : memref<96x384xf32, #tpu.memory_space<hbm>>) target_semaphore(%arg12 : memref<!tpu.dma_semaphore, #tpu.memory_space<semaphore_mem>>)
    %mul3A_839 = arith.constant 12 : i32
    %mul3A_840 = arith.muli %add3A, %mul3A_839 : i32
    %add3A_841 = arith.constant 4 : i32
    %add3A_842 = arith.addi %mul3A_840, %add3A_841 : i32
    %jit3A_843 = arith.constant 64 : i32
    %div3A_844 = arith.divsi %add3A_842, %jit3A_843 : i32
    %sign3A_845 = arith.constant 0 : i32
    %sign3A_846 = arith.cmpi sgt, %add3A_842, %sign3A_845 : i32
    %sign3A_847 = arith.extui %sign3A_846 : i1 to i32
    %sign3A_848 = arith.constant 0 : i32
    %sign3A_849 = arith.cmpi slt, %add3A_842, %sign3A_848 : i32
    %sign3A_850 = arith.extui %sign3A_849 : i1 to i32
    %sign3A_851 = arith.subi %sign3A_847, %sign3A_850 : i32
    %sign3A_852 = arith.constant 0 : i32
    %sign3A_853 = arith.cmpi sgt, %jit3A_843, %sign3A_852 : i32
    %sign3A_854 = arith.extui %sign3A_853 : i1 to i32
    %sign3A_855 = arith.constant 0 : i32
    %sign3A_856 = arith.cmpi slt, %jit3A_843, %sign3A_855 : i32
    %sign3A_857 = arith.extui %sign3A_856 : i1 to i32
    %sign3A_858 = arith.subi %sign3A_854, %sign3A_857 : i32
    %ne3A_859 = arith.cmpi ne, %sign3A_851, %sign3A_858 : i32
    %rem3A_860 = arith.remsi %add3A_842, %jit3A_843 : i32
    %ne3A_861 = arith.constant 0 : i32
    %ne3A_862 = arith.cmpi ne, %rem3A_860, %ne3A_861 : i32
    %and3A_863 = arith.andi %ne3A_859, %ne3A_862 : i1
    %sub3A_864 = arith.constant 1 : i32
    %sub3A_865 = arith.subi %div3A_844, %sub3A_864 : i32
    %select_n3A_866 = arith.select %and3A_863, %sub3A_865, %div3A_844 : i32
    %jit3A_867 = arith.constant 64 : i32
    %eq3A_868 = arith.constant 0 : i32
    %eq3A_869 = arith.cmpi eq, %jit3A_867, %eq3A_868 : i32
    %jit3A_870 = arith.constant 1 : i32
    %select_n3A_871 = arith.select %eq3A_869, %jit3A_870, %jit3A_867 : i32
    %rem3A_872 = arith.remsi %add3A_842, %select_n3A_871 : i32
    %ne3A_873 = arith.constant 0 : i32
    %ne3A_874 = arith.cmpi ne, %rem3A_872, %ne3A_873 : i32
    %lt3A_875 = arith.constant 0 : i32
    %lt3A_876 = arith.cmpi slt, %rem3A_872, %lt3A_875 : i32
    %lt3A_877 = arith.constant 0 : i32
    %lt3A_878 = arith.cmpi slt, %select_n3A_871, %lt3A_877 : i32
    %ne3A_879 = arith.xori %lt3A_876, %lt3A_878 : i1
    %and3A_880 = arith.andi %ne3A_879, %ne3A_874 : i1
    %add3A_881 = arith.addi %rem3A_872, %select_n3A_871 : i32
    %select_n3A_882 = arith.select %and3A_880, %add3A_881, %rem3A_872 : i32
    %jit3A_883 = arith.constant 4 : i32
    %div3A_884 = arith.divsi %select_n3A_882, %jit3A_883 : i32
    %sign3A_885 = arith.constant 0 : i32
    %sign3A_886 = arith.cmpi sgt, %select_n3A_882, %sign3A_885 : i32
    %sign3A_887 = arith.extui %sign3A_886 : i1 to i32
    %sign3A_888 = arith.constant 0 : i32
    %sign3A_889 = arith.cmpi slt, %select_n3A_882, %sign3A_888 : i32
    %sign3A_890 = arith.extui %sign3A_889 : i1 to i32
    %sign3A_891 = arith.subi %sign3A_887, %sign3A_890 : i32
    %sign3A_892 = arith.constant 0 : i32
    %sign3A_893 = arith.cmpi sgt, %jit3A_883, %sign3A_892 : i32
    %sign3A_894 = arith.extui %sign3A_893 : i1 to i32
    %sign3A_895 = arith.constant 0 : i32
    %sign3A_896 = arith.cmpi slt, %jit3A_883, %sign3A_895 : i32
    %sign3A_897 = arith.extui %sign3A_896 : i1 to i32
    %sign3A_898 = arith.subi %sign3A_894, %sign3A_897 : i32
    %ne3A_899 = arith.cmpi ne, %sign3A_891, %sign3A_898 : i32
    %rem3A_900 = arith.remsi %select_n3A_882, %jit3A_883 : i32
    %ne3A_901 = arith.constant 0 : i32
    %ne3A_902 = arith.cmpi ne, %rem3A_900, %ne3A_901 : i32
    %and3A_903 = arith.andi %ne3A_899, %ne3A_902 : i1
    %sub3A_904 = arith.constant 1 : i32
    %sub3A_905 = arith.subi %div3A_884, %sub3A_904 : i32
    %select_n3A_906 = arith.select %and3A_903, %sub3A_905, %div3A_884 : i32
    %jit3A_907 = arith.constant 4 : i32
    %eq3A_908 = arith.constant 0 : i32
    %eq3A_909 = arith.cmpi eq, %jit3A_907, %eq3A_908 : i32
    %jit3A_910 = arith.constant 1 : i32
    %select_n3A_911 = arith.select %eq3A_909, %jit3A_910, %jit3A_907 : i32
    %rem3A_912 = arith.remsi %select_n3A_882, %select_n3A_911 : i32
    %ne3A_913 = arith.constant 0 : i32
    %ne3A_914 = arith.cmpi ne, %rem3A_912, %ne3A_913 : i32
    %lt3A_915 = arith.constant 0 : i32
    %lt3A_916 = arith.cmpi slt, %rem3A_912, %lt3A_915 : i32
    %lt3A_917 = arith.constant 0 : i32
    %lt3A_918 = arith.cmpi slt, %select_n3A_911, %lt3A_917 : i32
    %ne3A_919 = arith.xori %lt3A_916, %lt3A_918 : i1
    %and3A_920 = arith.andi %ne3A_919, %ne3A_914 : i1
    %add3A_921 = arith.addi %rem3A_912, %select_n3A_911 : i32
    %select_n3A_922 = arith.select %and3A_920, %add3A_921, %rem3A_912 : i32
    %mul3A_923 = arith.constant 63 : i32
    %mul3A_924 = arith.muli %select_n3A_906, %mul3A_923 : i32
    %jit3A_925 = arith.constant 15 : i32
    %div3A_926 = arith.divsi %mul3A_924, %jit3A_925 : i32
    %sign3A_927 = arith.constant 0 : i32
    %sign3A_928 = arith.cmpi sgt, %mul3A_924, %sign3A_927 : i32
    %sign3A_929 = arith.extui %sign3A_928 : i1 to i32
    %sign3A_930 = arith.constant 0 : i32
    %sign3A_931 = arith.cmpi slt, %mul3A_924, %sign3A_930 : i32
    %sign3A_932 = arith.extui %sign3A_931 : i1 to i32
    %sign3A_933 = arith.subi %sign3A_929, %sign3A_932 : i32
    %sign3A_934 = arith.constant 0 : i32
    %sign3A_935 = arith.cmpi sgt, %jit3A_925, %sign3A_934 : i32
    %sign3A_936 = arith.extui %sign3A_935 : i1 to i32
    %sign3A_937 = arith.constant 0 : i32
    %sign3A_938 = arith.cmpi slt, %jit3A_925, %sign3A_937 : i32
    %sign3A_939 = arith.extui %sign3A_938 : i1 to i32
    %sign3A_940 = arith.subi %sign3A_936, %sign3A_939 : i32
    %ne3A_941 = arith.cmpi ne, %sign3A_933, %sign3A_940 : i32
    %rem3A_942 = arith.remsi %mul3A_924, %jit3A_925 : i32
    %ne3A_943 = arith.constant 0 : i32
    %ne3A_944 = arith.cmpi ne, %rem3A_942, %ne3A_943 : i32
    %and3A_945 = arith.andi %ne3A_941, %ne3A_944 : i1
    %sub3A_946 = arith.constant 1 : i32
    %sub3A_947 = arith.subi %div3A_926, %sub3A_946 : i32
    %select_n3A_948 = arith.select %and3A_945, %sub3A_947, %div3A_926 : i32
    %mul3A_949 = arith.constant 96 : i32
    %mul3A_950 = arith.muli %select_n3A_922, %mul3A_949 : i32
    %dma_wait3A_951 = arith.constant 0 : i32
    %dma_wait3A_952 = tpu.memref_slice %arg3[%select_n3A_500, %select_n3A_540, %mul3A_584, %dma_wait3A_951] : memref<3x16x384x384xf32, #tpu.memory_space<hbm>> -> memref<1x1x96x384xf32, #tpu.memory_space<hbm>>
    %dma_wait3A_953 = tpu.memref_squeeze %dma_wait3A_952 : memref<1x1x96x384xf32, #tpu.memory_space<hbm>> -> memref<96x384xf32, #tpu.memory_space<hbm>>
    %dma_wait3A_954 = arith.constant 0 : i32
    %dma_wait3A_955 = tpu.memref_slice %arg3[%select_n3A_500, %select_n3A_540, %mul3A_584, %dma_wait3A_954] : memref<3x16x384x384xf32, #tpu.memory_space<hbm>> -> memref<1x1x96x384xf32, #tpu.memory_space<hbm>>
    %dma_wait3A_956 = tpu.memref_squeeze %dma_wait3A_955 : memref<1x1x96x384xf32, #tpu.memory_space<hbm>> -> memref<96x384xf32, #tpu.memory_space<hbm>>
    tpu.wait_dma2 semaphore(%arg11 : memref<!tpu.dma_semaphore, #tpu.memory_space<semaphore_mem>>) src(%arg5 : memref<96x384xf32, #tpu.memory_space<vmem>>) dst(%dma_wait3A_956 : memref<96x384xf32, #tpu.memory_space<hbm>>)
    %dma_start3A_957 = arith.constant 0 : i32
    %dma_start3A_958 = tpu.memref_slice %arg2[%select_n3A_866, %select_n3A_948, %mul3A_950, %dma_start3A_957] : memref<3x64x384x384xf32, #tpu.memory_space<hbm>> -> memref<1x1x96x384xf32, #tpu.memory_space<hbm>>
    %dma_start3A_959 = tpu.memref_squeeze %dma_start3A_958 : memref<1x1x96x384xf32, #tpu.memory_space<hbm>> -> memref<96x384xf32, #tpu.memory_space<hbm>>
    %dma_start3A_960 = arith.constant 0 : i32
    %dma_start3A_961 = tpu.memref_slice %arg2[%select_n3A_866, %select_n3A_948, %mul3A_950, %dma_start3A_960] : memref<3x64x384x384xf32, #tpu.memory_space<hbm>> -> memref<1x1x96x384xf32, #tpu.memory_space<hbm>>
    %dma_start3A_962 = tpu.memref_squeeze %dma_start3A_961 : memref<1x1x96x384xf32, #tpu.memory_space<hbm>> -> memref<96x384xf32, #tpu.memory_space<hbm>>
    tpu.enqueue_dma source(%dma_start3A_962 : memref<96x384xf32, #tpu.memory_space<hbm>>) target(%arg5 : memref<96x384xf32, #tpu.memory_space<vmem>>) target_semaphore(%arg8 : memref<!tpu.dma_semaphore, #tpu.memory_space<semaphore_mem>>)
    %dma_wait3A_963 = arith.constant 0 : i32
    %dma_wait3A_964 = tpu.memref_slice %arg2[%select_n3A_618, %select_n3A_700, %mul3A_702, %dma_wait3A_963] : memref<3x64x384x384xf32, #tpu.memory_space<hbm>> -> memref<1x1x96x384xf32, #tpu.memory_space<hbm>>
    %dma_wait3A_965 = tpu.memref_squeeze %dma_wait3A_964 : memref<1x1x96x384xf32, #tpu.memory_space<hbm>> -> memref<96x384xf32, #tpu.memory_space<hbm>>
    %dma_wait3A_966 = arith.constant 0 : i32
    %dma_wait3A_967 = tpu.memref_slice %arg2[%select_n3A_618, %select_n3A_700, %mul3A_702, %dma_wait3A_966] : memref<3x64x384x384xf32, #tpu.memory_space<hbm>> -> memref<1x1x96x384xf32, #tpu.memory_space<hbm>>
    %dma_wait3A_968 = tpu.memref_squeeze %dma_wait3A_967 : memref<1x1x96x384xf32, #tpu.memory_space<hbm>> -> memref<96x384xf32, #tpu.memory_space<hbm>>
    tpu.wait_dma2 semaphore(%arg7 : memref<!tpu.dma_semaphore, #tpu.memory_space<semaphore_mem>>) src(%dma_wait3A_968 : memref<96x384xf32, #tpu.memory_space<hbm>>) dst(%arg4 : memref<96x384xf32, #tpu.memory_space<vmem>>)
    %mul3A_969 = arith.constant 12 : i32
    %mul3A_970 = arith.muli %add3A, %mul3A_969 : i32
    %add3A_971 = arith.constant 3 : i32
    %add3A_972 = arith.addi %mul3A_970, %add3A_971 : i32
    %jit3A_973 = arith.constant 64 : i32
    %div3A_974 = arith.divsi %add3A_972, %jit3A_973 : i32
    %sign3A_975 = arith.constant 0 : i32
    %sign3A_976 = arith.cmpi sgt, %add3A_972, %sign3A_975 : i32
    %sign3A_977 = arith.extui %sign3A_976 : i1 to i32
    %sign3A_978 = arith.constant 0 : i32
    %sign3A_979 = arith.cmpi slt, %add3A_972, %sign3A_978 : i32
    %sign3A_980 = arith.extui %sign3A_979 : i1 to i32
    %sign3A_981 = arith.subi %sign3A_977, %sign3A_980 : i32
    %sign3A_982 = arith.constant 0 : i32
    %sign3A_983 = arith.cmpi sgt, %jit3A_973, %sign3A_982 : i32
    %sign3A_984 = arith.extui %sign3A_983 : i1 to i32
    %sign3A_985 = arith.constant 0 : i32
    %sign3A_986 = arith.cmpi slt, %jit3A_973, %sign3A_985 : i32
    %sign3A_987 = arith.extui %sign3A_986 : i1 to i32
    %sign3A_988 = arith.subi %sign3A_984, %sign3A_987 : i32
    %ne3A_989 = arith.cmpi ne, %sign3A_981, %sign3A_988 : i32
    %rem3A_990 = arith.remsi %add3A_972, %jit3A_973 : i32
    %ne3A_991 = arith.constant 0 : i32
    %ne3A_992 = arith.cmpi ne, %rem3A_990, %ne3A_991 : i32
    %and3A_993 = arith.andi %ne3A_989, %ne3A_992 : i1
    %sub3A_994 = arith.constant 1 : i32
    %sub3A_995 = arith.subi %div3A_974, %sub3A_994 : i32
    %select_n3A_996 = arith.select %and3A_993, %sub3A_995, %div3A_974 : i32
    %jit3A_997 = arith.constant 64 : i32
    %eq3A_998 = arith.constant 0 : i32
    %eq3A_999 = arith.cmpi eq, %jit3A_997, %eq3A_998 : i32
    %jit3A_1000 = arith.constant 1 : i32
    %select_n3A_1001 = arith.select %eq3A_999, %jit3A_1000, %jit3A_997 : i32
    %rem3A_1002 = arith.remsi %add3A_972, %select_n3A_1001 : i32
    %ne3A_1003 = arith.constant 0 : i32
    %ne3A_1004 = arith.cmpi ne, %rem3A_1002, %ne3A_1003 : i32
    %lt3A_1005 = arith.constant 0 : i32
    %lt3A_1006 = arith.cmpi slt, %rem3A_1002, %lt3A_1005 : i32
    %lt3A_1007 = arith.constant 0 : i32
    %lt3A_1008 = arith.cmpi slt, %select_n3A_1001, %lt3A_1007 : i32
    %ne3A_1009 = arith.xori %lt3A_1006, %lt3A_1008 : i1
    %and3A_1010 = arith.andi %ne3A_1009, %ne3A_1004 : i1
    %add3A_1011 = arith.addi %rem3A_1002, %select_n3A_1001 : i32
    %select_n3A_1012 = arith.select %and3A_1010, %add3A_1011, %rem3A_1002 : i32
    %jit3A_1013 = arith.constant 4 : i32
    %div3A_1014 = arith.divsi %select_n3A_1012, %jit3A_1013 : i32
    %sign3A_1015 = arith.constant 0 : i32
    %sign3A_1016 = arith.cmpi sgt, %select_n3A_1012, %sign3A_1015 : i32
    %sign3A_1017 = arith.extui %sign3A_1016 : i1 to i32
    %sign3A_1018 = arith.constant 0 : i32
    %sign3A_1019 = arith.cmpi slt, %select_n3A_1012, %sign3A_1018 : i32
    %sign3A_1020 = arith.extui %sign3A_1019 : i1 to i32
    %sign3A_1021 = arith.subi %sign3A_1017, %sign3A_1020 : i32
    %sign3A_1022 = arith.constant 0 : i32
    %sign3A_1023 = arith.cmpi sgt, %jit3A_1013, %sign3A_1022 : i32
    %sign3A_1024 = arith.extui %sign3A_1023 : i1 to i32
    %sign3A_1025 = arith.constant 0 : i32
    %sign3A_1026 = arith.cmpi slt, %jit3A_1013, %sign3A_1025 : i32
    %sign3A_1027 = arith.extui %sign3A_1026 : i1 to i32
    %sign3A_1028 = arith.subi %sign3A_1024, %sign3A_1027 : i32
    %ne3A_1029 = arith.cmpi ne, %sign3A_1021, %sign3A_1028 : i32
    %rem3A_1030 = arith.remsi %select_n3A_1012, %jit3A_1013 : i32
    %ne3A_1031 = arith.constant 0 : i32
    %ne3A_1032 = arith.cmpi ne, %rem3A_1030, %ne3A_1031 : i32
    %and3A_1033 = arith.andi %ne3A_1029, %ne3A_1032 : i1
    %sub3A_1034 = arith.constant 1 : i32
    %sub3A_1035 = arith.subi %div3A_1014, %sub3A_1034 : i32
    %select_n3A_1036 = arith.select %and3A_1033, %sub3A_1035, %div3A_1014 : i32
    %jit3A_1037 = arith.constant 4 : i32
    %eq3A_1038 = arith.constant 0 : i32
    %eq3A_1039 = arith.cmpi eq, %jit3A_1037, %eq3A_1038 : i32
    %jit3A_1040 = arith.constant 1 : i32
    %select_n3A_1041 = arith.select %eq3A_1039, %jit3A_1040, %jit3A_1037 : i32
    %rem3A_1042 = arith.remsi %select_n3A_1012, %select_n3A_1041 : i32
    %ne3A_1043 = arith.constant 0 : i32
    %ne3A_1044 = arith.cmpi ne, %rem3A_1042, %ne3A_1043 : i32
    %lt3A_1045 = arith.constant 0 : i32
    %lt3A_1046 = arith.cmpi slt, %rem3A_1042, %lt3A_1045 : i32
    %lt3A_1047 = arith.constant 0 : i32
    %lt3A_1048 = arith.cmpi slt, %select_n3A_1041, %lt3A_1047 : i32
    %ne3A_1049 = arith.xori %lt3A_1046, %lt3A_1048 : i1
    %and3A_1050 = arith.andi %ne3A_1049, %ne3A_1044 : i1
    %add3A_1051 = arith.addi %rem3A_1042, %select_n3A_1041 : i32
    %select_n3A_1052 = arith.select %and3A_1050, %add3A_1051, %rem3A_1042 : i32
    %mul3A_1053 = arith.constant 63 : i32
    %mul3A_1054 = arith.muli %select_n3A_1036, %mul3A_1053 : i32
    %jit3A_1055 = arith.constant 15 : i32
    %div3A_1056 = arith.divsi %mul3A_1054, %jit3A_1055 : i32
    %sign3A_1057 = arith.constant 0 : i32
    %sign3A_1058 = arith.cmpi sgt, %mul3A_1054, %sign3A_1057 : i32
    %sign3A_1059 = arith.extui %sign3A_1058 : i1 to i32
    %sign3A_1060 = arith.constant 0 : i32
    %sign3A_1061 = arith.cmpi slt, %mul3A_1054, %sign3A_1060 : i32
    %sign3A_1062 = arith.extui %sign3A_1061 : i1 to i32
    %sign3A_1063 = arith.subi %sign3A_1059, %sign3A_1062 : i32
    %sign3A_1064 = arith.constant 0 : i32
    %sign3A_1065 = arith.cmpi sgt, %jit3A_1055, %sign3A_1064 : i32
    %sign3A_1066 = arith.extui %sign3A_1065 : i1 to i32
    %sign3A_1067 = arith.constant 0 : i32
    %sign3A_1068 = arith.cmpi slt, %jit3A_1055, %sign3A_1067 : i32
    %sign3A_1069 = arith.extui %sign3A_1068 : i1 to i32
    %sign3A_1070 = arith.subi %sign3A_1066, %sign3A_1069 : i32
    %ne3A_1071 = arith.cmpi ne, %sign3A_1063, %sign3A_1070 : i32
    %rem3A_1072 = arith.remsi %mul3A_1054, %jit3A_1055 : i32
    %ne3A_1073 = arith.constant 0 : i32
    %ne3A_1074 = arith.cmpi ne, %rem3A_1072, %ne3A_1073 : i32
    %and3A_1075 = arith.andi %ne3A_1071, %ne3A_1074 : i1
    %sub3A_1076 = arith.constant 1 : i32
    %sub3A_1077 = arith.subi %div3A_1056, %sub3A_1076 : i32
    %select_n3A_1078 = arith.select %and3A_1075, %sub3A_1077, %div3A_1056 : i32
    %mul3A_1079 = arith.constant 96 : i32
    %mul3A_1080 = arith.muli %select_n3A_1052, %mul3A_1079 : i32
    %dma_start3A_1081 = arith.constant 0 : i32
    %dma_start3A_1082 = tpu.memref_slice %arg3[%select_n3A_996, %select_n3A_1036, %mul3A_1080, %dma_start3A_1081] : memref<3x16x384x384xf32, #tpu.memory_space<hbm>> -> memref<1x1x96x384xf32, #tpu.memory_space<hbm>>
    %dma_start3A_1083 = tpu.memref_squeeze %dma_start3A_1082 : memref<1x1x96x384xf32, #tpu.memory_space<hbm>> -> memref<96x384xf32, #tpu.memory_space<hbm>>
    %dma_start3A_1084 = arith.constant 0 : i32
    %dma_start3A_1085 = tpu.memref_slice %arg3[%select_n3A_996, %select_n3A_1036, %mul3A_1080, %dma_start3A_1084] : memref<3x16x384x384xf32, #tpu.memory_space<hbm>> -> memref<1x1x96x384xf32, #tpu.memory_space<hbm>>
    %dma_start3A_1086 = tpu.memref_squeeze %dma_start3A_1085 : memref<1x1x96x384xf32, #tpu.memory_space<hbm>> -> memref<96x384xf32, #tpu.memory_space<hbm>>
    tpu.enqueue_dma source(%arg4 : memref<96x384xf32, #tpu.memory_space<vmem>>) target(%dma_start3A_1086 : memref<96x384xf32, #tpu.memory_space<hbm>>) target_semaphore(%arg10 : memref<!tpu.dma_semaphore, #tpu.memory_space<semaphore_mem>>)
    %mul3A_1087 = arith.constant 12 : i32
    %mul3A_1088 = arith.muli %add3A, %mul3A_1087 : i32
    %add3A_1089 = arith.constant 5 : i32
    %add3A_1090 = arith.addi %mul3A_1088, %add3A_1089 : i32
    %jit3A_1091 = arith.constant 64 : i32
    %div3A_1092 = arith.divsi %add3A_1090, %jit3A_1091 : i32
    %sign3A_1093 = arith.constant 0 : i32
    %sign3A_1094 = arith.cmpi sgt, %add3A_1090, %sign3A_1093 : i32
    %sign3A_1095 = arith.extui %sign3A_1094 : i1 to i32
    %sign3A_1096 = arith.constant 0 : i32
    %sign3A_1097 = arith.cmpi slt, %add3A_1090, %sign3A_1096 : i32
    %sign3A_1098 = arith.extui %sign3A_1097 : i1 to i32
    %sign3A_1099 = arith.subi %sign3A_1095, %sign3A_1098 : i32
    %sign3A_1100 = arith.constant 0 : i32
    %sign3A_1101 = arith.cmpi sgt, %jit3A_1091, %sign3A_1100 : i32
    %sign3A_1102 = arith.extui %sign3A_1101 : i1 to i32
    %sign3A_1103 = arith.constant 0 : i32
    %sign3A_1104 = arith.cmpi slt, %jit3A_1091, %sign3A_1103 : i32
    %sign3A_1105 = arith.extui %sign3A_1104 : i1 to i32
    %sign3A_1106 = arith.subi %sign3A_1102, %sign3A_1105 : i32
    %ne3A_1107 = arith.cmpi ne, %sign3A_1099, %sign3A_1106 : i32
    %rem3A_1108 = arith.remsi %add3A_1090, %jit3A_1091 : i32
    %ne3A_1109 = arith.constant 0 : i32
    %ne3A_1110 = arith.cmpi ne, %rem3A_1108, %ne3A_1109 : i32
    %and3A_1111 = arith.andi %ne3A_1107, %ne3A_1110 : i1
    %sub3A_1112 = arith.constant 1 : i32
    %sub3A_1113 = arith.subi %div3A_1092, %sub3A_1112 : i32
    %select_n3A_1114 = arith.select %and3A_1111, %sub3A_1113, %div3A_1092 : i32
    %jit3A_1115 = arith.constant 64 : i32
    %eq3A_1116 = arith.constant 0 : i32
    %eq3A_1117 = arith.cmpi eq, %jit3A_1115, %eq3A_1116 : i32
    %jit3A_1118 = arith.constant 1 : i32
    %select_n3A_1119 = arith.select %eq3A_1117, %jit3A_1118, %jit3A_1115 : i32
    %rem3A_1120 = arith.remsi %add3A_1090, %select_n3A_1119 : i32
    %ne3A_1121 = arith.constant 0 : i32
    %ne3A_1122 = arith.cmpi ne, %rem3A_1120, %ne3A_1121 : i32
    %lt3A_1123 = arith.constant 0 : i32
    %lt3A_1124 = arith.cmpi slt, %rem3A_1120, %lt3A_1123 : i32
    %lt3A_1125 = arith.constant 0 : i32
    %lt3A_1126 = arith.cmpi slt, %select_n3A_1119, %lt3A_1125 : i32
    %ne3A_1127 = arith.xori %lt3A_1124, %lt3A_1126 : i1
    %and3A_1128 = arith.andi %ne3A_1127, %ne3A_1122 : i1
    %add3A_1129 = arith.addi %rem3A_1120, %select_n3A_1119 : i32
    %select_n3A_1130 = arith.select %and3A_1128, %add3A_1129, %rem3A_1120 : i32
    %jit3A_1131 = arith.constant 4 : i32
    %div3A_1132 = arith.divsi %select_n3A_1130, %jit3A_1131 : i32
    %sign3A_1133 = arith.constant 0 : i32
    %sign3A_1134 = arith.cmpi sgt, %select_n3A_1130, %sign3A_1133 : i32
    %sign3A_1135 = arith.extui %sign3A_1134 : i1 to i32
    %sign3A_1136 = arith.constant 0 : i32
    %sign3A_1137 = arith.cmpi slt, %select_n3A_1130, %sign3A_1136 : i32
    %sign3A_1138 = arith.extui %sign3A_1137 : i1 to i32
    %sign3A_1139 = arith.subi %sign3A_1135, %sign3A_1138 : i32
    %sign3A_1140 = arith.constant 0 : i32
    %sign3A_1141 = arith.cmpi sgt, %jit3A_1131, %sign3A_1140 : i32
    %sign3A_1142 = arith.extui %sign3A_1141 : i1 to i32
    %sign3A_1143 = arith.constant 0 : i32
    %sign3A_1144 = arith.cmpi slt, %jit3A_1131, %sign3A_1143 : i32
    %sign3A_1145 = arith.extui %sign3A_1144 : i1 to i32
    %sign3A_1146 = arith.subi %sign3A_1142, %sign3A_1145 : i32
    %ne3A_1147 = arith.cmpi ne, %sign3A_1139, %sign3A_1146 : i32
    %rem3A_1148 = arith.remsi %select_n3A_1130, %jit3A_1131 : i32
    %ne3A_1149 = arith.constant 0 : i32
    %ne3A_1150 = arith.cmpi ne, %rem3A_1148, %ne3A_1149 : i32
    %and3A_1151 = arith.andi %ne3A_1147, %ne3A_1150 : i1
    %sub3A_1152 = arith.constant 1 : i32
    %sub3A_1153 = arith.subi %div3A_1132, %sub3A_1152 : i32
    %select_n3A_1154 = arith.select %and3A_1151, %sub3A_1153, %div3A_1132 : i32
    %jit3A_1155 = arith.constant 4 : i32
    %eq3A_1156 = arith.constant 0 : i32
    %eq3A_1157 = arith.cmpi eq, %jit3A_1155, %eq3A_1156 : i32
    %jit3A_1158 = arith.constant 1 : i32
    %select_n3A_1159 = arith.select %eq3A_1157, %jit3A_1158, %jit3A_1155 : i32
    %rem3A_1160 = arith.remsi %select_n3A_1130, %select_n3A_1159 : i32
    %ne3A_1161 = arith.constant 0 : i32
    %ne3A_1162 = arith.cmpi ne, %rem3A_1160, %ne3A_1161 : i32
    %lt3A_1163 = arith.constant 0 : i32
    %lt3A_1164 = arith.cmpi slt, %rem3A_1160, %lt3A_1163 : i32
    %lt3A_1165 = arith.constant 0 : i32
    %lt3A_1166 = arith.cmpi slt, %select_n3A_1159, %lt3A_1165 : i32
    %ne3A_1167 = arith.xori %lt3A_1164, %lt3A_1166 : i1
    %and3A_1168 = arith.andi %ne3A_1167, %ne3A_1162 : i1
    %add3A_1169 = arith.addi %rem3A_1160, %select_n3A_1159 : i32
    %select_n3A_1170 = arith.select %and3A_1168, %add3A_1169, %rem3A_1160 : i32
    %mul3A_1171 = arith.constant 63 : i32
    %mul3A_1172 = arith.muli %select_n3A_1154, %mul3A_1171 : i32
    %jit3A_1173 = arith.constant 15 : i32
    %div3A_1174 = arith.divsi %mul3A_1172, %jit3A_1173 : i32
    %sign3A_1175 = arith.constant 0 : i32
    %sign3A_1176 = arith.cmpi sgt, %mul3A_1172, %sign3A_1175 : i32
    %sign3A_1177 = arith.extui %sign3A_1176 : i1 to i32
    %sign3A_1178 = arith.constant 0 : i32
    %sign3A_1179 = arith.cmpi slt, %mul3A_1172, %sign3A_1178 : i32
    %sign3A_1180 = arith.extui %sign3A_1179 : i1 to i32
    %sign3A_1181 = arith.subi %sign3A_1177, %sign3A_1180 : i32
    %sign3A_1182 = arith.constant 0 : i32
    %sign3A_1183 = arith.cmpi sgt, %jit3A_1173, %sign3A_1182 : i32
    %sign3A_1184 = arith.extui %sign3A_1183 : i1 to i32
    %sign3A_1185 = arith.constant 0 : i32
    %sign3A_1186 = arith.cmpi slt, %jit3A_1173, %sign3A_1185 : i32
    %sign3A_1187 = arith.extui %sign3A_1186 : i1 to i32
    %sign3A_1188 = arith.subi %sign3A_1184, %sign3A_1187 : i32
    %ne3A_1189 = arith.cmpi ne, %sign3A_1181, %sign3A_1188 : i32
    %rem3A_1190 = arith.remsi %mul3A_1172, %jit3A_1173 : i32
    %ne3A_1191 = arith.constant 0 : i32
    %ne3A_1192 = arith.cmpi ne, %rem3A_1190, %ne3A_1191 : i32
    %and3A_1193 = arith.andi %ne3A_1189, %ne3A_1192 : i1
    %sub3A_1194 = arith.constant 1 : i32
    %sub3A_1195 = arith.subi %div3A_1174, %sub3A_1194 : i32
    %select_n3A_1196 = arith.select %and3A_1193, %sub3A_1195, %div3A_1174 : i32
    %mul3A_1197 = arith.constant 96 : i32
    %mul3A_1198 = arith.muli %select_n3A_1170, %mul3A_1197 : i32
    %dma_wait3A_1199 = arith.constant 0 : i32
    %dma_wait3A_1200 = tpu.memref_slice %arg3[%select_n3A_748, %select_n3A_788, %mul3A_832, %dma_wait3A_1199] : memref<3x16x384x384xf32, #tpu.memory_space<hbm>> -> memref<1x1x96x384xf32, #tpu.memory_space<hbm>>
    %dma_wait3A_1201 = tpu.memref_squeeze %dma_wait3A_1200 : memref<1x1x96x384xf32, #tpu.memory_space<hbm>> -> memref<96x384xf32, #tpu.memory_space<hbm>>
    %dma_wait3A_1202 = arith.constant 0 : i32
    %dma_wait3A_1203 = tpu.memref_slice %arg3[%select_n3A_748, %select_n3A_788, %mul3A_832, %dma_wait3A_1202] : memref<3x16x384x384xf32, #tpu.memory_space<hbm>> -> memref<1x1x96x384xf32, #tpu.memory_space<hbm>>
    %dma_wait3A_1204 = tpu.memref_squeeze %dma_wait3A_1203 : memref<1x1x96x384xf32, #tpu.memory_space<hbm>> -> memref<96x384xf32, #tpu.memory_space<hbm>>
    tpu.wait_dma2 semaphore(%arg12 : memref<!tpu.dma_semaphore, #tpu.memory_space<semaphore_mem>>) src(%arg6 : memref<96x384xf32, #tpu.memory_space<vmem>>) dst(%dma_wait3A_1204 : memref<96x384xf32, #tpu.memory_space<hbm>>)
    %dma_start3A_1205 = arith.constant 0 : i32
    %dma_start3A_1206 = tpu.memref_slice %arg2[%select_n3A_1114, %select_n3A_1196, %mul3A_1198, %dma_start3A_1205] : memref<3x64x384x384xf32, #tpu.memory_space<hbm>> -> memref<1x1x96x384xf32, #tpu.memory_space<hbm>>
    %dma_start3A_1207 = tpu.memref_squeeze %dma_start3A_1206 : memref<1x1x96x384xf32, #tpu.memory_space<hbm>> -> memref<96x384xf32, #tpu.memory_space<hbm>>
    %dma_start3A_1208 = arith.constant 0 : i32
    %dma_start3A_1209 = tpu.memref_slice %arg2[%select_n3A_1114, %select_n3A_1196, %mul3A_1198, %dma_start3A_1208] : memref<3x64x384x384xf32, #tpu.memory_space<hbm>> -> memref<1x1x96x384xf32, #tpu.memory_space<hbm>>
    %dma_start3A_1210 = tpu.memref_squeeze %dma_start3A_1209 : memref<1x1x96x384xf32, #tpu.memory_space<hbm>> -> memref<96x384xf32, #tpu.memory_space<hbm>>
    tpu.enqueue_dma source(%dma_start3A_1210 : memref<96x384xf32, #tpu.memory_space<hbm>>) target(%arg6 : memref<96x384xf32, #tpu.memory_space<vmem>>) target_semaphore(%arg9 : memref<!tpu.dma_semaphore, #tpu.memory_space<semaphore_mem>>)
    %dma_wait3A_1211 = arith.constant 0 : i32
    %dma_wait3A_1212 = tpu.memref_slice %arg2[%select_n3A_866, %select_n3A_948, %mul3A_950, %dma_wait3A_1211] : memref<3x64x384x384xf32, #tpu.memory_space<hbm>> -> memref<1x1x96x384xf32, #tpu.memory_space<hbm>>
    %dma_wait3A_1213 = tpu.memref_squeeze %dma_wait3A_1212 : memref<1x1x96x384xf32, #tpu.memory_space<hbm>> -> memref<96x384xf32, #tpu.memory_space<hbm>>
    %dma_wait3A_1214 = arith.constant 0 : i32
    %dma_wait3A_1215 = tpu.memref_slice %arg2[%select_n3A_866, %select_n3A_948, %mul3A_950, %dma_wait3A_1214] : memref<3x64x384x384xf32, #tpu.memory_space<hbm>> -> memref<1x1x96x384xf32, #tpu.memory_space<hbm>>
    %dma_wait3A_1216 = tpu.memref_squeeze %dma_wait3A_1215 : memref<1x1x96x384xf32, #tpu.memory_space<hbm>> -> memref<96x384xf32, #tpu.memory_space<hbm>>
    tpu.wait_dma2 semaphore(%arg8 : memref<!tpu.dma_semaphore, #tpu.memory_space<semaphore_mem>>) src(%dma_wait3A_1216 : memref<96x384xf32, #tpu.memory_space<hbm>>) dst(%arg5 : memref<96x384xf32, #tpu.memory_space<vmem>>)
    %mul3A_1217 = arith.constant 12 : i32
    %mul3A_1218 = arith.muli %add3A, %mul3A_1217 : i32
    %add3A_1219 = arith.constant 4 : i32
    %add3A_1220 = arith.addi %mul3A_1218, %add3A_1219 : i32
    %jit3A_1221 = arith.constant 64 : i32
    %div3A_1222 = arith.divsi %add3A_1220, %jit3A_1221 : i32
    %sign3A_1223 = arith.constant 0 : i32
    %sign3A_1224 = arith.cmpi sgt, %add3A_1220, %sign3A_1223 : i32
    %sign3A_1225 = arith.extui %sign3A_1224 : i1 to i32
    %sign3A_1226 = arith.constant 0 : i32
    %sign3A_1227 = arith.cmpi slt, %add3A_1220, %sign3A_1226 : i32
    %sign3A_1228 = arith.extui %sign3A_1227 : i1 to i32
    %sign3A_1229 = arith.subi %sign3A_1225, %sign3A_1228 : i32
    %sign3A_1230 = arith.constant 0 : i32
    %sign3A_1231 = arith.cmpi sgt, %jit3A_1221, %sign3A_1230 : i32
    %sign3A_1232 = arith.extui %sign3A_1231 : i1 to i32
    %sign3A_1233 = arith.constant 0 : i32
    %sign3A_1234 = arith.cmpi slt, %jit3A_1221, %sign3A_1233 : i32
    %sign3A_1235 = arith.extui %sign3A_1234 : i1 to i32
    %sign3A_1236 = arith.subi %sign3A_1232, %sign3A_1235 : i32
    %ne3A_1237 = arith.cmpi ne, %sign3A_1229, %sign3A_1236 : i32
    %rem3A_1238 = arith.remsi %add3A_1220, %jit3A_1221 : i32
    %ne3A_1239 = arith.constant 0 : i32
    %ne3A_1240 = arith.cmpi ne, %rem3A_1238, %ne3A_1239 : i32
    %and3A_1241 = arith.andi %ne3A_1237, %ne3A_1240 : i1
    %sub3A_1242 = arith.constant 1 : i32
    %sub3A_1243 = arith.subi %div3A_1222, %sub3A_1242 : i32
    %select_n3A_1244 = arith.select %and3A_1241, %sub3A_1243, %div3A_1222 : i32
    %jit3A_1245 = arith.constant 64 : i32
    %eq3A_1246 = arith.constant 0 : i32
    %eq3A_1247 = arith.cmpi eq, %jit3A_1245, %eq3A_1246 : i32
    %jit3A_1248 = arith.constant 1 : i32
    %select_n3A_1249 = arith.select %eq3A_1247, %jit3A_1248, %jit3A_1245 : i32
    %rem3A_1250 = arith.remsi %add3A_1220, %select_n3A_1249 : i32
    %ne3A_1251 = arith.constant 0 : i32
    %ne3A_1252 = arith.cmpi ne, %rem3A_1250, %ne3A_1251 : i32
    %lt3A_1253 = arith.constant 0 : i32
    %lt3A_1254 = arith.cmpi slt, %rem3A_1250, %lt3A_1253 : i32
    %lt3A_1255 = arith.constant 0 : i32
    %lt3A_1256 = arith.cmpi slt, %select_n3A_1249, %lt3A_1255 : i32
    %ne3A_1257 = arith.xori %lt3A_1254, %lt3A_1256 : i1
    %and3A_1258 = arith.andi %ne3A_1257, %ne3A_1252 : i1
    %add3A_1259 = arith.addi %rem3A_1250, %select_n3A_1249 : i32
    %select_n3A_1260 = arith.select %and3A_1258, %add3A_1259, %rem3A_1250 : i32
    %jit3A_1261 = arith.constant 4 : i32
    %div3A_1262 = arith.divsi %select_n3A_1260, %jit3A_1261 : i32
    %sign3A_1263 = arith.constant 0 : i32
    %sign3A_1264 = arith.cmpi sgt, %select_n3A_1260, %sign3A_1263 : i32
    %sign3A_1265 = arith.extui %sign3A_1264 : i1 to i32
    %sign3A_1266 = arith.constant 0 : i32
    %sign3A_1267 = arith.cmpi slt, %select_n3A_1260, %sign3A_1266 : i32
    %sign3A_1268 = arith.extui %sign3A_1267 : i1 to i32
    %sign3A_1269 = arith.subi %sign3A_1265, %sign3A_1268 : i32
    %sign3A_1270 = arith.constant 0 : i32
    %sign3A_1271 = arith.cmpi sgt, %jit3A_1261, %sign3A_1270 : i32
    %sign3A_1272 = arith.extui %sign3A_1271 : i1 to i32
    %sign3A_1273 = arith.constant 0 : i32
    %sign3A_1274 = arith.cmpi slt, %jit3A_1261, %sign3A_1273 : i32
    %sign3A_1275 = arith.extui %sign3A_1274 : i1 to i32
    %sign3A_1276 = arith.subi %sign3A_1272, %sign3A_1275 : i32
    %ne3A_1277 = arith.cmpi ne, %sign3A_1269, %sign3A_1276 : i32
    %rem3A_1278 = arith.remsi %select_n3A_1260, %jit3A_1261 : i32
    %ne3A_1279 = arith.constant 0 : i32
    %ne3A_1280 = arith.cmpi ne, %rem3A_1278, %ne3A_1279 : i32
    %and3A_1281 = arith.andi %ne3A_1277, %ne3A_1280 : i1
    %sub3A_1282 = arith.constant 1 : i32
    %sub3A_1283 = arith.subi %div3A_1262, %sub3A_1282 : i32
    %select_n3A_1284 = arith.select %and3A_1281, %sub3A_1283, %div3A_1262 : i32
    %jit3A_1285 = arith.constant 4 : i32
    %eq3A_1286 = arith.constant 0 : i32
    %eq3A_1287 = arith.cmpi eq, %jit3A_1285, %eq3A_1286 : i32
    %jit3A_1288 = arith.constant 1 : i32
    %select_n3A_1289 = arith.select %eq3A_1287, %jit3A_1288, %jit3A_1285 : i32
    %rem3A_1290 = arith.remsi %select_n3A_1260, %select_n3A_1289 : i32
    %ne3A_1291 = arith.constant 0 : i32
    %ne3A_1292 = arith.cmpi ne, %rem3A_1290, %ne3A_1291 : i32
    %lt3A_1293 = arith.constant 0 : i32
    %lt3A_1294 = arith.cmpi slt, %rem3A_1290, %lt3A_1293 : i32
    %lt3A_1295 = arith.constant 0 : i32
    %lt3A_1296 = arith.cmpi slt, %select_n3A_1289, %lt3A_1295 : i32
    %ne3A_1297 = arith.xori %lt3A_1294, %lt3A_1296 : i1
    %and3A_1298 = arith.andi %ne3A_1297, %ne3A_1292 : i1
    %add3A_1299 = arith.addi %rem3A_1290, %select_n3A_1289 : i32
    %select_n3A_1300 = arith.select %and3A_1298, %add3A_1299, %rem3A_1290 : i32
    %mul3A_1301 = arith.constant 63 : i32
    %mul3A_1302 = arith.muli %select_n3A_1284, %mul3A_1301 : i32
    %jit3A_1303 = arith.constant 15 : i32
    %div3A_1304 = arith.divsi %mul3A_1302, %jit3A_1303 : i32
    %sign3A_1305 = arith.constant 0 : i32
    %sign3A_1306 = arith.cmpi sgt, %mul3A_1302, %sign3A_1305 : i32
    %sign3A_1307 = arith.extui %sign3A_1306 : i1 to i32
    %sign3A_1308 = arith.constant 0 : i32
    %sign3A_1309 = arith.cmpi slt, %mul3A_1302, %sign3A_1308 : i32
    %sign3A_1310 = arith.extui %sign3A_1309 : i1 to i32
    %sign3A_1311 = arith.subi %sign3A_1307, %sign3A_1310 : i32
    %sign3A_1312 = arith.constant 0 : i32
    %sign3A_1313 = arith.cmpi sgt, %jit3A_1303, %sign3A_1312 : i32
    %sign3A_1314 = arith.extui %sign3A_1313 : i1 to i32
    %sign3A_1315 = arith.constant 0 : i32
    %sign3A_1316 = arith.cmpi slt, %jit3A_1303, %sign3A_1315 : i32
    %sign3A_1317 = arith.extui %sign3A_1316 : i1 to i32
    %sign3A_1318 = arith.subi %sign3A_1314, %sign3A_1317 : i32
    %ne3A_1319 = arith.cmpi ne, %sign3A_1311, %sign3A_1318 : i32
    %rem3A_1320 = arith.remsi %mul3A_1302, %jit3A_1303 : i32
    %ne3A_1321 = arith.constant 0 : i32
    %ne3A_1322 = arith.cmpi ne, %rem3A_1320, %ne3A_1321 : i32
    %and3A_1323 = arith.andi %ne3A_1319, %ne3A_1322 : i1
    %sub3A_1324 = arith.constant 1 : i32
    %sub3A_1325 = arith.subi %div3A_1304, %sub3A_1324 : i32
    %select_n3A_1326 = arith.select %and3A_1323, %sub3A_1325, %div3A_1304 : i32
    %mul3A_1327 = arith.constant 96 : i32
    %mul3A_1328 = arith.muli %select_n3A_1300, %mul3A_1327 : i32
    %dma_start3A_1329 = arith.constant 0 : i32
    %dma_start3A_1330 = tpu.memref_slice %arg3[%select_n3A_1244, %select_n3A_1284, %mul3A_1328, %dma_start3A_1329] : memref<3x16x384x384xf32, #tpu.memory_space<hbm>> -> memref<1x1x96x384xf32, #tpu.memory_space<hbm>>
    %dma_start3A_1331 = tpu.memref_squeeze %dma_start3A_1330 : memref<1x1x96x384xf32, #tpu.memory_space<hbm>> -> memref<96x384xf32, #tpu.memory_space<hbm>>
    %dma_start3A_1332 = arith.constant 0 : i32
    %dma_start3A_1333 = tpu.memref_slice %arg3[%select_n3A_1244, %select_n3A_1284, %mul3A_1328, %dma_start3A_1332] : memref<3x16x384x384xf32, #tpu.memory_space<hbm>> -> memref<1x1x96x384xf32, #tpu.memory_space<hbm>>
    %dma_start3A_1334 = tpu.memref_squeeze %dma_start3A_1333 : memref<1x1x96x384xf32, #tpu.memory_space<hbm>> -> memref<96x384xf32, #tpu.memory_space<hbm>>
    tpu.enqueue_dma source(%arg5 : memref<96x384xf32, #tpu.memory_space<vmem>>) target(%dma_start3A_1334 : memref<96x384xf32, #tpu.memory_space<hbm>>) target_semaphore(%arg11 : memref<!tpu.dma_semaphore, #tpu.memory_space<semaphore_mem>>)
    %mul3A_1335 = arith.constant 12 : i32
    %mul3A_1336 = arith.muli %add3A, %mul3A_1335 : i32
    %add3A_1337 = arith.constant 6 : i32
    %add3A_1338 = arith.addi %mul3A_1336, %add3A_1337 : i32
    %jit3A_1339 = arith.constant 64 : i32
    %div3A_1340 = arith.divsi %add3A_1338, %jit3A_1339 : i32
    %sign3A_1341 = arith.constant 0 : i32
    %sign3A_1342 = arith.cmpi sgt, %add3A_1338, %sign3A_1341 : i32
    %sign3A_1343 = arith.extui %sign3A_1342 : i1 to i32
    %sign3A_1344 = arith.constant 0 : i32
    %sign3A_1345 = arith.cmpi slt, %add3A_1338, %sign3A_1344 : i32
    %sign3A_1346 = arith.extui %sign3A_1345 : i1 to i32
    %sign3A_1347 = arith.subi %sign3A_1343, %sign3A_1346 : i32
    %sign3A_1348 = arith.constant 0 : i32
    %sign3A_1349 = arith.cmpi sgt, %jit3A_1339, %sign3A_1348 : i32
    %sign3A_1350 = arith.extui %sign3A_1349 : i1 to i32
    %sign3A_1351 = arith.constant 0 : i32
    %sign3A_1352 = arith.cmpi slt, %jit3A_1339, %sign3A_1351 : i32
    %sign3A_1353 = arith.extui %sign3A_1352 : i1 to i32
    %sign3A_1354 = arith.subi %sign3A_1350, %sign3A_1353 : i32
    %ne3A_1355 = arith.cmpi ne, %sign3A_1347, %sign3A_1354 : i32
    %rem3A_1356 = arith.remsi %add3A_1338, %jit3A_1339 : i32
    %ne3A_1357 = arith.constant 0 : i32
    %ne3A_1358 = arith.cmpi ne, %rem3A_1356, %ne3A_1357 : i32
    %and3A_1359 = arith.andi %ne3A_1355, %ne3A_1358 : i1
    %sub3A_1360 = arith.constant 1 : i32
    %sub3A_1361 = arith.subi %div3A_1340, %sub3A_1360 : i32
    %select_n3A_1362 = arith.select %and3A_1359, %sub3A_1361, %div3A_1340 : i32
    %jit3A_1363 = arith.constant 64 : i32
    %eq3A_1364 = arith.constant 0 : i32
    %eq3A_1365 = arith.cmpi eq, %jit3A_1363, %eq3A_1364 : i32
    %jit3A_1366 = arith.constant 1 : i32
    %select_n3A_1367 = arith.select %eq3A_1365, %jit3A_1366, %jit3A_1363 : i32
    %rem3A_1368 = arith.remsi %add3A_1338, %select_n3A_1367 : i32
    %ne3A_1369 = arith.constant 0 : i32
    %ne3A_1370 = arith.cmpi ne, %rem3A_1368, %ne3A_1369 : i32
    %lt3A_1371 = arith.constant 0 : i32
    %lt3A_1372 = arith.cmpi slt, %rem3A_1368, %lt3A_1371 : i32
    %lt3A_1373 = arith.constant 0 : i32
    %lt3A_1374 = arith.cmpi slt, %select_n3A_1367, %lt3A_1373 : i32
    %ne3A_1375 = arith.xori %lt3A_1372, %lt3A_1374 : i1
    %and3A_1376 = arith.andi %ne3A_1375, %ne3A_1370 : i1
    %add3A_1377 = arith.addi %rem3A_1368, %select_n3A_1367 : i32
    %select_n3A_1378 = arith.select %and3A_1376, %add3A_1377, %rem3A_1368 : i32
    %jit3A_1379 = arith.constant 4 : i32
    %div3A_1380 = arith.divsi %select_n3A_1378, %jit3A_1379 : i32
    %sign3A_1381 = arith.constant 0 : i32
    %sign3A_1382 = arith.cmpi sgt, %select_n3A_1378, %sign3A_1381 : i32
    %sign3A_1383 = arith.extui %sign3A_1382 : i1 to i32
    %sign3A_1384 = arith.constant 0 : i32
    %sign3A_1385 = arith.cmpi slt, %select_n3A_1378, %sign3A_1384 : i32
    %sign3A_1386 = arith.extui %sign3A_1385 : i1 to i32
    %sign3A_1387 = arith.subi %sign3A_1383, %sign3A_1386 : i32
    %sign3A_1388 = arith.constant 0 : i32
    %sign3A_1389 = arith.cmpi sgt, %jit3A_1379, %sign3A_1388 : i32
    %sign3A_1390 = arith.extui %sign3A_1389 : i1 to i32
    %sign3A_1391 = arith.constant 0 : i32
    %sign3A_1392 = arith.cmpi slt, %jit3A_1379, %sign3A_1391 : i32
    %sign3A_1393 = arith.extui %sign3A_1392 : i1 to i32
    %sign3A_1394 = arith.subi %sign3A_1390, %sign3A_1393 : i32
    %ne3A_1395 = arith.cmpi ne, %sign3A_1387, %sign3A_1394 : i32
    %rem3A_1396 = arith.remsi %select_n3A_1378, %jit3A_1379 : i32
    %ne3A_1397 = arith.constant 0 : i32
    %ne3A_1398 = arith.cmpi ne, %rem3A_1396, %ne3A_1397 : i32
    %and3A_1399 = arith.andi %ne3A_1395, %ne3A_1398 : i1
    %sub3A_1400 = arith.constant 1 : i32
    %sub3A_1401 = arith.subi %div3A_1380, %sub3A_1400 : i32
    %select_n3A_1402 = arith.select %and3A_1399, %sub3A_1401, %div3A_1380 : i32
    %jit3A_1403 = arith.constant 4 : i32
    %eq3A_1404 = arith.constant 0 : i32
    %eq3A_1405 = arith.cmpi eq, %jit3A_1403, %eq3A_1404 : i32
    %jit3A_1406 = arith.constant 1 : i32
    %select_n3A_1407 = arith.select %eq3A_1405, %jit3A_1406, %jit3A_1403 : i32
    %rem3A_1408 = arith.remsi %select_n3A_1378, %select_n3A_1407 : i32
    %ne3A_1409 = arith.constant 0 : i32
    %ne3A_1410 = arith.cmpi ne, %rem3A_1408, %ne3A_1409 : i32
    %lt3A_1411 = arith.constant 0 : i32
    %lt3A_1412 = arith.cmpi slt, %rem3A_1408, %lt3A_1411 : i32
    %lt3A_1413 = arith.constant 0 : i32
    %lt3A_1414 = arith.cmpi slt, %select_n3A_1407, %lt3A_1413 : i32
    %ne3A_1415 = arith.xori %lt3A_1412, %lt3A_1414 : i1
    %and3A_1416 = arith.andi %ne3A_1415, %ne3A_1410 : i1
    %add3A_1417 = arith.addi %rem3A_1408, %select_n3A_1407 : i32
    %select_n3A_1418 = arith.select %and3A_1416, %add3A_1417, %rem3A_1408 : i32
    %mul3A_1419 = arith.constant 63 : i32
    %mul3A_1420 = arith.muli %select_n3A_1402, %mul3A_1419 : i32
    %jit3A_1421 = arith.constant 15 : i32
    %div3A_1422 = arith.divsi %mul3A_1420, %jit3A_1421 : i32
    %sign3A_1423 = arith.constant 0 : i32
    %sign3A_1424 = arith.cmpi sgt, %mul3A_1420, %sign3A_1423 : i32
    %sign3A_1425 = arith.extui %sign3A_1424 : i1 to i32
    %sign3A_1426 = arith.constant 0 : i32
    %sign3A_1427 = arith.cmpi slt, %mul3A_1420, %sign3A_1426 : i32
    %sign3A_1428 = arith.extui %sign3A_1427 : i1 to i32
    %sign3A_1429 = arith.subi %sign3A_1425, %sign3A_1428 : i32
    %sign3A_1430 = arith.constant 0 : i32
    %sign3A_1431 = arith.cmpi sgt, %jit3A_1421, %sign3A_1430 : i32
    %sign3A_1432 = arith.extui %sign3A_1431 : i1 to i32
    %sign3A_1433 = arith.constant 0 : i32
    %sign3A_1434 = arith.cmpi slt, %jit3A_1421, %sign3A_1433 : i32
    %sign3A_1435 = arith.extui %sign3A_1434 : i1 to i32
    %sign3A_1436 = arith.subi %sign3A_1432, %sign3A_1435 : i32
    %ne3A_1437 = arith.cmpi ne, %sign3A_1429, %sign3A_1436 : i32
    %rem3A_1438 = arith.remsi %mul3A_1420, %jit3A_1421 : i32
    %ne3A_1439 = arith.constant 0 : i32
    %ne3A_1440 = arith.cmpi ne, %rem3A_1438, %ne3A_1439 : i32
    %and3A_1441 = arith.andi %ne3A_1437, %ne3A_1440 : i1
    %sub3A_1442 = arith.constant 1 : i32
    %sub3A_1443 = arith.subi %div3A_1422, %sub3A_1442 : i32
    %select_n3A_1444 = arith.select %and3A_1441, %sub3A_1443, %div3A_1422 : i32
    %mul3A_1445 = arith.constant 96 : i32
    %mul3A_1446 = arith.muli %select_n3A_1418, %mul3A_1445 : i32
    %dma_wait3A_1447 = arith.constant 0 : i32
    %dma_wait3A_1448 = tpu.memref_slice %arg3[%select_n3A_996, %select_n3A_1036, %mul3A_1080, %dma_wait3A_1447] : memref<3x16x384x384xf32, #tpu.memory_space<hbm>> -> memref<1x1x96x384xf32, #tpu.memory_space<hbm>>
    %dma_wait3A_1449 = tpu.memref_squeeze %dma_wait3A_1448 : memref<1x1x96x384xf32, #tpu.memory_space<hbm>> -> memref<96x384xf32, #tpu.memory_space<hbm>>
    %dma_wait3A_1450 = arith.constant 0 : i32
    %dma_wait3A_1451 = tpu.memref_slice %arg3[%select_n3A_996, %select_n3A_1036, %mul3A_1080, %dma_wait3A_1450] : memref<3x16x384x384xf32, #tpu.memory_space<hbm>> -> memref<1x1x96x384xf32, #tpu.memory_space<hbm>>
    %dma_wait3A_1452 = tpu.memref_squeeze %dma_wait3A_1451 : memref<1x1x96x384xf32, #tpu.memory_space<hbm>> -> memref<96x384xf32, #tpu.memory_space<hbm>>
    tpu.wait_dma2 semaphore(%arg10 : memref<!tpu.dma_semaphore, #tpu.memory_space<semaphore_mem>>) src(%arg4 : memref<96x384xf32, #tpu.memory_space<vmem>>) dst(%dma_wait3A_1452 : memref<96x384xf32, #tpu.memory_space<hbm>>)
    %dma_start3A_1453 = arith.constant 0 : i32
    %dma_start3A_1454 = tpu.memref_slice %arg2[%select_n3A_1362, %select_n3A_1444, %mul3A_1446, %dma_start3A_1453] : memref<3x64x384x384xf32, #tpu.memory_space<hbm>> -> memref<1x1x96x384xf32, #tpu.memory_space<hbm>>
    %dma_start3A_1455 = tpu.memref_squeeze %dma_start3A_1454 : memref<1x1x96x384xf32, #tpu.memory_space<hbm>> -> memref<96x384xf32, #tpu.memory_space<hbm>>
    %dma_start3A_1456 = arith.constant 0 : i32
    %dma_start3A_1457 = tpu.memref_slice %arg2[%select_n3A_1362, %select_n3A_1444, %mul3A_1446, %dma_start3A_1456] : memref<3x64x384x384xf32, #tpu.memory_space<hbm>> -> memref<1x1x96x384xf32, #tpu.memory_space<hbm>>
    %dma_start3A_1458 = tpu.memref_squeeze %dma_start3A_1457 : memref<1x1x96x384xf32, #tpu.memory_space<hbm>> -> memref<96x384xf32, #tpu.memory_space<hbm>>
    tpu.enqueue_dma source(%dma_start3A_1458 : memref<96x384xf32, #tpu.memory_space<hbm>>) target(%arg4 : memref<96x384xf32, #tpu.memory_space<vmem>>) target_semaphore(%arg7 : memref<!tpu.dma_semaphore, #tpu.memory_space<semaphore_mem>>)
    %dma_wait3A_1459 = arith.constant 0 : i32
    %dma_wait3A_1460 = tpu.memref_slice %arg2[%select_n3A_1114, %select_n3A_1196, %mul3A_1198, %dma_wait3A_1459] : memref<3x64x384x384xf32, #tpu.memory_space<hbm>> -> memref<1x1x96x384xf32, #tpu.memory_space<hbm>>
    %dma_wait3A_1461 = tpu.memref_squeeze %dma_wait3A_1460 : memref<1x1x96x384xf32, #tpu.memory_space<hbm>> -> memref<96x384xf32, #tpu.memory_space<hbm>>
    %dma_wait3A_1462 = arith.constant 0 : i32
    %dma_wait3A_1463 = tpu.memref_slice %arg2[%select_n3A_1114, %select_n3A_1196, %mul3A_1198, %dma_wait3A_1462] : memref<3x64x384x384xf32, #tpu.memory_space<hbm>> -> memref<1x1x96x384xf32, #tpu.memory_space<hbm>>
    %dma_wait3A_1464 = tpu.memref_squeeze %dma_wait3A_1463 : memref<1x1x96x384xf32, #tpu.memory_space<hbm>> -> memref<96x384xf32, #tpu.memory_space<hbm>>
    tpu.wait_dma2 semaphore(%arg9 : memref<!tpu.dma_semaphore, #tpu.memory_space<semaphore_mem>>) src(%dma_wait3A_1464 : memref<96x384xf32, #tpu.memory_space<hbm>>) dst(%arg6 : memref<96x384xf32, #tpu.memory_space<vmem>>)
    %mul3A_1465 = arith.constant 12 : i32
    %mul3A_1466 = arith.muli %add3A, %mul3A_1465 : i32
    %add3A_1467 = arith.constant 5 : i32
    %add3A_1468 = arith.addi %mul3A_1466, %add3A_1467 : i32
    %jit3A_1469 = arith.constant 64 : i32
    %div3A_1470 = arith.divsi %add3A_1468, %jit3A_1469 : i32
    %sign3A_1471 = arith.constant 0 : i32
    %sign3A_1472 = arith.cmpi sgt, %add3A_1468, %sign3A_1471 : i32
    %sign3A_1473 = arith.extui %sign3A_1472 : i1 to i32
    %sign3A_1474 = arith.constant 0 : i32
    %sign3A_1475 = arith.cmpi slt, %add3A_1468, %sign3A_1474 : i32
    %sign3A_1476 = arith.extui %sign3A_1475 : i1 to i32
    %sign3A_1477 = arith.subi %sign3A_1473, %sign3A_1476 : i32
    %sign3A_1478 = arith.constant 0 : i32
    %sign3A_1479 = arith.cmpi sgt, %jit3A_1469, %sign3A_1478 : i32
    %sign3A_1480 = arith.extui %sign3A_1479 : i1 to i32
    %sign3A_1481 = arith.constant 0 : i32
    %sign3A_1482 = arith.cmpi slt, %jit3A_1469, %sign3A_1481 : i32
    %sign3A_1483 = arith.extui %sign3A_1482 : i1 to i32
    %sign3A_1484 = arith.subi %sign3A_1480, %sign3A_1483 : i32
    %ne3A_1485 = arith.cmpi ne, %sign3A_1477, %sign3A_1484 : i32
    %rem3A_1486 = arith.remsi %add3A_1468, %jit3A_1469 : i32
    %ne3A_1487 = arith.constant 0 : i32
    %ne3A_1488 = arith.cmpi ne, %rem3A_1486, %ne3A_1487 : i32
    %and3A_1489 = arith.andi %ne3A_1485, %ne3A_1488 : i1
    %sub3A_1490 = arith.constant 1 : i32
    %sub3A_1491 = arith.subi %div3A_1470, %sub3A_1490 : i32
    %select_n3A_1492 = arith.select %and3A_1489, %sub3A_1491, %div3A_1470 : i32
    %jit3A_1493 = arith.constant 64 : i32
    %eq3A_1494 = arith.constant 0 : i32
    %eq3A_1495 = arith.cmpi eq, %jit3A_1493, %eq3A_1494 : i32
    %jit3A_1496 = arith.constant 1 : i32
    %select_n3A_1497 = arith.select %eq3A_1495, %jit3A_1496, %jit3A_1493 : i32
    %rem3A_1498 = arith.remsi %add3A_1468, %select_n3A_1497 : i32
    %ne3A_1499 = arith.constant 0 : i32
    %ne3A_1500 = arith.cmpi ne, %rem3A_1498, %ne3A_1499 : i32
    %lt3A_1501 = arith.constant 0 : i32
    %lt3A_1502 = arith.cmpi slt, %rem3A_1498, %lt3A_1501 : i32
    %lt3A_1503 = arith.constant 0 : i32
    %lt3A_1504 = arith.cmpi slt, %select_n3A_1497, %lt3A_1503 : i32
    %ne3A_1505 = arith.xori %lt3A_1502, %lt3A_1504 : i1
    %and3A_1506 = arith.andi %ne3A_1505, %ne3A_1500 : i1
    %add3A_1507 = arith.addi %rem3A_1498, %select_n3A_1497 : i32
    %select_n3A_1508 = arith.select %and3A_1506, %add3A_1507, %rem3A_1498 : i32
    %jit3A_1509 = arith.constant 4 : i32
    %div3A_1510 = arith.divsi %select_n3A_1508, %jit3A_1509 : i32
    %sign3A_1511 = arith.constant 0 : i32
    %sign3A_1512 = arith.cmpi sgt, %select_n3A_1508, %sign3A_1511 : i32
    %sign3A_1513 = arith.extui %sign3A_1512 : i1 to i32
    %sign3A_1514 = arith.constant 0 : i32
    %sign3A_1515 = arith.cmpi slt, %select_n3A_1508, %sign3A_1514 : i32
    %sign3A_1516 = arith.extui %sign3A_1515 : i1 to i32
    %sign3A_1517 = arith.subi %sign3A_1513, %sign3A_1516 : i32
    %sign3A_1518 = arith.constant 0 : i32
    %sign3A_1519 = arith.cmpi sgt, %jit3A_1509, %sign3A_1518 : i32
    %sign3A_1520 = arith.extui %sign3A_1519 : i1 to i32
    %sign3A_1521 = arith.constant 0 : i32
    %sign3A_1522 = arith.cmpi slt, %jit3A_1509, %sign3A_1521 : i32
    %sign3A_1523 = arith.extui %sign3A_1522 : i1 to i32
    %sign3A_1524 = arith.subi %sign3A_1520, %sign3A_1523 : i32
    %ne3A_1525 = arith.cmpi ne, %sign3A_1517, %sign3A_1524 : i32
    %rem3A_1526 = arith.remsi %select_n3A_1508, %jit3A_1509 : i32
    %ne3A_1527 = arith.constant 0 : i32
    %ne3A_1528 = arith.cmpi ne, %rem3A_1526, %ne3A_1527 : i32
    %and3A_1529 = arith.andi %ne3A_1525, %ne3A_1528 : i1
    %sub3A_1530 = arith.constant 1 : i32
    %sub3A_1531 = arith.subi %div3A_1510, %sub3A_1530 : i32
    %select_n3A_1532 = arith.select %and3A_1529, %sub3A_1531, %div3A_1510 : i32
    %jit3A_1533 = arith.constant 4 : i32
    %eq3A_1534 = arith.constant 0 : i32
    %eq3A_1535 = arith.cmpi eq, %jit3A_1533, %eq3A_1534 : i32
    %jit3A_1536 = arith.constant 1 : i32
    %select_n3A_1537 = arith.select %eq3A_1535, %jit3A_1536, %jit3A_1533 : i32
    %rem3A_1538 = arith.remsi %select_n3A_1508, %select_n3A_1537 : i32
    %ne3A_1539 = arith.constant 0 : i32
    %ne3A_1540 = arith.cmpi ne, %rem3A_1538, %ne3A_1539 : i32
    %lt3A_1541 = arith.constant 0 : i32
    %lt3A_1542 = arith.cmpi slt, %rem3A_1538, %lt3A_1541 : i32
    %lt3A_1543 = arith.constant 0 : i32
    %lt3A_1544 = arith.cmpi slt, %select_n3A_1537, %lt3A_1543 : i32
    %ne3A_1545 = arith.xori %lt3A_1542, %lt3A_1544 : i1
    %and3A_1546 = arith.andi %ne3A_1545, %ne3A_1540 : i1
    %add3A_1547 = arith.addi %rem3A_1538, %select_n3A_1537 : i32
    %select_n3A_1548 = arith.select %and3A_1546, %add3A_1547, %rem3A_1538 : i32
    %mul3A_1549 = arith.constant 63 : i32
    %mul3A_1550 = arith.muli %select_n3A_1532, %mul3A_1549 : i32
    %jit3A_1551 = arith.constant 15 : i32
    %div3A_1552 = arith.divsi %mul3A_1550, %jit3A_1551 : i32
    %sign3A_1553 = arith.constant 0 : i32
    %sign3A_1554 = arith.cmpi sgt, %mul3A_1550, %sign3A_1553 : i32
    %sign3A_1555 = arith.extui %sign3A_1554 : i1 to i32
    %sign3A_1556 = arith.constant 0 : i32
    %sign3A_1557 = arith.cmpi slt, %mul3A_1550, %sign3A_1556 : i32
    %sign3A_1558 = arith.extui %sign3A_1557 : i1 to i32
    %sign3A_1559 = arith.subi %sign3A_1555, %sign3A_1558 : i32
    %sign3A_1560 = arith.constant 0 : i32
    %sign3A_1561 = arith.cmpi sgt, %jit3A_1551, %sign3A_1560 : i32
    %sign3A_1562 = arith.extui %sign3A_1561 : i1 to i32
    %sign3A_1563 = arith.constant 0 : i32
    %sign3A_1564 = arith.cmpi slt, %jit3A_1551, %sign3A_1563 : i32
    %sign3A_1565 = arith.extui %sign3A_1564 : i1 to i32
    %sign3A_1566 = arith.subi %sign3A_1562, %sign3A_1565 : i32
    %ne3A_1567 = arith.cmpi ne, %sign3A_1559, %sign3A_1566 : i32
    %rem3A_1568 = arith.remsi %mul3A_1550, %jit3A_1551 : i32
    %ne3A_1569 = arith.constant 0 : i32
    %ne3A_1570 = arith.cmpi ne, %rem3A_1568, %ne3A_1569 : i32
    %and3A_1571 = arith.andi %ne3A_1567, %ne3A_1570 : i1
    %sub3A_1572 = arith.constant 1 : i32
    %sub3A_1573 = arith.subi %div3A_1552, %sub3A_1572 : i32
    %select_n3A_1574 = arith.select %and3A_1571, %sub3A_1573, %div3A_1552 : i32
    %mul3A_1575 = arith.constant 96 : i32
    %mul3A_1576 = arith.muli %select_n3A_1548, %mul3A_1575 : i32
    %dma_start3A_1577 = arith.constant 0 : i32
    %dma_start3A_1578 = tpu.memref_slice %arg3[%select_n3A_1492, %select_n3A_1532, %mul3A_1576, %dma_start3A_1577] : memref<3x16x384x384xf32, #tpu.memory_space<hbm>> -> memref<1x1x96x384xf32, #tpu.memory_space<hbm>>
    %dma_start3A_1579 = tpu.memref_squeeze %dma_start3A_1578 : memref<1x1x96x384xf32, #tpu.memory_space<hbm>> -> memref<96x384xf32, #tpu.memory_space<hbm>>
    %dma_start3A_1580 = arith.constant 0 : i32
    %dma_start3A_1581 = tpu.memref_slice %arg3[%select_n3A_1492, %select_n3A_1532, %mul3A_1576, %dma_start3A_1580] : memref<3x16x384x384xf32, #tpu.memory_space<hbm>> -> memref<1x1x96x384xf32, #tpu.memory_space<hbm>>
    %dma_start3A_1582 = tpu.memref_squeeze %dma_start3A_1581 : memref<1x1x96x384xf32, #tpu.memory_space<hbm>> -> memref<96x384xf32, #tpu.memory_space<hbm>>
    tpu.enqueue_dma source(%arg6 : memref<96x384xf32, #tpu.memory_space<vmem>>) target(%dma_start3A_1582 : memref<96x384xf32, #tpu.memory_space<hbm>>) target_semaphore(%arg12 : memref<!tpu.dma_semaphore, #tpu.memory_space<semaphore_mem>>)
    %mul3A_1583 = arith.constant 12 : i32
    %mul3A_1584 = arith.muli %add3A, %mul3A_1583 : i32
    %add3A_1585 = arith.constant 7 : i32
    %add3A_1586 = arith.addi %mul3A_1584, %add3A_1585 : i32
    %jit3A_1587 = arith.constant 64 : i32
    %div3A_1588 = arith.divsi %add3A_1586, %jit3A_1587 : i32
    %sign3A_1589 = arith.constant 0 : i32
    %sign3A_1590 = arith.cmpi sgt, %add3A_1586, %sign3A_1589 : i32
    %sign3A_1591 = arith.extui %sign3A_1590 : i1 to i32
    %sign3A_1592 = arith.constant 0 : i32
    %sign3A_1593 = arith.cmpi slt, %add3A_1586, %sign3A_1592 : i32
    %sign3A_1594 = arith.extui %sign3A_1593 : i1 to i32
    %sign3A_1595 = arith.subi %sign3A_1591, %sign3A_1594 : i32
    %sign3A_1596 = arith.constant 0 : i32
    %sign3A_1597 = arith.cmpi sgt, %jit3A_1587, %sign3A_1596 : i32
    %sign3A_1598 = arith.extui %sign3A_1597 : i1 to i32
    %sign3A_1599 = arith.constant 0 : i32
    %sign3A_1600 = arith.cmpi slt, %jit3A_1587, %sign3A_1599 : i32
    %sign3A_1601 = arith.extui %sign3A_1600 : i1 to i32
    %sign3A_1602 = arith.subi %sign3A_1598, %sign3A_1601 : i32
    %ne3A_1603 = arith.cmpi ne, %sign3A_1595, %sign3A_1602 : i32
    %rem3A_1604 = arith.remsi %add3A_1586, %jit3A_1587 : i32
    %ne3A_1605 = arith.constant 0 : i32
    %ne3A_1606 = arith.cmpi ne, %rem3A_1604, %ne3A_1605 : i32
    %and3A_1607 = arith.andi %ne3A_1603, %ne3A_1606 : i1
    %sub3A_1608 = arith.constant 1 : i32
    %sub3A_1609 = arith.subi %div3A_1588, %sub3A_1608 : i32
    %select_n3A_1610 = arith.select %and3A_1607, %sub3A_1609, %div3A_1588 : i32
    %jit3A_1611 = arith.constant 64 : i32
    %eq3A_1612 = arith.constant 0 : i32
    %eq3A_1613 = arith.cmpi eq, %jit3A_1611, %eq3A_1612 : i32
    %jit3A_1614 = arith.constant 1 : i32
    %select_n3A_1615 = arith.select %eq3A_1613, %jit3A_1614, %jit3A_1611 : i32
    %rem3A_1616 = arith.remsi %add3A_1586, %select_n3A_1615 : i32
    %ne3A_1617 = arith.constant 0 : i32
    %ne3A_1618 = arith.cmpi ne, %rem3A_1616, %ne3A_1617 : i32
    %lt3A_1619 = arith.constant 0 : i32
    %lt3A_1620 = arith.cmpi slt, %rem3A_1616, %lt3A_1619 : i32
    %lt3A_1621 = arith.constant 0 : i32
    %lt3A_1622 = arith.cmpi slt, %select_n3A_1615, %lt3A_1621 : i32
    %ne3A_1623 = arith.xori %lt3A_1620, %lt3A_1622 : i1
    %and3A_1624 = arith.andi %ne3A_1623, %ne3A_1618 : i1
    %add3A_1625 = arith.addi %rem3A_1616, %select_n3A_1615 : i32
    %select_n3A_1626 = arith.select %and3A_1624, %add3A_1625, %rem3A_1616 : i32
    %jit3A_1627 = arith.constant 4 : i32
    %div3A_1628 = arith.divsi %select_n3A_1626, %jit3A_1627 : i32
    %sign3A_1629 = arith.constant 0 : i32
    %sign3A_1630 = arith.cmpi sgt, %select_n3A_1626, %sign3A_1629 : i32
    %sign3A_1631 = arith.extui %sign3A_1630 : i1 to i32
    %sign3A_1632 = arith.constant 0 : i32
    %sign3A_1633 = arith.cmpi slt, %select_n3A_1626, %sign3A_1632 : i32
    %sign3A_1634 = arith.extui %sign3A_1633 : i1 to i32
    %sign3A_1635 = arith.subi %sign3A_1631, %sign3A_1634 : i32
    %sign3A_1636 = arith.constant 0 : i32
    %sign3A_1637 = arith.cmpi sgt, %jit3A_1627, %sign3A_1636 : i32
    %sign3A_1638 = arith.extui %sign3A_1637 : i1 to i32
    %sign3A_1639 = arith.constant 0 : i32
    %sign3A_1640 = arith.cmpi slt, %jit3A_1627, %sign3A_1639 : i32
    %sign3A_1641 = arith.extui %sign3A_1640 : i1 to i32
    %sign3A_1642 = arith.subi %sign3A_1638, %sign3A_1641 : i32
    %ne3A_1643 = arith.cmpi ne, %sign3A_1635, %sign3A_1642 : i32
    %rem3A_1644 = arith.remsi %select_n3A_1626, %jit3A_1627 : i32
    %ne3A_1645 = arith.constant 0 : i32
    %ne3A_1646 = arith.cmpi ne, %rem3A_1644, %ne3A_1645 : i32
    %and3A_1647 = arith.andi %ne3A_1643, %ne3A_1646 : i1
    %sub3A_1648 = arith.constant 1 : i32
    %sub3A_1649 = arith.subi %div3A_1628, %sub3A_1648 : i32
    %select_n3A_1650 = arith.select %and3A_1647, %sub3A_1649, %div3A_1628 : i32
    %jit3A_1651 = arith.constant 4 : i32
    %eq3A_1652 = arith.constant 0 : i32
    %eq3A_1653 = arith.cmpi eq, %jit3A_1651, %eq3A_1652 : i32
    %jit3A_1654 = arith.constant 1 : i32
    %select_n3A_1655 = arith.select %eq3A_1653, %jit3A_1654, %jit3A_1651 : i32
    %rem3A_1656 = arith.remsi %select_n3A_1626, %select_n3A_1655 : i32
    %ne3A_1657 = arith.constant 0 : i32
    %ne3A_1658 = arith.cmpi ne, %rem3A_1656, %ne3A_1657 : i32
    %lt3A_1659 = arith.constant 0 : i32
    %lt3A_1660 = arith.cmpi slt, %rem3A_1656, %lt3A_1659 : i32
    %lt3A_1661 = arith.constant 0 : i32
    %lt3A_1662 = arith.cmpi slt, %select_n3A_1655, %lt3A_1661 : i32
    %ne3A_1663 = arith.xori %lt3A_1660, %lt3A_1662 : i1
    %and3A_1664 = arith.andi %ne3A_1663, %ne3A_1658 : i1
    %add3A_1665 = arith.addi %rem3A_1656, %select_n3A_1655 : i32
    %select_n3A_1666 = arith.select %and3A_1664, %add3A_1665, %rem3A_1656 : i32
    %mul3A_1667 = arith.constant 63 : i32
    %mul3A_1668 = arith.muli %select_n3A_1650, %mul3A_1667 : i32
    %jit3A_1669 = arith.constant 15 : i32
    %div3A_1670 = arith.divsi %mul3A_1668, %jit3A_1669 : i32
    %sign3A_1671 = arith.constant 0 : i32
    %sign3A_1672 = arith.cmpi sgt, %mul3A_1668, %sign3A_1671 : i32
    %sign3A_1673 = arith.extui %sign3A_1672 : i1 to i32
    %sign3A_1674 = arith.constant 0 : i32
    %sign3A_1675 = arith.cmpi slt, %mul3A_1668, %sign3A_1674 : i32
    %sign3A_1676 = arith.extui %sign3A_1675 : i1 to i32
    %sign3A_1677 = arith.subi %sign3A_1673, %sign3A_1676 : i32
    %sign3A_1678 = arith.constant 0 : i32
    %sign3A_1679 = arith.cmpi sgt, %jit3A_1669, %sign3A_1678 : i32
    %sign3A_1680 = arith.extui %sign3A_1679 : i1 to i32
    %sign3A_1681 = arith.constant 0 : i32
    %sign3A_1682 = arith.cmpi slt, %jit3A_1669, %sign3A_1681 : i32
    %sign3A_1683 = arith.extui %sign3A_1682 : i1 to i32
    %sign3A_1684 = arith.subi %sign3A_1680, %sign3A_1683 : i32
    %ne3A_1685 = arith.cmpi ne, %sign3A_1677, %sign3A_1684 : i32
    %rem3A_1686 = arith.remsi %mul3A_1668, %jit3A_1669 : i32
    %ne3A_1687 = arith.constant 0 : i32
    %ne3A_1688 = arith.cmpi ne, %rem3A_1686, %ne3A_1687 : i32
    %and3A_1689 = arith.andi %ne3A_1685, %ne3A_1688 : i1
    %sub3A_1690 = arith.constant 1 : i32
    %sub3A_1691 = arith.subi %div3A_1670, %sub3A_1690 : i32
    %select_n3A_1692 = arith.select %and3A_1689, %sub3A_1691, %div3A_1670 : i32
    %mul3A_1693 = arith.constant 96 : i32
    %mul3A_1694 = arith.muli %select_n3A_1666, %mul3A_1693 : i32
    %dma_wait3A_1695 = arith.constant 0 : i32
    %dma_wait3A_1696 = tpu.memref_slice %arg3[%select_n3A_1244, %select_n3A_1284, %mul3A_1328, %dma_wait3A_1695] : memref<3x16x384x384xf32, #tpu.memory_space<hbm>> -> memref<1x1x96x384xf32, #tpu.memory_space<hbm>>
    %dma_wait3A_1697 = tpu.memref_squeeze %dma_wait3A_1696 : memref<1x1x96x384xf32, #tpu.memory_space<hbm>> -> memref<96x384xf32, #tpu.memory_space<hbm>>
    %dma_wait3A_1698 = arith.constant 0 : i32
    %dma_wait3A_1699 = tpu.memref_slice %arg3[%select_n3A_1244, %select_n3A_1284, %mul3A_1328, %dma_wait3A_1698] : memref<3x16x384x384xf32, #tpu.memory_space<hbm>> -> memref<1x1x96x384xf32, #tpu.memory_space<hbm>>
    %dma_wait3A_1700 = tpu.memref_squeeze %dma_wait3A_1699 : memref<1x1x96x384xf32, #tpu.memory_space<hbm>> -> memref<96x384xf32, #tpu.memory_space<hbm>>
    tpu.wait_dma2 semaphore(%arg11 : memref<!tpu.dma_semaphore, #tpu.memory_space<semaphore_mem>>) src(%arg5 : memref<96x384xf32, #tpu.memory_space<vmem>>) dst(%dma_wait3A_1700 : memref<96x384xf32, #tpu.memory_space<hbm>>)
    %dma_start3A_1701 = arith.constant 0 : i32
    %dma_start3A_1702 = tpu.memref_slice %arg2[%select_n3A_1610, %select_n3A_1692, %mul3A_1694, %dma_start3A_1701] : memref<3x64x384x384xf32, #tpu.memory_space<hbm>> -> memref<1x1x96x384xf32, #tpu.memory_space<hbm>>
    %dma_start3A_1703 = tpu.memref_squeeze %dma_start3A_1702 : memref<1x1x96x384xf32, #tpu.memory_space<hbm>> -> memref<96x384xf32, #tpu.memory_space<hbm>>
    %dma_start3A_1704 = arith.constant 0 : i32
    %dma_start3A_1705 = tpu.memref_slice %arg2[%select_n3A_1610, %select_n3A_1692, %mul3A_1694, %dma_start3A_1704] : memref<3x64x384x384xf32, #tpu.memory_space<hbm>> -> memref<1x1x96x384xf32, #tpu.memory_space<hbm>>
    %dma_start3A_1706 = tpu.memref_squeeze %dma_start3A_1705 : memref<1x1x96x384xf32, #tpu.memory_space<hbm>> -> memref<96x384xf32, #tpu.memory_space<hbm>>
    tpu.enqueue_dma source(%dma_start3A_1706 : memref<96x384xf32, #tpu.memory_space<hbm>>) target(%arg5 : memref<96x384xf32, #tpu.memory_space<vmem>>) target_semaphore(%arg8 : memref<!tpu.dma_semaphore, #tpu.memory_space<semaphore_mem>>)
    %dma_wait3A_1707 = arith.constant 0 : i32
    %dma_wait3A_1708 = tpu.memref_slice %arg2[%select_n3A_1362, %select_n3A_1444, %mul3A_1446, %dma_wait3A_1707] : memref<3x64x384x384xf32, #tpu.memory_space<hbm>> -> memref<1x1x96x384xf32, #tpu.memory_space<hbm>>
    %dma_wait3A_1709 = tpu.memref_squeeze %dma_wait3A_1708 : memref<1x1x96x384xf32, #tpu.memory_space<hbm>> -> memref<96x384xf32, #tpu.memory_space<hbm>>
    %dma_wait3A_1710 = arith.constant 0 : i32
    %dma_wait3A_1711 = tpu.memref_slice %arg2[%select_n3A_1362, %select_n3A_1444, %mul3A_1446, %dma_wait3A_1710] : memref<3x64x384x384xf32, #tpu.memory_space<hbm>> -> memref<1x1x96x384xf32, #tpu.memory_space<hbm>>
    %dma_wait3A_1712 = tpu.memref_squeeze %dma_wait3A_1711 : memref<1x1x96x384xf32, #tpu.memory_space<hbm>> -> memref<96x384xf32, #tpu.memory_space<hbm>>
    tpu.wait_dma2 semaphore(%arg7 : memref<!tpu.dma_semaphore, #tpu.memory_space<semaphore_mem>>) src(%dma_wait3A_1712 : memref<96x384xf32, #tpu.memory_space<hbm>>) dst(%arg4 : memref<96x384xf32, #tpu.memory_space<vmem>>)
    %mul3A_1713 = arith.constant 12 : i32
    %mul3A_1714 = arith.muli %add3A, %mul3A_1713 : i32
    %add3A_1715 = arith.constant 6 : i32
    %add3A_1716 = arith.addi %mul3A_1714, %add3A_1715 : i32
    %jit3A_1717 = arith.constant 64 : i32
    %div3A_1718 = arith.divsi %add3A_1716, %jit3A_1717 : i32
    %sign3A_1719 = arith.constant 0 : i32
    %sign3A_1720 = arith.cmpi sgt, %add3A_1716, %sign3A_1719 : i32
    %sign3A_1721 = arith.extui %sign3A_1720 : i1 to i32
    %sign3A_1722 = arith.constant 0 : i32
    %sign3A_1723 = arith.cmpi slt, %add3A_1716, %sign3A_1722 : i32
    %sign3A_1724 = arith.extui %sign3A_1723 : i1 to i32
    %sign3A_1725 = arith.subi %sign3A_1721, %sign3A_1724 : i32
    %sign3A_1726 = arith.constant 0 : i32
    %sign3A_1727 = arith.cmpi sgt, %jit3A_1717, %sign3A_1726 : i32
    %sign3A_1728 = arith.extui %sign3A_1727 : i1 to i32
    %sign3A_1729 = arith.constant 0 : i32
    %sign3A_1730 = arith.cmpi slt, %jit3A_1717, %sign3A_1729 : i32
    %sign3A_1731 = arith.extui %sign3A_1730 : i1 to i32
    %sign3A_1732 = arith.subi %sign3A_1728, %sign3A_1731 : i32
    %ne3A_1733 = arith.cmpi ne, %sign3A_1725, %sign3A_1732 : i32
    %rem3A_1734 = arith.remsi %add3A_1716, %jit3A_1717 : i32
    %ne3A_1735 = arith.constant 0 : i32
    %ne3A_1736 = arith.cmpi ne, %rem3A_1734, %ne3A_1735 : i32
    %and3A_1737 = arith.andi %ne3A_1733, %ne3A_1736 : i1
    %sub3A_1738 = arith.constant 1 : i32
    %sub3A_1739 = arith.subi %div3A_1718, %sub3A_1738 : i32
    %select_n3A_1740 = arith.select %and3A_1737, %sub3A_1739, %div3A_1718 : i32
    %jit3A_1741 = arith.constant 64 : i32
    %eq3A_1742 = arith.constant 0 : i32
    %eq3A_1743 = arith.cmpi eq, %jit3A_1741, %eq3A_1742 : i32
    %jit3A_1744 = arith.constant 1 : i32
    %select_n3A_1745 = arith.select %eq3A_1743, %jit3A_1744, %jit3A_1741 : i32
    %rem3A_1746 = arith.remsi %add3A_1716, %select_n3A_1745 : i32
    %ne3A_1747 = arith.constant 0 : i32
    %ne3A_1748 = arith.cmpi ne, %rem3A_1746, %ne3A_1747 : i32
    %lt3A_1749 = arith.constant 0 : i32
    %lt3A_1750 = arith.cmpi slt, %rem3A_1746, %lt3A_1749 : i32
    %lt3A_1751 = arith.constant 0 : i32
    %lt3A_1752 = arith.cmpi slt, %select_n3A_1745, %lt3A_1751 : i32
    %ne3A_1753 = arith.xori %lt3A_1750, %lt3A_1752 : i1
    %and3A_1754 = arith.andi %ne3A_1753, %ne3A_1748 : i1
    %add3A_1755 = arith.addi %rem3A_1746, %select_n3A_1745 : i32
    %select_n3A_1756 = arith.select %and3A_1754, %add3A_1755, %rem3A_1746 : i32
    %jit3A_1757 = arith.constant 4 : i32
    %div3A_1758 = arith.divsi %select_n3A_1756, %jit3A_1757 : i32
    %sign3A_1759 = arith.constant 0 : i32
    %sign3A_1760 = arith.cmpi sgt, %select_n3A_1756, %sign3A_1759 : i32
    %sign3A_1761 = arith.extui %sign3A_1760 : i1 to i32
    %sign3A_1762 = arith.constant 0 : i32
    %sign3A_1763 = arith.cmpi slt, %select_n3A_1756, %sign3A_1762 : i32
    %sign3A_1764 = arith.extui %sign3A_1763 : i1 to i32
    %sign3A_1765 = arith.subi %sign3A_1761, %sign3A_1764 : i32
    %sign3A_1766 = arith.constant 0 : i32
    %sign3A_1767 = arith.cmpi sgt, %jit3A_1757, %sign3A_1766 : i32
    %sign3A_1768 = arith.extui %sign3A_1767 : i1 to i32
    %sign3A_1769 = arith.constant 0 : i32
    %sign3A_1770 = arith.cmpi slt, %jit3A_1757, %sign3A_1769 : i32
    %sign3A_1771 = arith.extui %sign3A_1770 : i1 to i32
    %sign3A_1772 = arith.subi %sign3A_1768, %sign3A_1771 : i32
    %ne3A_1773 = arith.cmpi ne, %sign3A_1765, %sign3A_1772 : i32
    %rem3A_1774 = arith.remsi %select_n3A_1756, %jit3A_1757 : i32
    %ne3A_1775 = arith.constant 0 : i32
    %ne3A_1776 = arith.cmpi ne, %rem3A_1774, %ne3A_1775 : i32
    %and3A_1777 = arith.andi %ne3A_1773, %ne3A_1776 : i1
    %sub3A_1778 = arith.constant 1 : i32
    %sub3A_1779 = arith.subi %div3A_1758, %sub3A_1778 : i32
    %select_n3A_1780 = arith.select %and3A_1777, %sub3A_1779, %div3A_1758 : i32
    %jit3A_1781 = arith.constant 4 : i32
    %eq3A_1782 = arith.constant 0 : i32
    %eq3A_1783 = arith.cmpi eq, %jit3A_1781, %eq3A_1782 : i32
    %jit3A_1784 = arith.constant 1 : i32
    %select_n3A_1785 = arith.select %eq3A_1783, %jit3A_1784, %jit3A_1781 : i32
    %rem3A_1786 = arith.remsi %select_n3A_1756, %select_n3A_1785 : i32
    %ne3A_1787 = arith.constant 0 : i32
    %ne3A_1788 = arith.cmpi ne, %rem3A_1786, %ne3A_1787 : i32
    %lt3A_1789 = arith.constant 0 : i32
    %lt3A_1790 = arith.cmpi slt, %rem3A_1786, %lt3A_1789 : i32
    %lt3A_1791 = arith.constant 0 : i32
    %lt3A_1792 = arith.cmpi slt, %select_n3A_1785, %lt3A_1791 : i32
    %ne3A_1793 = arith.xori %lt3A_1790, %lt3A_1792 : i1
    %and3A_1794 = arith.andi %ne3A_1793, %ne3A_1788 : i1
    %add3A_1795 = arith.addi %rem3A_1786, %select_n3A_1785 : i32
    %select_n3A_1796 = arith.select %and3A_1794, %add3A_1795, %rem3A_1786 : i32
    %mul3A_1797 = arith.constant 63 : i32
    %mul3A_1798 = arith.muli %select_n3A_1780, %mul3A_1797 : i32
    %jit3A_1799 = arith.constant 15 : i32
    %div3A_1800 = arith.divsi %mul3A_1798, %jit3A_1799 : i32
    %sign3A_1801 = arith.constant 0 : i32
    %sign3A_1802 = arith.cmpi sgt, %mul3A_1798, %sign3A_1801 : i32
    %sign3A_1803 = arith.extui %sign3A_1802 : i1 to i32
    %sign3A_1804 = arith.constant 0 : i32
    %sign3A_1805 = arith.cmpi slt, %mul3A_1798, %sign3A_1804 : i32
    %sign3A_1806 = arith.extui %sign3A_1805 : i1 to i32
    %sign3A_1807 = arith.subi %sign3A_1803, %sign3A_1806 : i32
    %sign3A_1808 = arith.constant 0 : i32
    %sign3A_1809 = arith.cmpi sgt, %jit3A_1799, %sign3A_1808 : i32
    %sign3A_1810 = arith.extui %sign3A_1809 : i1 to i32
    %sign3A_1811 = arith.constant 0 : i32
    %sign3A_1812 = arith.cmpi slt, %jit3A_1799, %sign3A_1811 : i32
    %sign3A_1813 = arith.extui %sign3A_1812 : i1 to i32
    %sign3A_1814 = arith.subi %sign3A_1810, %sign3A_1813 : i32
    %ne3A_1815 = arith.cmpi ne, %sign3A_1807, %sign3A_1814 : i32
    %rem3A_1816 = arith.remsi %mul3A_1798, %jit3A_1799 : i32
    %ne3A_1817 = arith.constant 0 : i32
    %ne3A_1818 = arith.cmpi ne, %rem3A_1816, %ne3A_1817 : i32
    %and3A_1819 = arith.andi %ne3A_1815, %ne3A_1818 : i1
    %sub3A_1820 = arith.constant 1 : i32
    %sub3A_1821 = arith.subi %div3A_1800, %sub3A_1820 : i32
    %select_n3A_1822 = arith.select %and3A_1819, %sub3A_1821, %div3A_1800 : i32
    %mul3A_1823 = arith.constant 96 : i32
    %mul3A_1824 = arith.muli %select_n3A_1796, %mul3A_1823 : i32
    %dma_start3A_1825 = arith.constant 0 : i32
    %dma_start3A_1826 = tpu.memref_slice %arg3[%select_n3A_1740, %select_n3A_1780, %mul3A_1824, %dma_start3A_1825] : memref<3x16x384x384xf32, #tpu.memory_space<hbm>> -> memref<1x1x96x384xf32, #tpu.memory_space<hbm>>
    %dma_start3A_1827 = tpu.memref_squeeze %dma_start3A_1826 : memref<1x1x96x384xf32, #tpu.memory_space<hbm>> -> memref<96x384xf32, #tpu.memory_space<hbm>>
    %dma_start3A_1828 = arith.constant 0 : i32
    %dma_start3A_1829 = tpu.memref_slice %arg3[%select_n3A_1740, %select_n3A_1780, %mul3A_1824, %dma_start3A_1828] : memref<3x16x384x384xf32, #tpu.memory_space<hbm>> -> memref<1x1x96x384xf32, #tpu.memory_space<hbm>>
    %dma_start3A_1830 = tpu.memref_squeeze %dma_start3A_1829 : memref<1x1x96x384xf32, #tpu.memory_space<hbm>> -> memref<96x384xf32, #tpu.memory_space<hbm>>
    tpu.enqueue_dma source(%arg4 : memref<96x384xf32, #tpu.memory_space<vmem>>) target(%dma_start3A_1830 : memref<96x384xf32, #tpu.memory_space<hbm>>) target_semaphore(%arg10 : memref<!tpu.dma_semaphore, #tpu.memory_space<semaphore_mem>>)
    %mul3A_1831 = arith.constant 12 : i32
    %mul3A_1832 = arith.muli %add3A, %mul3A_1831 : i32
    %add3A_1833 = arith.constant 8 : i32
    %add3A_1834 = arith.addi %mul3A_1832, %add3A_1833 : i32
    %jit3A_1835 = arith.constant 64 : i32
    %div3A_1836 = arith.divsi %add3A_1834, %jit3A_1835 : i32
    %sign3A_1837 = arith.constant 0 : i32
    %sign3A_1838 = arith.cmpi sgt, %add3A_1834, %sign3A_1837 : i32
    %sign3A_1839 = arith.extui %sign3A_1838 : i1 to i32
    %sign3A_1840 = arith.constant 0 : i32
    %sign3A_1841 = arith.cmpi slt, %add3A_1834, %sign3A_1840 : i32
    %sign3A_1842 = arith.extui %sign3A_1841 : i1 to i32
    %sign3A_1843 = arith.subi %sign3A_1839, %sign3A_1842 : i32
    %sign3A_1844 = arith.constant 0 : i32
    %sign3A_1845 = arith.cmpi sgt, %jit3A_1835, %sign3A_1844 : i32
    %sign3A_1846 = arith.extui %sign3A_1845 : i1 to i32
    %sign3A_1847 = arith.constant 0 : i32
    %sign3A_1848 = arith.cmpi slt, %jit3A_1835, %sign3A_1847 : i32
    %sign3A_1849 = arith.extui %sign3A_1848 : i1 to i32
    %sign3A_1850 = arith.subi %sign3A_1846, %sign3A_1849 : i32
    %ne3A_1851 = arith.cmpi ne, %sign3A_1843, %sign3A_1850 : i32
    %rem3A_1852 = arith.remsi %add3A_1834, %jit3A_1835 : i32
    %ne3A_1853 = arith.constant 0 : i32
    %ne3A_1854 = arith.cmpi ne, %rem3A_1852, %ne3A_1853 : i32
    %and3A_1855 = arith.andi %ne3A_1851, %ne3A_1854 : i1
    %sub3A_1856 = arith.constant 1 : i32
    %sub3A_1857 = arith.subi %div3A_1836, %sub3A_1856 : i32
    %select_n3A_1858 = arith.select %and3A_1855, %sub3A_1857, %div3A_1836 : i32
    %jit3A_1859 = arith.constant 64 : i32
    %eq3A_1860 = arith.constant 0 : i32
    %eq3A_1861 = arith.cmpi eq, %jit3A_1859, %eq3A_1860 : i32
    %jit3A_1862 = arith.constant 1 : i32
    %select_n3A_1863 = arith.select %eq3A_1861, %jit3A_1862, %jit3A_1859 : i32
    %rem3A_1864 = arith.remsi %add3A_1834, %select_n3A_1863 : i32
    %ne3A_1865 = arith.constant 0 : i32
    %ne3A_1866 = arith.cmpi ne, %rem3A_1864, %ne3A_1865 : i32
    %lt3A_1867 = arith.constant 0 : i32
    %lt3A_1868 = arith.cmpi slt, %rem3A_1864, %lt3A_1867 : i32
    %lt3A_1869 = arith.constant 0 : i32
    %lt3A_1870 = arith.cmpi slt, %select_n3A_1863, %lt3A_1869 : i32
    %ne3A_1871 = arith.xori %lt3A_1868, %lt3A_1870 : i1
    %and3A_1872 = arith.andi %ne3A_1871, %ne3A_1866 : i1
    %add3A_1873 = arith.addi %rem3A_1864, %select_n3A_1863 : i32
    %select_n3A_1874 = arith.select %and3A_1872, %add3A_1873, %rem3A_1864 : i32
    %jit3A_1875 = arith.constant 4 : i32
    %div3A_1876 = arith.divsi %select_n3A_1874, %jit3A_1875 : i32
    %sign3A_1877 = arith.constant 0 : i32
    %sign3A_1878 = arith.cmpi sgt, %select_n3A_1874, %sign3A_1877 : i32
    %sign3A_1879 = arith.extui %sign3A_1878 : i1 to i32
    %sign3A_1880 = arith.constant 0 : i32
    %sign3A_1881 = arith.cmpi slt, %select_n3A_1874, %sign3A_1880 : i32
    %sign3A_1882 = arith.extui %sign3A_1881 : i1 to i32
    %sign3A_1883 = arith.subi %sign3A_1879, %sign3A_1882 : i32
    %sign3A_1884 = arith.constant 0 : i32
    %sign3A_1885 = arith.cmpi sgt, %jit3A_1875, %sign3A_1884 : i32
    %sign3A_1886 = arith.extui %sign3A_1885 : i1 to i32
    %sign3A_1887 = arith.constant 0 : i32
    %sign3A_1888 = arith.cmpi slt, %jit3A_1875, %sign3A_1887 : i32
    %sign3A_1889 = arith.extui %sign3A_1888 : i1 to i32
    %sign3A_1890 = arith.subi %sign3A_1886, %sign3A_1889 : i32
    %ne3A_1891 = arith.cmpi ne, %sign3A_1883, %sign3A_1890 : i32
    %rem3A_1892 = arith.remsi %select_n3A_1874, %jit3A_1875 : i32
    %ne3A_1893 = arith.constant 0 : i32
    %ne3A_1894 = arith.cmpi ne, %rem3A_1892, %ne3A_1893 : i32
    %and3A_1895 = arith.andi %ne3A_1891, %ne3A_1894 : i1
    %sub3A_1896 = arith.constant 1 : i32
    %sub3A_1897 = arith.subi %div3A_1876, %sub3A_1896 : i32
    %select_n3A_1898 = arith.select %and3A_1895, %sub3A_1897, %div3A_1876 : i32
    %jit3A_1899 = arith.constant 4 : i32
    %eq3A_1900 = arith.constant 0 : i32
    %eq3A_1901 = arith.cmpi eq, %jit3A_1899, %eq3A_1900 : i32
    %jit3A_1902 = arith.constant 1 : i32
    %select_n3A_1903 = arith.select %eq3A_1901, %jit3A_1902, %jit3A_1899 : i32
    %rem3A_1904 = arith.remsi %select_n3A_1874, %select_n3A_1903 : i32
    %ne3A_1905 = arith.constant 0 : i32
    %ne3A_1906 = arith.cmpi ne, %rem3A_1904, %ne3A_1905 : i32
    %lt3A_1907 = arith.constant 0 : i32
    %lt3A_1908 = arith.cmpi slt, %rem3A_1904, %lt3A_1907 : i32
    %lt3A_1909 = arith.constant 0 : i32
    %lt3A_1910 = arith.cmpi slt, %select_n3A_1903, %lt3A_1909 : i32
    %ne3A_1911 = arith.xori %lt3A_1908, %lt3A_1910 : i1
    %and3A_1912 = arith.andi %ne3A_1911, %ne3A_1906 : i1
    %add3A_1913 = arith.addi %rem3A_1904, %select_n3A_1903 : i32
    %select_n3A_1914 = arith.select %and3A_1912, %add3A_1913, %rem3A_1904 : i32
    %mul3A_1915 = arith.constant 63 : i32
    %mul3A_1916 = arith.muli %select_n3A_1898, %mul3A_1915 : i32
    %jit3A_1917 = arith.constant 15 : i32
    %div3A_1918 = arith.divsi %mul3A_1916, %jit3A_1917 : i32
    %sign3A_1919 = arith.constant 0 : i32
    %sign3A_1920 = arith.cmpi sgt, %mul3A_1916, %sign3A_1919 : i32
    %sign3A_1921 = arith.extui %sign3A_1920 : i1 to i32
    %sign3A_1922 = arith.constant 0 : i32
    %sign3A_1923 = arith.cmpi slt, %mul3A_1916, %sign3A_1922 : i32
    %sign3A_1924 = arith.extui %sign3A_1923 : i1 to i32
    %sign3A_1925 = arith.subi %sign3A_1921, %sign3A_1924 : i32
    %sign3A_1926 = arith.constant 0 : i32
    %sign3A_1927 = arith.cmpi sgt, %jit3A_1917, %sign3A_1926 : i32
    %sign3A_1928 = arith.extui %sign3A_1927 : i1 to i32
    %sign3A_1929 = arith.constant 0 : i32
    %sign3A_1930 = arith.cmpi slt, %jit3A_1917, %sign3A_1929 : i32
    %sign3A_1931 = arith.extui %sign3A_1930 : i1 to i32
    %sign3A_1932 = arith.subi %sign3A_1928, %sign3A_1931 : i32
    %ne3A_1933 = arith.cmpi ne, %sign3A_1925, %sign3A_1932 : i32
    %rem3A_1934 = arith.remsi %mul3A_1916, %jit3A_1917 : i32
    %ne3A_1935 = arith.constant 0 : i32
    %ne3A_1936 = arith.cmpi ne, %rem3A_1934, %ne3A_1935 : i32
    %and3A_1937 = arith.andi %ne3A_1933, %ne3A_1936 : i1
    %sub3A_1938 = arith.constant 1 : i32
    %sub3A_1939 = arith.subi %div3A_1918, %sub3A_1938 : i32
    %select_n3A_1940 = arith.select %and3A_1937, %sub3A_1939, %div3A_1918 : i32
    %mul3A_1941 = arith.constant 96 : i32
    %mul3A_1942 = arith.muli %select_n3A_1914, %mul3A_1941 : i32
    %dma_wait3A_1943 = arith.constant 0 : i32
    %dma_wait3A_1944 = tpu.memref_slice %arg3[%select_n3A_1492, %select_n3A_1532, %mul3A_1576, %dma_wait3A_1943] : memref<3x16x384x384xf32, #tpu.memory_space<hbm>> -> memref<1x1x96x384xf32, #tpu.memory_space<hbm>>
    %dma_wait3A_1945 = tpu.memref_squeeze %dma_wait3A_1944 : memref<1x1x96x384xf32, #tpu.memory_space<hbm>> -> memref<96x384xf32, #tpu.memory_space<hbm>>
    %dma_wait3A_1946 = arith.constant 0 : i32
    %dma_wait3A_1947 = tpu.memref_slice %arg3[%select_n3A_1492, %select_n3A_1532, %mul3A_1576, %dma_wait3A_1946] : memref<3x16x384x384xf32, #tpu.memory_space<hbm>> -> memref<1x1x96x384xf32, #tpu.memory_space<hbm>>
    %dma_wait3A_1948 = tpu.memref_squeeze %dma_wait3A_1947 : memref<1x1x96x384xf32, #tpu.memory_space<hbm>> -> memref<96x384xf32, #tpu.memory_space<hbm>>
    tpu.wait_dma2 semaphore(%arg12 : memref<!tpu.dma_semaphore, #tpu.memory_space<semaphore_mem>>) src(%arg6 : memref<96x384xf32, #tpu.memory_space<vmem>>) dst(%dma_wait3A_1948 : memref<96x384xf32, #tpu.memory_space<hbm>>)
    %dma_start3A_1949 = arith.constant 0 : i32
    %dma_start3A_1950 = tpu.memref_slice %arg2[%select_n3A_1858, %select_n3A_1940, %mul3A_1942, %dma_start3A_1949] : memref<3x64x384x384xf32, #tpu.memory_space<hbm>> -> memref<1x1x96x384xf32, #tpu.memory_space<hbm>>
    %dma_start3A_1951 = tpu.memref_squeeze %dma_start3A_1950 : memref<1x1x96x384xf32, #tpu.memory_space<hbm>> -> memref<96x384xf32, #tpu.memory_space<hbm>>
    %dma_start3A_1952 = arith.constant 0 : i32
    %dma_start3A_1953 = tpu.memref_slice %arg2[%select_n3A_1858, %select_n3A_1940, %mul3A_1942, %dma_start3A_1952] : memref<3x64x384x384xf32, #tpu.memory_space<hbm>> -> memref<1x1x96x384xf32, #tpu.memory_space<hbm>>
    %dma_start3A_1954 = tpu.memref_squeeze %dma_start3A_1953 : memref<1x1x96x384xf32, #tpu.memory_space<hbm>> -> memref<96x384xf32, #tpu.memory_space<hbm>>
    tpu.enqueue_dma source(%dma_start3A_1954 : memref<96x384xf32, #tpu.memory_space<hbm>>) target(%arg6 : memref<96x384xf32, #tpu.memory_space<vmem>>) target_semaphore(%arg9 : memref<!tpu.dma_semaphore, #tpu.memory_space<semaphore_mem>>)
    %dma_wait3A_1955 = arith.constant 0 : i32
    %dma_wait3A_1956 = tpu.memref_slice %arg2[%select_n3A_1610, %select_n3A_1692, %mul3A_1694, %dma_wait3A_1955] : memref<3x64x384x384xf32, #tpu.memory_space<hbm>> -> memref<1x1x96x384xf32, #tpu.memory_space<hbm>>
    %dma_wait3A_1957 = tpu.memref_squeeze %dma_wait3A_1956 : memref<1x1x96x384xf32, #tpu.memory_space<hbm>> -> memref<96x384xf32, #tpu.memory_space<hbm>>
    %dma_wait3A_1958 = arith.constant 0 : i32
    %dma_wait3A_1959 = tpu.memref_slice %arg2[%select_n3A_1610, %select_n3A_1692, %mul3A_1694, %dma_wait3A_1958] : memref<3x64x384x384xf32, #tpu.memory_space<hbm>> -> memref<1x1x96x384xf32, #tpu.memory_space<hbm>>
    %dma_wait3A_1960 = tpu.memref_squeeze %dma_wait3A_1959 : memref<1x1x96x384xf32, #tpu.memory_space<hbm>> -> memref<96x384xf32, #tpu.memory_space<hbm>>
    tpu.wait_dma2 semaphore(%arg8 : memref<!tpu.dma_semaphore, #tpu.memory_space<semaphore_mem>>) src(%dma_wait3A_1960 : memref<96x384xf32, #tpu.memory_space<hbm>>) dst(%arg5 : memref<96x384xf32, #tpu.memory_space<vmem>>)
    %mul3A_1961 = arith.constant 12 : i32
    %mul3A_1962 = arith.muli %add3A, %mul3A_1961 : i32
    %add3A_1963 = arith.constant 7 : i32
    %add3A_1964 = arith.addi %mul3A_1962, %add3A_1963 : i32
    %jit3A_1965 = arith.constant 64 : i32
    %div3A_1966 = arith.divsi %add3A_1964, %jit3A_1965 : i32
    %sign3A_1967 = arith.constant 0 : i32
    %sign3A_1968 = arith.cmpi sgt, %add3A_1964, %sign3A_1967 : i32
    %sign3A_1969 = arith.extui %sign3A_1968 : i1 to i32
    %sign3A_1970 = arith.constant 0 : i32
    %sign3A_1971 = arith.cmpi slt, %add3A_1964, %sign3A_1970 : i32
    %sign3A_1972 = arith.extui %sign3A_1971 : i1 to i32
    %sign3A_1973 = arith.subi %sign3A_1969, %sign3A_1972 : i32
    %sign3A_1974 = arith.constant 0 : i32
    %sign3A_1975 = arith.cmpi sgt, %jit3A_1965, %sign3A_1974 : i32
    %sign3A_1976 = arith.extui %sign3A_1975 : i1 to i32
    %sign3A_1977 = arith.constant 0 : i32
    %sign3A_1978 = arith.cmpi slt, %jit3A_1965, %sign3A_1977 : i32
    %sign3A_1979 = arith.extui %sign3A_1978 : i1 to i32
    %sign3A_1980 = arith.subi %sign3A_1976, %sign3A_1979 : i32
    %ne3A_1981 = arith.cmpi ne, %sign3A_1973, %sign3A_1980 : i32
    %rem3A_1982 = arith.remsi %add3A_1964, %jit3A_1965 : i32
    %ne3A_1983 = arith.constant 0 : i32
    %ne3A_1984 = arith.cmpi ne, %rem3A_1982, %ne3A_1983 : i32
    %and3A_1985 = arith.andi %ne3A_1981, %ne3A_1984 : i1
    %sub3A_1986 = arith.constant 1 : i32
    %sub3A_1987 = arith.subi %div3A_1966, %sub3A_1986 : i32
    %select_n3A_1988 = arith.select %and3A_1985, %sub3A_1987, %div3A_1966 : i32
    %jit3A_1989 = arith.constant 64 : i32
    %eq3A_1990 = arith.constant 0 : i32
    %eq3A_1991 = arith.cmpi eq, %jit3A_1989, %eq3A_1990 : i32
    %jit3A_1992 = arith.constant 1 : i32
    %select_n3A_1993 = arith.select %eq3A_1991, %jit3A_1992, %jit3A_1989 : i32
    %rem3A_1994 = arith.remsi %add3A_1964, %select_n3A_1993 : i32
    %ne3A_1995 = arith.constant 0 : i32
    %ne3A_1996 = arith.cmpi ne, %rem3A_1994, %ne3A_1995 : i32
    %lt3A_1997 = arith.constant 0 : i32
    %lt3A_1998 = arith.cmpi slt, %rem3A_1994, %lt3A_1997 : i32
    %lt3A_1999 = arith.constant 0 : i32
    %lt3A_2000 = arith.cmpi slt, %select_n3A_1993, %lt3A_1999 : i32
    %ne3A_2001 = arith.xori %lt3A_1998, %lt3A_2000 : i1
    %and3A_2002 = arith.andi %ne3A_2001, %ne3A_1996 : i1
    %add3A_2003 = arith.addi %rem3A_1994, %select_n3A_1993 : i32
    %select_n3A_2004 = arith.select %and3A_2002, %add3A_2003, %rem3A_1994 : i32
    %jit3A_2005 = arith.constant 4 : i32
    %div3A_2006 = arith.divsi %select_n3A_2004, %jit3A_2005 : i32
    %sign3A_2007 = arith.constant 0 : i32
    %sign3A_2008 = arith.cmpi sgt, %select_n3A_2004, %sign3A_2007 : i32
    %sign3A_2009 = arith.extui %sign3A_2008 : i1 to i32
    %sign3A_2010 = arith.constant 0 : i32
    %sign3A_2011 = arith.cmpi slt, %select_n3A_2004, %sign3A_2010 : i32
    %sign3A_2012 = arith.extui %sign3A_2011 : i1 to i32
    %sign3A_2013 = arith.subi %sign3A_2009, %sign3A_2012 : i32
    %sign3A_2014 = arith.constant 0 : i32
    %sign3A_2015 = arith.cmpi sgt, %jit3A_2005, %sign3A_2014 : i32
    %sign3A_2016 = arith.extui %sign3A_2015 : i1 to i32
    %sign3A_2017 = arith.constant 0 : i32
    %sign3A_2018 = arith.cmpi slt, %jit3A_2005, %sign3A_2017 : i32
    %sign3A_2019 = arith.extui %sign3A_2018 : i1 to i32
    %sign3A_2020 = arith.subi %sign3A_2016, %sign3A_2019 : i32
    %ne3A_2021 = arith.cmpi ne, %sign3A_2013, %sign3A_2020 : i32
    %rem3A_2022 = arith.remsi %select_n3A_2004, %jit3A_2005 : i32
    %ne3A_2023 = arith.constant 0 : i32
    %ne3A_2024 = arith.cmpi ne, %rem3A_2022, %ne3A_2023 : i32
    %and3A_2025 = arith.andi %ne3A_2021, %ne3A_2024 : i1
    %sub3A_2026 = arith.constant 1 : i32
    %sub3A_2027 = arith.subi %div3A_2006, %sub3A_2026 : i32
    %select_n3A_2028 = arith.select %and3A_2025, %sub3A_2027, %div3A_2006 : i32
    %jit3A_2029 = arith.constant 4 : i32
    %eq3A_2030 = arith.constant 0 : i32
    %eq3A_2031 = arith.cmpi eq, %jit3A_2029, %eq3A_2030 : i32
    %jit3A_2032 = arith.constant 1 : i32
    %select_n3A_2033 = arith.select %eq3A_2031, %jit3A_2032, %jit3A_2029 : i32
    %rem3A_2034 = arith.remsi %select_n3A_2004, %select_n3A_2033 : i32
    %ne3A_2035 = arith.constant 0 : i32
    %ne3A_2036 = arith.cmpi ne, %rem3A_2034, %ne3A_2035 : i32
    %lt3A_2037 = arith.constant 0 : i32
    %lt3A_2038 = arith.cmpi slt, %rem3A_2034, %lt3A_2037 : i32
    %lt3A_2039 = arith.constant 0 : i32
    %lt3A_2040 = arith.cmpi slt, %select_n3A_2033, %lt3A_2039 : i32
    %ne3A_2041 = arith.xori %lt3A_2038, %lt3A_2040 : i1
    %and3A_2042 = arith.andi %ne3A_2041, %ne3A_2036 : i1
    %add3A_2043 = arith.addi %rem3A_2034, %select_n3A_2033 : i32
    %select_n3A_2044 = arith.select %and3A_2042, %add3A_2043, %rem3A_2034 : i32
    %mul3A_2045 = arith.constant 63 : i32
    %mul3A_2046 = arith.muli %select_n3A_2028, %mul3A_2045 : i32
    %jit3A_2047 = arith.constant 15 : i32
    %div3A_2048 = arith.divsi %mul3A_2046, %jit3A_2047 : i32
    %sign3A_2049 = arith.constant 0 : i32
    %sign3A_2050 = arith.cmpi sgt, %mul3A_2046, %sign3A_2049 : i32
    %sign3A_2051 = arith.extui %sign3A_2050 : i1 to i32
    %sign3A_2052 = arith.constant 0 : i32
    %sign3A_2053 = arith.cmpi slt, %mul3A_2046, %sign3A_2052 : i32
    %sign3A_2054 = arith.extui %sign3A_2053 : i1 to i32
    %sign3A_2055 = arith.subi %sign3A_2051, %sign3A_2054 : i32
    %sign3A_2056 = arith.constant 0 : i32
    %sign3A_2057 = arith.cmpi sgt, %jit3A_2047, %sign3A_2056 : i32
    %sign3A_2058 = arith.extui %sign3A_2057 : i1 to i32
    %sign3A_2059 = arith.constant 0 : i32
    %sign3A_2060 = arith.cmpi slt, %jit3A_2047, %sign3A_2059 : i32
    %sign3A_2061 = arith.extui %sign3A_2060 : i1 to i32
    %sign3A_2062 = arith.subi %sign3A_2058, %sign3A_2061 : i32
    %ne3A_2063 = arith.cmpi ne, %sign3A_2055, %sign3A_2062 : i32
    %rem3A_2064 = arith.remsi %mul3A_2046, %jit3A_2047 : i32
    %ne3A_2065 = arith.constant 0 : i32
    %ne3A_2066 = arith.cmpi ne, %rem3A_2064, %ne3A_2065 : i32
    %and3A_2067 = arith.andi %ne3A_2063, %ne3A_2066 : i1
    %sub3A_2068 = arith.constant 1 : i32
    %sub3A_2069 = arith.subi %div3A_2048, %sub3A_2068 : i32
    %select_n3A_2070 = arith.select %and3A_2067, %sub3A_2069, %div3A_2048 : i32
    %mul3A_2071 = arith.constant 96 : i32
    %mul3A_2072 = arith.muli %select_n3A_2044, %mul3A_2071 : i32
    %dma_start3A_2073 = arith.constant 0 : i32
    %dma_start3A_2074 = tpu.memref_slice %arg3[%select_n3A_1988, %select_n3A_2028, %mul3A_2072, %dma_start3A_2073] : memref<3x16x384x384xf32, #tpu.memory_space<hbm>> -> memref<1x1x96x384xf32, #tpu.memory_space<hbm>>
    %dma_start3A_2075 = tpu.memref_squeeze %dma_start3A_2074 : memref<1x1x96x384xf32, #tpu.memory_space<hbm>> -> memref<96x384xf32, #tpu.memory_space<hbm>>
    %dma_start3A_2076 = arith.constant 0 : i32
    %dma_start3A_2077 = tpu.memref_slice %arg3[%select_n3A_1988, %select_n3A_2028, %mul3A_2072, %dma_start3A_2076] : memref<3x16x384x384xf32, #tpu.memory_space<hbm>> -> memref<1x1x96x384xf32, #tpu.memory_space<hbm>>
    %dma_start3A_2078 = tpu.memref_squeeze %dma_start3A_2077 : memref<1x1x96x384xf32, #tpu.memory_space<hbm>> -> memref<96x384xf32, #tpu.memory_space<hbm>>
    tpu.enqueue_dma source(%arg5 : memref<96x384xf32, #tpu.memory_space<vmem>>) target(%dma_start3A_2078 : memref<96x384xf32, #tpu.memory_space<hbm>>) target_semaphore(%arg11 : memref<!tpu.dma_semaphore, #tpu.memory_space<semaphore_mem>>)
    %mul3A_2079 = arith.constant 12 : i32
    %mul3A_2080 = arith.muli %add3A, %mul3A_2079 : i32
    %add3A_2081 = arith.constant 9 : i32
    %add3A_2082 = arith.addi %mul3A_2080, %add3A_2081 : i32
    %jit3A_2083 = arith.constant 64 : i32
    %div3A_2084 = arith.divsi %add3A_2082, %jit3A_2083 : i32
    %sign3A_2085 = arith.constant 0 : i32
    %sign3A_2086 = arith.cmpi sgt, %add3A_2082, %sign3A_2085 : i32
    %sign3A_2087 = arith.extui %sign3A_2086 : i1 to i32
    %sign3A_2088 = arith.constant 0 : i32
    %sign3A_2089 = arith.cmpi slt, %add3A_2082, %sign3A_2088 : i32
    %sign3A_2090 = arith.extui %sign3A_2089 : i1 to i32
    %sign3A_2091 = arith.subi %sign3A_2087, %sign3A_2090 : i32
    %sign3A_2092 = arith.constant 0 : i32
    %sign3A_2093 = arith.cmpi sgt, %jit3A_2083, %sign3A_2092 : i32
    %sign3A_2094 = arith.extui %sign3A_2093 : i1 to i32
    %sign3A_2095 = arith.constant 0 : i32
    %sign3A_2096 = arith.cmpi slt, %jit3A_2083, %sign3A_2095 : i32
    %sign3A_2097 = arith.extui %sign3A_2096 : i1 to i32
    %sign3A_2098 = arith.subi %sign3A_2094, %sign3A_2097 : i32
    %ne3A_2099 = arith.cmpi ne, %sign3A_2091, %sign3A_2098 : i32
    %rem3A_2100 = arith.remsi %add3A_2082, %jit3A_2083 : i32
    %ne3A_2101 = arith.constant 0 : i32
    %ne3A_2102 = arith.cmpi ne, %rem3A_2100, %ne3A_2101 : i32
    %and3A_2103 = arith.andi %ne3A_2099, %ne3A_2102 : i1
    %sub3A_2104 = arith.constant 1 : i32
    %sub3A_2105 = arith.subi %div3A_2084, %sub3A_2104 : i32
    %select_n3A_2106 = arith.select %and3A_2103, %sub3A_2105, %div3A_2084 : i32
    %jit3A_2107 = arith.constant 64 : i32
    %eq3A_2108 = arith.constant 0 : i32
    %eq3A_2109 = arith.cmpi eq, %jit3A_2107, %eq3A_2108 : i32
    %jit3A_2110 = arith.constant 1 : i32
    %select_n3A_2111 = arith.select %eq3A_2109, %jit3A_2110, %jit3A_2107 : i32
    %rem3A_2112 = arith.remsi %add3A_2082, %select_n3A_2111 : i32
    %ne3A_2113 = arith.constant 0 : i32
    %ne3A_2114 = arith.cmpi ne, %rem3A_2112, %ne3A_2113 : i32
    %lt3A_2115 = arith.constant 0 : i32
    %lt3A_2116 = arith.cmpi slt, %rem3A_2112, %lt3A_2115 : i32
    %lt3A_2117 = arith.constant 0 : i32
    %lt3A_2118 = arith.cmpi slt, %select_n3A_2111, %lt3A_2117 : i32
    %ne3A_2119 = arith.xori %lt3A_2116, %lt3A_2118 : i1
    %and3A_2120 = arith.andi %ne3A_2119, %ne3A_2114 : i1
    %add3A_2121 = arith.addi %rem3A_2112, %select_n3A_2111 : i32
    %select_n3A_2122 = arith.select %and3A_2120, %add3A_2121, %rem3A_2112 : i32
    %jit3A_2123 = arith.constant 4 : i32
    %div3A_2124 = arith.divsi %select_n3A_2122, %jit3A_2123 : i32
    %sign3A_2125 = arith.constant 0 : i32
    %sign3A_2126 = arith.cmpi sgt, %select_n3A_2122, %sign3A_2125 : i32
    %sign3A_2127 = arith.extui %sign3A_2126 : i1 to i32
    %sign3A_2128 = arith.constant 0 : i32
    %sign3A_2129 = arith.cmpi slt, %select_n3A_2122, %sign3A_2128 : i32
    %sign3A_2130 = arith.extui %sign3A_2129 : i1 to i32
    %sign3A_2131 = arith.subi %sign3A_2127, %sign3A_2130 : i32
    %sign3A_2132 = arith.constant 0 : i32
    %sign3A_2133 = arith.cmpi sgt, %jit3A_2123, %sign3A_2132 : i32
    %sign3A_2134 = arith.extui %sign3A_2133 : i1 to i32
    %sign3A_2135 = arith.constant 0 : i32
    %sign3A_2136 = arith.cmpi slt, %jit3A_2123, %sign3A_2135 : i32
    %sign3A_2137 = arith.extui %sign3A_2136 : i1 to i32
    %sign3A_2138 = arith.subi %sign3A_2134, %sign3A_2137 : i32
    %ne3A_2139 = arith.cmpi ne, %sign3A_2131, %sign3A_2138 : i32
    %rem3A_2140 = arith.remsi %select_n3A_2122, %jit3A_2123 : i32
    %ne3A_2141 = arith.constant 0 : i32
    %ne3A_2142 = arith.cmpi ne, %rem3A_2140, %ne3A_2141 : i32
    %and3A_2143 = arith.andi %ne3A_2139, %ne3A_2142 : i1
    %sub3A_2144 = arith.constant 1 : i32
    %sub3A_2145 = arith.subi %div3A_2124, %sub3A_2144 : i32
    %select_n3A_2146 = arith.select %and3A_2143, %sub3A_2145, %div3A_2124 : i32
    %jit3A_2147 = arith.constant 4 : i32
    %eq3A_2148 = arith.constant 0 : i32
    %eq3A_2149 = arith.cmpi eq, %jit3A_2147, %eq3A_2148 : i32
    %jit3A_2150 = arith.constant 1 : i32
    %select_n3A_2151 = arith.select %eq3A_2149, %jit3A_2150, %jit3A_2147 : i32
    %rem3A_2152 = arith.remsi %select_n3A_2122, %select_n3A_2151 : i32
    %ne3A_2153 = arith.constant 0 : i32
    %ne3A_2154 = arith.cmpi ne, %rem3A_2152, %ne3A_2153 : i32
    %lt3A_2155 = arith.constant 0 : i32
    %lt3A_2156 = arith.cmpi slt, %rem3A_2152, %lt3A_2155 : i32
    %lt3A_2157 = arith.constant 0 : i32
    %lt3A_2158 = arith.cmpi slt, %select_n3A_2151, %lt3A_2157 : i32
    %ne3A_2159 = arith.xori %lt3A_2156, %lt3A_2158 : i1
    %and3A_2160 = arith.andi %ne3A_2159, %ne3A_2154 : i1
    %add3A_2161 = arith.addi %rem3A_2152, %select_n3A_2151 : i32
    %select_n3A_2162 = arith.select %and3A_2160, %add3A_2161, %rem3A_2152 : i32
    %mul3A_2163 = arith.constant 63 : i32
    %mul3A_2164 = arith.muli %select_n3A_2146, %mul3A_2163 : i32
    %jit3A_2165 = arith.constant 15 : i32
    %div3A_2166 = arith.divsi %mul3A_2164, %jit3A_2165 : i32
    %sign3A_2167 = arith.constant 0 : i32
    %sign3A_2168 = arith.cmpi sgt, %mul3A_2164, %sign3A_2167 : i32
    %sign3A_2169 = arith.extui %sign3A_2168 : i1 to i32
    %sign3A_2170 = arith.constant 0 : i32
    %sign3A_2171 = arith.cmpi slt, %mul3A_2164, %sign3A_2170 : i32
    %sign3A_2172 = arith.extui %sign3A_2171 : i1 to i32
    %sign3A_2173 = arith.subi %sign3A_2169, %sign3A_2172 : i32
    %sign3A_2174 = arith.constant 0 : i32
    %sign3A_2175 = arith.cmpi sgt, %jit3A_2165, %sign3A_2174 : i32
    %sign3A_2176 = arith.extui %sign3A_2175 : i1 to i32
    %sign3A_2177 = arith.constant 0 : i32
    %sign3A_2178 = arith.cmpi slt, %jit3A_2165, %sign3A_2177 : i32
    %sign3A_2179 = arith.extui %sign3A_2178 : i1 to i32
    %sign3A_2180 = arith.subi %sign3A_2176, %sign3A_2179 : i32
    %ne3A_2181 = arith.cmpi ne, %sign3A_2173, %sign3A_2180 : i32
    %rem3A_2182 = arith.remsi %mul3A_2164, %jit3A_2165 : i32
    %ne3A_2183 = arith.constant 0 : i32
    %ne3A_2184 = arith.cmpi ne, %rem3A_2182, %ne3A_2183 : i32
    %and3A_2185 = arith.andi %ne3A_2181, %ne3A_2184 : i1
    %sub3A_2186 = arith.constant 1 : i32
    %sub3A_2187 = arith.subi %div3A_2166, %sub3A_2186 : i32
    %select_n3A_2188 = arith.select %and3A_2185, %sub3A_2187, %div3A_2166 : i32
    %mul3A_2189 = arith.constant 96 : i32
    %mul3A_2190 = arith.muli %select_n3A_2162, %mul3A_2189 : i32
    %dma_wait3A_2191 = arith.constant 0 : i32
    %dma_wait3A_2192 = tpu.memref_slice %arg3[%select_n3A_1740, %select_n3A_1780, %mul3A_1824, %dma_wait3A_2191] : memref<3x16x384x384xf32, #tpu.memory_space<hbm>> -> memref<1x1x96x384xf32, #tpu.memory_space<hbm>>
    %dma_wait3A_2193 = tpu.memref_squeeze %dma_wait3A_2192 : memref<1x1x96x384xf32, #tpu.memory_space<hbm>> -> memref<96x384xf32, #tpu.memory_space<hbm>>
    %dma_wait3A_2194 = arith.constant 0 : i32
    %dma_wait3A_2195 = tpu.memref_slice %arg3[%select_n3A_1740, %select_n3A_1780, %mul3A_1824, %dma_wait3A_2194] : memref<3x16x384x384xf32, #tpu.memory_space<hbm>> -> memref<1x1x96x384xf32, #tpu.memory_space<hbm>>
    %dma_wait3A_2196 = tpu.memref_squeeze %dma_wait3A_2195 : memref<1x1x96x384xf32, #tpu.memory_space<hbm>> -> memref<96x384xf32, #tpu.memory_space<hbm>>
    tpu.wait_dma2 semaphore(%arg10 : memref<!tpu.dma_semaphore, #tpu.memory_space<semaphore_mem>>) src(%arg4 : memref<96x384xf32, #tpu.memory_space<vmem>>) dst(%dma_wait3A_2196 : memref<96x384xf32, #tpu.memory_space<hbm>>)
    %dma_start3A_2197 = arith.constant 0 : i32
    %dma_start3A_2198 = tpu.memref_slice %arg2[%select_n3A_2106, %select_n3A_2188, %mul3A_2190, %dma_start3A_2197] : memref<3x64x384x384xf32, #tpu.memory_space<hbm>> -> memref<1x1x96x384xf32, #tpu.memory_space<hbm>>
    %dma_start3A_2199 = tpu.memref_squeeze %dma_start3A_2198 : memref<1x1x96x384xf32, #tpu.memory_space<hbm>> -> memref<96x384xf32, #tpu.memory_space<hbm>>
    %dma_start3A_2200 = arith.constant 0 : i32
    %dma_start3A_2201 = tpu.memref_slice %arg2[%select_n3A_2106, %select_n3A_2188, %mul3A_2190, %dma_start3A_2200] : memref<3x64x384x384xf32, #tpu.memory_space<hbm>> -> memref<1x1x96x384xf32, #tpu.memory_space<hbm>>
    %dma_start3A_2202 = tpu.memref_squeeze %dma_start3A_2201 : memref<1x1x96x384xf32, #tpu.memory_space<hbm>> -> memref<96x384xf32, #tpu.memory_space<hbm>>
    tpu.enqueue_dma source(%dma_start3A_2202 : memref<96x384xf32, #tpu.memory_space<hbm>>) target(%arg4 : memref<96x384xf32, #tpu.memory_space<vmem>>) target_semaphore(%arg7 : memref<!tpu.dma_semaphore, #tpu.memory_space<semaphore_mem>>)
    %dma_wait3A_2203 = arith.constant 0 : i32
    %dma_wait3A_2204 = tpu.memref_slice %arg2[%select_n3A_1858, %select_n3A_1940, %mul3A_1942, %dma_wait3A_2203] : memref<3x64x384x384xf32, #tpu.memory_space<hbm>> -> memref<1x1x96x384xf32, #tpu.memory_space<hbm>>
    %dma_wait3A_2205 = tpu.memref_squeeze %dma_wait3A_2204 : memref<1x1x96x384xf32, #tpu.memory_space<hbm>> -> memref<96x384xf32, #tpu.memory_space<hbm>>
    %dma_wait3A_2206 = arith.constant 0 : i32
    %dma_wait3A_2207 = tpu.memref_slice %arg2[%select_n3A_1858, %select_n3A_1940, %mul3A_1942, %dma_wait3A_2206] : memref<3x64x384x384xf32, #tpu.memory_space<hbm>> -> memref<1x1x96x384xf32, #tpu.memory_space<hbm>>
    %dma_wait3A_2208 = tpu.memref_squeeze %dma_wait3A_2207 : memref<1x1x96x384xf32, #tpu.memory_space<hbm>> -> memref<96x384xf32, #tpu.memory_space<hbm>>
    tpu.wait_dma2 semaphore(%arg9 : memref<!tpu.dma_semaphore, #tpu.memory_space<semaphore_mem>>) src(%dma_wait3A_2208 : memref<96x384xf32, #tpu.memory_space<hbm>>) dst(%arg6 : memref<96x384xf32, #tpu.memory_space<vmem>>)
    %mul3A_2209 = arith.constant 12 : i32
    %mul3A_2210 = arith.muli %add3A, %mul3A_2209 : i32
    %add3A_2211 = arith.constant 8 : i32
    %add3A_2212 = arith.addi %mul3A_2210, %add3A_2211 : i32
    %jit3A_2213 = arith.constant 64 : i32
    %div3A_2214 = arith.divsi %add3A_2212, %jit3A_2213 : i32
    %sign3A_2215 = arith.constant 0 : i32
    %sign3A_2216 = arith.cmpi sgt, %add3A_2212, %sign3A_2215 : i32
    %sign3A_2217 = arith.extui %sign3A_2216 : i1 to i32
    %sign3A_2218 = arith.constant 0 : i32
    %sign3A_2219 = arith.cmpi slt, %add3A_2212, %sign3A_2218 : i32
    %sign3A_2220 = arith.extui %sign3A_2219 : i1 to i32
    %sign3A_2221 = arith.subi %sign3A_2217, %sign3A_2220 : i32
    %sign3A_2222 = arith.constant 0 : i32
    %sign3A_2223 = arith.cmpi sgt, %jit3A_2213, %sign3A_2222 : i32
    %sign3A_2224 = arith.extui %sign3A_2223 : i1 to i32
    %sign3A_2225 = arith.constant 0 : i32
    %sign3A_2226 = arith.cmpi slt, %jit3A_2213, %sign3A_2225 : i32
    %sign3A_2227 = arith.extui %sign3A_2226 : i1 to i32
    %sign3A_2228 = arith.subi %sign3A_2224, %sign3A_2227 : i32
    %ne3A_2229 = arith.cmpi ne, %sign3A_2221, %sign3A_2228 : i32
    %rem3A_2230 = arith.remsi %add3A_2212, %jit3A_2213 : i32
    %ne3A_2231 = arith.constant 0 : i32
    %ne3A_2232 = arith.cmpi ne, %rem3A_2230, %ne3A_2231 : i32
    %and3A_2233 = arith.andi %ne3A_2229, %ne3A_2232 : i1
    %sub3A_2234 = arith.constant 1 : i32
    %sub3A_2235 = arith.subi %div3A_2214, %sub3A_2234 : i32
    %select_n3A_2236 = arith.select %and3A_2233, %sub3A_2235, %div3A_2214 : i32
    %jit3A_2237 = arith.constant 64 : i32
    %eq3A_2238 = arith.constant 0 : i32
    %eq3A_2239 = arith.cmpi eq, %jit3A_2237, %eq3A_2238 : i32
    %jit3A_2240 = arith.constant 1 : i32
    %select_n3A_2241 = arith.select %eq3A_2239, %jit3A_2240, %jit3A_2237 : i32
    %rem3A_2242 = arith.remsi %add3A_2212, %select_n3A_2241 : i32
    %ne3A_2243 = arith.constant 0 : i32
    %ne3A_2244 = arith.cmpi ne, %rem3A_2242, %ne3A_2243 : i32
    %lt3A_2245 = arith.constant 0 : i32
    %lt3A_2246 = arith.cmpi slt, %rem3A_2242, %lt3A_2245 : i32
    %lt3A_2247 = arith.constant 0 : i32
    %lt3A_2248 = arith.cmpi slt, %select_n3A_2241, %lt3A_2247 : i32
    %ne3A_2249 = arith.xori %lt3A_2246, %lt3A_2248 : i1
    %and3A_2250 = arith.andi %ne3A_2249, %ne3A_2244 : i1
    %add3A_2251 = arith.addi %rem3A_2242, %select_n3A_2241 : i32
    %select_n3A_2252 = arith.select %and3A_2250, %add3A_2251, %rem3A_2242 : i32
    %jit3A_2253 = arith.constant 4 : i32
    %div3A_2254 = arith.divsi %select_n3A_2252, %jit3A_2253 : i32
    %sign3A_2255 = arith.constant 0 : i32
    %sign3A_2256 = arith.cmpi sgt, %select_n3A_2252, %sign3A_2255 : i32
    %sign3A_2257 = arith.extui %sign3A_2256 : i1 to i32
    %sign3A_2258 = arith.constant 0 : i32
    %sign3A_2259 = arith.cmpi slt, %select_n3A_2252, %sign3A_2258 : i32
    %sign3A_2260 = arith.extui %sign3A_2259 : i1 to i32
    %sign3A_2261 = arith.subi %sign3A_2257, %sign3A_2260 : i32
    %sign3A_2262 = arith.constant 0 : i32
    %sign3A_2263 = arith.cmpi sgt, %jit3A_2253, %sign3A_2262 : i32
    %sign3A_2264 = arith.extui %sign3A_2263 : i1 to i32
    %sign3A_2265 = arith.constant 0 : i32
    %sign3A_2266 = arith.cmpi slt, %jit3A_2253, %sign3A_2265 : i32
    %sign3A_2267 = arith.extui %sign3A_2266 : i1 to i32
    %sign3A_2268 = arith.subi %sign3A_2264, %sign3A_2267 : i32
    %ne3A_2269 = arith.cmpi ne, %sign3A_2261, %sign3A_2268 : i32
    %rem3A_2270 = arith.remsi %select_n3A_2252, %jit3A_2253 : i32
    %ne3A_2271 = arith.constant 0 : i32
    %ne3A_2272 = arith.cmpi ne, %rem3A_2270, %ne3A_2271 : i32
    %and3A_2273 = arith.andi %ne3A_2269, %ne3A_2272 : i1
    %sub3A_2274 = arith.constant 1 : i32
    %sub3A_2275 = arith.subi %div3A_2254, %sub3A_2274 : i32
    %select_n3A_2276 = arith.select %and3A_2273, %sub3A_2275, %div3A_2254 : i32
    %jit3A_2277 = arith.constant 4 : i32
    %eq3A_2278 = arith.constant 0 : i32
    %eq3A_2279 = arith.cmpi eq, %jit3A_2277, %eq3A_2278 : i32
    %jit3A_2280 = arith.constant 1 : i32
    %select_n3A_2281 = arith.select %eq3A_2279, %jit3A_2280, %jit3A_2277 : i32
    %rem3A_2282 = arith.remsi %select_n3A_2252, %select_n3A_2281 : i32
    %ne3A_2283 = arith.constant 0 : i32
    %ne3A_2284 = arith.cmpi ne, %rem3A_2282, %ne3A_2283 : i32
    %lt3A_2285 = arith.constant 0 : i32
    %lt3A_2286 = arith.cmpi slt, %rem3A_2282, %lt3A_2285 : i32
    %lt3A_2287 = arith.constant 0 : i32
    %lt3A_2288 = arith.cmpi slt, %select_n3A_2281, %lt3A_2287 : i32
    %ne3A_2289 = arith.xori %lt3A_2286, %lt3A_2288 : i1
    %and3A_2290 = arith.andi %ne3A_2289, %ne3A_2284 : i1
    %add3A_2291 = arith.addi %rem3A_2282, %select_n3A_2281 : i32
    %select_n3A_2292 = arith.select %and3A_2290, %add3A_2291, %rem3A_2282 : i32
    %mul3A_2293 = arith.constant 63 : i32
    %mul3A_2294 = arith.muli %select_n3A_2276, %mul3A_2293 : i32
    %jit3A_2295 = arith.constant 15 : i32
    %div3A_2296 = arith.divsi %mul3A_2294, %jit3A_2295 : i32
    %sign3A_2297 = arith.constant 0 : i32
    %sign3A_2298 = arith.cmpi sgt, %mul3A_2294, %sign3A_2297 : i32
    %sign3A_2299 = arith.extui %sign3A_2298 : i1 to i32
    %sign3A_2300 = arith.constant 0 : i32
    %sign3A_2301 = arith.cmpi slt, %mul3A_2294, %sign3A_2300 : i32
    %sign3A_2302 = arith.extui %sign3A_2301 : i1 to i32
    %sign3A_2303 = arith.subi %sign3A_2299, %sign3A_2302 : i32
    %sign3A_2304 = arith.constant 0 : i32
    %sign3A_2305 = arith.cmpi sgt, %jit3A_2295, %sign3A_2304 : i32
    %sign3A_2306 = arith.extui %sign3A_2305 : i1 to i32
    %sign3A_2307 = arith.constant 0 : i32
    %sign3A_2308 = arith.cmpi slt, %jit3A_2295, %sign3A_2307 : i32
    %sign3A_2309 = arith.extui %sign3A_2308 : i1 to i32
    %sign3A_2310 = arith.subi %sign3A_2306, %sign3A_2309 : i32
    %ne3A_2311 = arith.cmpi ne, %sign3A_2303, %sign3A_2310 : i32
    %rem3A_2312 = arith.remsi %mul3A_2294, %jit3A_2295 : i32
    %ne3A_2313 = arith.constant 0 : i32
    %ne3A_2314 = arith.cmpi ne, %rem3A_2312, %ne3A_2313 : i32
    %and3A_2315 = arith.andi %ne3A_2311, %ne3A_2314 : i1
    %sub3A_2316 = arith.constant 1 : i32
    %sub3A_2317 = arith.subi %div3A_2296, %sub3A_2316 : i32
    %select_n3A_2318 = arith.select %and3A_2315, %sub3A_2317, %div3A_2296 : i32
    %mul3A_2319 = arith.constant 96 : i32
    %mul3A_2320 = arith.muli %select_n3A_2292, %mul3A_2319 : i32
    %dma_start3A_2321 = arith.constant 0 : i32
    %dma_start3A_2322 = tpu.memref_slice %arg3[%select_n3A_2236, %select_n3A_2276, %mul3A_2320, %dma_start3A_2321] : memref<3x16x384x384xf32, #tpu.memory_space<hbm>> -> memref<1x1x96x384xf32, #tpu.memory_space<hbm>>
    %dma_start3A_2323 = tpu.memref_squeeze %dma_start3A_2322 : memref<1x1x96x384xf32, #tpu.memory_space<hbm>> -> memref<96x384xf32, #tpu.memory_space<hbm>>
    %dma_start3A_2324 = arith.constant 0 : i32
    %dma_start3A_2325 = tpu.memref_slice %arg3[%select_n3A_2236, %select_n3A_2276, %mul3A_2320, %dma_start3A_2324] : memref<3x16x384x384xf32, #tpu.memory_space<hbm>> -> memref<1x1x96x384xf32, #tpu.memory_space<hbm>>
    %dma_start3A_2326 = tpu.memref_squeeze %dma_start3A_2325 : memref<1x1x96x384xf32, #tpu.memory_space<hbm>> -> memref<96x384xf32, #tpu.memory_space<hbm>>
    tpu.enqueue_dma source(%arg6 : memref<96x384xf32, #tpu.memory_space<vmem>>) target(%dma_start3A_2326 : memref<96x384xf32, #tpu.memory_space<hbm>>) target_semaphore(%arg12 : memref<!tpu.dma_semaphore, #tpu.memory_space<semaphore_mem>>)
    %mul3A_2327 = arith.constant 12 : i32
    %mul3A_2328 = arith.muli %add3A, %mul3A_2327 : i32
    %add3A_2329 = arith.constant 10 : i32
    %add3A_2330 = arith.addi %mul3A_2328, %add3A_2329 : i32
    %jit3A_2331 = arith.constant 64 : i32
    %div3A_2332 = arith.divsi %add3A_2330, %jit3A_2331 : i32
    %sign3A_2333 = arith.constant 0 : i32
    %sign3A_2334 = arith.cmpi sgt, %add3A_2330, %sign3A_2333 : i32
    %sign3A_2335 = arith.extui %sign3A_2334 : i1 to i32
    %sign3A_2336 = arith.constant 0 : i32
    %sign3A_2337 = arith.cmpi slt, %add3A_2330, %sign3A_2336 : i32
    %sign3A_2338 = arith.extui %sign3A_2337 : i1 to i32
    %sign3A_2339 = arith.subi %sign3A_2335, %sign3A_2338 : i32
    %sign3A_2340 = arith.constant 0 : i32
    %sign3A_2341 = arith.cmpi sgt, %jit3A_2331, %sign3A_2340 : i32
    %sign3A_2342 = arith.extui %sign3A_2341 : i1 to i32
    %sign3A_2343 = arith.constant 0 : i32
    %sign3A_2344 = arith.cmpi slt, %jit3A_2331, %sign3A_2343 : i32
    %sign3A_2345 = arith.extui %sign3A_2344 : i1 to i32
    %sign3A_2346 = arith.subi %sign3A_2342, %sign3A_2345 : i32
    %ne3A_2347 = arith.cmpi ne, %sign3A_2339, %sign3A_2346 : i32
    %rem3A_2348 = arith.remsi %add3A_2330, %jit3A_2331 : i32
    %ne3A_2349 = arith.constant 0 : i32
    %ne3A_2350 = arith.cmpi ne, %rem3A_2348, %ne3A_2349 : i32
    %and3A_2351 = arith.andi %ne3A_2347, %ne3A_2350 : i1
    %sub3A_2352 = arith.constant 1 : i32
    %sub3A_2353 = arith.subi %div3A_2332, %sub3A_2352 : i32
    %select_n3A_2354 = arith.select %and3A_2351, %sub3A_2353, %div3A_2332 : i32
    %jit3A_2355 = arith.constant 64 : i32
    %eq3A_2356 = arith.constant 0 : i32
    %eq3A_2357 = arith.cmpi eq, %jit3A_2355, %eq3A_2356 : i32
    %jit3A_2358 = arith.constant 1 : i32
    %select_n3A_2359 = arith.select %eq3A_2357, %jit3A_2358, %jit3A_2355 : i32
    %rem3A_2360 = arith.remsi %add3A_2330, %select_n3A_2359 : i32
    %ne3A_2361 = arith.constant 0 : i32
    %ne3A_2362 = arith.cmpi ne, %rem3A_2360, %ne3A_2361 : i32
    %lt3A_2363 = arith.constant 0 : i32
    %lt3A_2364 = arith.cmpi slt, %rem3A_2360, %lt3A_2363 : i32
    %lt3A_2365 = arith.constant 0 : i32
    %lt3A_2366 = arith.cmpi slt, %select_n3A_2359, %lt3A_2365 : i32
    %ne3A_2367 = arith.xori %lt3A_2364, %lt3A_2366 : i1
    %and3A_2368 = arith.andi %ne3A_2367, %ne3A_2362 : i1
    %add3A_2369 = arith.addi %rem3A_2360, %select_n3A_2359 : i32
    %select_n3A_2370 = arith.select %and3A_2368, %add3A_2369, %rem3A_2360 : i32
    %jit3A_2371 = arith.constant 4 : i32
    %div3A_2372 = arith.divsi %select_n3A_2370, %jit3A_2371 : i32
    %sign3A_2373 = arith.constant 0 : i32
    %sign3A_2374 = arith.cmpi sgt, %select_n3A_2370, %sign3A_2373 : i32
    %sign3A_2375 = arith.extui %sign3A_2374 : i1 to i32
    %sign3A_2376 = arith.constant 0 : i32
    %sign3A_2377 = arith.cmpi slt, %select_n3A_2370, %sign3A_2376 : i32
    %sign3A_2378 = arith.extui %sign3A_2377 : i1 to i32
    %sign3A_2379 = arith.subi %sign3A_2375, %sign3A_2378 : i32
    %sign3A_2380 = arith.constant 0 : i32
    %sign3A_2381 = arith.cmpi sgt, %jit3A_2371, %sign3A_2380 : i32
    %sign3A_2382 = arith.extui %sign3A_2381 : i1 to i32
    %sign3A_2383 = arith.constant 0 : i32
    %sign3A_2384 = arith.cmpi slt, %jit3A_2371, %sign3A_2383 : i32
    %sign3A_2385 = arith.extui %sign3A_2384 : i1 to i32
    %sign3A_2386 = arith.subi %sign3A_2382, %sign3A_2385 : i32
    %ne3A_2387 = arith.cmpi ne, %sign3A_2379, %sign3A_2386 : i32
    %rem3A_2388 = arith.remsi %select_n3A_2370, %jit3A_2371 : i32
    %ne3A_2389 = arith.constant 0 : i32
    %ne3A_2390 = arith.cmpi ne, %rem3A_2388, %ne3A_2389 : i32
    %and3A_2391 = arith.andi %ne3A_2387, %ne3A_2390 : i1
    %sub3A_2392 = arith.constant 1 : i32
    %sub3A_2393 = arith.subi %div3A_2372, %sub3A_2392 : i32
    %select_n3A_2394 = arith.select %and3A_2391, %sub3A_2393, %div3A_2372 : i32
    %jit3A_2395 = arith.constant 4 : i32
    %eq3A_2396 = arith.constant 0 : i32
    %eq3A_2397 = arith.cmpi eq, %jit3A_2395, %eq3A_2396 : i32
    %jit3A_2398 = arith.constant 1 : i32
    %select_n3A_2399 = arith.select %eq3A_2397, %jit3A_2398, %jit3A_2395 : i32
    %rem3A_2400 = arith.remsi %select_n3A_2370, %select_n3A_2399 : i32
    %ne3A_2401 = arith.constant 0 : i32
    %ne3A_2402 = arith.cmpi ne, %rem3A_2400, %ne3A_2401 : i32
    %lt3A_2403 = arith.constant 0 : i32
    %lt3A_2404 = arith.cmpi slt, %rem3A_2400, %lt3A_2403 : i32
    %lt3A_2405 = arith.constant 0 : i32
    %lt3A_2406 = arith.cmpi slt, %select_n3A_2399, %lt3A_2405 : i32
    %ne3A_2407 = arith.xori %lt3A_2404, %lt3A_2406 : i1
    %and3A_2408 = arith.andi %ne3A_2407, %ne3A_2402 : i1
    %add3A_2409 = arith.addi %rem3A_2400, %select_n3A_2399 : i32
    %select_n3A_2410 = arith.select %and3A_2408, %add3A_2409, %rem3A_2400 : i32
    %mul3A_2411 = arith.constant 63 : i32
    %mul3A_2412 = arith.muli %select_n3A_2394, %mul3A_2411 : i32
    %jit3A_2413 = arith.constant 15 : i32
    %div3A_2414 = arith.divsi %mul3A_2412, %jit3A_2413 : i32
    %sign3A_2415 = arith.constant 0 : i32
    %sign3A_2416 = arith.cmpi sgt, %mul3A_2412, %sign3A_2415 : i32
    %sign3A_2417 = arith.extui %sign3A_2416 : i1 to i32
    %sign3A_2418 = arith.constant 0 : i32
    %sign3A_2419 = arith.cmpi slt, %mul3A_2412, %sign3A_2418 : i32
    %sign3A_2420 = arith.extui %sign3A_2419 : i1 to i32
    %sign3A_2421 = arith.subi %sign3A_2417, %sign3A_2420 : i32
    %sign3A_2422 = arith.constant 0 : i32
    %sign3A_2423 = arith.cmpi sgt, %jit3A_2413, %sign3A_2422 : i32
    %sign3A_2424 = arith.extui %sign3A_2423 : i1 to i32
    %sign3A_2425 = arith.constant 0 : i32
    %sign3A_2426 = arith.cmpi slt, %jit3A_2413, %sign3A_2425 : i32
    %sign3A_2427 = arith.extui %sign3A_2426 : i1 to i32
    %sign3A_2428 = arith.subi %sign3A_2424, %sign3A_2427 : i32
    %ne3A_2429 = arith.cmpi ne, %sign3A_2421, %sign3A_2428 : i32
    %rem3A_2430 = arith.remsi %mul3A_2412, %jit3A_2413 : i32
    %ne3A_2431 = arith.constant 0 : i32
    %ne3A_2432 = arith.cmpi ne, %rem3A_2430, %ne3A_2431 : i32
    %and3A_2433 = arith.andi %ne3A_2429, %ne3A_2432 : i1
    %sub3A_2434 = arith.constant 1 : i32
    %sub3A_2435 = arith.subi %div3A_2414, %sub3A_2434 : i32
    %select_n3A_2436 = arith.select %and3A_2433, %sub3A_2435, %div3A_2414 : i32
    %mul3A_2437 = arith.constant 96 : i32
    %mul3A_2438 = arith.muli %select_n3A_2410, %mul3A_2437 : i32
    %dma_wait3A_2439 = arith.constant 0 : i32
    %dma_wait3A_2440 = tpu.memref_slice %arg3[%select_n3A_1988, %select_n3A_2028, %mul3A_2072, %dma_wait3A_2439] : memref<3x16x384x384xf32, #tpu.memory_space<hbm>> -> memref<1x1x96x384xf32, #tpu.memory_space<hbm>>
    %dma_wait3A_2441 = tpu.memref_squeeze %dma_wait3A_2440 : memref<1x1x96x384xf32, #tpu.memory_space<hbm>> -> memref<96x384xf32, #tpu.memory_space<hbm>>
    %dma_wait3A_2442 = arith.constant 0 : i32
    %dma_wait3A_2443 = tpu.memref_slice %arg3[%select_n3A_1988, %select_n3A_2028, %mul3A_2072, %dma_wait3A_2442] : memref<3x16x384x384xf32, #tpu.memory_space<hbm>> -> memref<1x1x96x384xf32, #tpu.memory_space<hbm>>
    %dma_wait3A_2444 = tpu.memref_squeeze %dma_wait3A_2443 : memref<1x1x96x384xf32, #tpu.memory_space<hbm>> -> memref<96x384xf32, #tpu.memory_space<hbm>>
    tpu.wait_dma2 semaphore(%arg11 : memref<!tpu.dma_semaphore, #tpu.memory_space<semaphore_mem>>) src(%arg5 : memref<96x384xf32, #tpu.memory_space<vmem>>) dst(%dma_wait3A_2444 : memref<96x384xf32, #tpu.memory_space<hbm>>)
    %dma_start3A_2445 = arith.constant 0 : i32
    %dma_start3A_2446 = tpu.memref_slice %arg2[%select_n3A_2354, %select_n3A_2436, %mul3A_2438, %dma_start3A_2445] : memref<3x64x384x384xf32, #tpu.memory_space<hbm>> -> memref<1x1x96x384xf32, #tpu.memory_space<hbm>>
    %dma_start3A_2447 = tpu.memref_squeeze %dma_start3A_2446 : memref<1x1x96x384xf32, #tpu.memory_space<hbm>> -> memref<96x384xf32, #tpu.memory_space<hbm>>
    %dma_start3A_2448 = arith.constant 0 : i32
    %dma_start3A_2449 = tpu.memref_slice %arg2[%select_n3A_2354, %select_n3A_2436, %mul3A_2438, %dma_start3A_2448] : memref<3x64x384x384xf32, #tpu.memory_space<hbm>> -> memref<1x1x96x384xf32, #tpu.memory_space<hbm>>
    %dma_start3A_2450 = tpu.memref_squeeze %dma_start3A_2449 : memref<1x1x96x384xf32, #tpu.memory_space<hbm>> -> memref<96x384xf32, #tpu.memory_space<hbm>>
    tpu.enqueue_dma source(%dma_start3A_2450 : memref<96x384xf32, #tpu.memory_space<hbm>>) target(%arg5 : memref<96x384xf32, #tpu.memory_space<vmem>>) target_semaphore(%arg8 : memref<!tpu.dma_semaphore, #tpu.memory_space<semaphore_mem>>)
    %dma_wait3A_2451 = arith.constant 0 : i32
    %dma_wait3A_2452 = tpu.memref_slice %arg2[%select_n3A_2106, %select_n3A_2188, %mul3A_2190, %dma_wait3A_2451] : memref<3x64x384x384xf32, #tpu.memory_space<hbm>> -> memref<1x1x96x384xf32, #tpu.memory_space<hbm>>
    %dma_wait3A_2453 = tpu.memref_squeeze %dma_wait3A_2452 : memref<1x1x96x384xf32, #tpu.memory_space<hbm>> -> memref<96x384xf32, #tpu.memory_space<hbm>>
    %dma_wait3A_2454 = arith.constant 0 : i32
    %dma_wait3A_2455 = tpu.memref_slice %arg2[%select_n3A_2106, %select_n3A_2188, %mul3A_2190, %dma_wait3A_2454] : memref<3x64x384x384xf32, #tpu.memory_space<hbm>> -> memref<1x1x96x384xf32, #tpu.memory_space<hbm>>
    %dma_wait3A_2456 = tpu.memref_squeeze %dma_wait3A_2455 : memref<1x1x96x384xf32, #tpu.memory_space<hbm>> -> memref<96x384xf32, #tpu.memory_space<hbm>>
    tpu.wait_dma2 semaphore(%arg7 : memref<!tpu.dma_semaphore, #tpu.memory_space<semaphore_mem>>) src(%dma_wait3A_2456 : memref<96x384xf32, #tpu.memory_space<hbm>>) dst(%arg4 : memref<96x384xf32, #tpu.memory_space<vmem>>)
    %mul3A_2457 = arith.constant 12 : i32
    %mul3A_2458 = arith.muli %add3A, %mul3A_2457 : i32
    %add3A_2459 = arith.constant 9 : i32
    %add3A_2460 = arith.addi %mul3A_2458, %add3A_2459 : i32
    %jit3A_2461 = arith.constant 64 : i32
    %div3A_2462 = arith.divsi %add3A_2460, %jit3A_2461 : i32
    %sign3A_2463 = arith.constant 0 : i32
    %sign3A_2464 = arith.cmpi sgt, %add3A_2460, %sign3A_2463 : i32
    %sign3A_2465 = arith.extui %sign3A_2464 : i1 to i32
    %sign3A_2466 = arith.constant 0 : i32
    %sign3A_2467 = arith.cmpi slt, %add3A_2460, %sign3A_2466 : i32
    %sign3A_2468 = arith.extui %sign3A_2467 : i1 to i32
    %sign3A_2469 = arith.subi %sign3A_2465, %sign3A_2468 : i32
    %sign3A_2470 = arith.constant 0 : i32
    %sign3A_2471 = arith.cmpi sgt, %jit3A_2461, %sign3A_2470 : i32
    %sign3A_2472 = arith.extui %sign3A_2471 : i1 to i32
    %sign3A_2473 = arith.constant 0 : i32
    %sign3A_2474 = arith.cmpi slt, %jit3A_2461, %sign3A_2473 : i32
    %sign3A_2475 = arith.extui %sign3A_2474 : i1 to i32
    %sign3A_2476 = arith.subi %sign3A_2472, %sign3A_2475 : i32
    %ne3A_2477 = arith.cmpi ne, %sign3A_2469, %sign3A_2476 : i32
    %rem3A_2478 = arith.remsi %add3A_2460, %jit3A_2461 : i32
    %ne3A_2479 = arith.constant 0 : i32
    %ne3A_2480 = arith.cmpi ne, %rem3A_2478, %ne3A_2479 : i32
    %and3A_2481 = arith.andi %ne3A_2477, %ne3A_2480 : i1
    %sub3A_2482 = arith.constant 1 : i32
    %sub3A_2483 = arith.subi %div3A_2462, %sub3A_2482 : i32
    %select_n3A_2484 = arith.select %and3A_2481, %sub3A_2483, %div3A_2462 : i32
    %jit3A_2485 = arith.constant 64 : i32
    %eq3A_2486 = arith.constant 0 : i32
    %eq3A_2487 = arith.cmpi eq, %jit3A_2485, %eq3A_2486 : i32
    %jit3A_2488 = arith.constant 1 : i32
    %select_n3A_2489 = arith.select %eq3A_2487, %jit3A_2488, %jit3A_2485 : i32
    %rem3A_2490 = arith.remsi %add3A_2460, %select_n3A_2489 : i32
    %ne3A_2491 = arith.constant 0 : i32
    %ne3A_2492 = arith.cmpi ne, %rem3A_2490, %ne3A_2491 : i32
    %lt3A_2493 = arith.constant 0 : i32
    %lt3A_2494 = arith.cmpi slt, %rem3A_2490, %lt3A_2493 : i32
    %lt3A_2495 = arith.constant 0 : i32
    %lt3A_2496 = arith.cmpi slt, %select_n3A_2489, %lt3A_2495 : i32
    %ne3A_2497 = arith.xori %lt3A_2494, %lt3A_2496 : i1
    %and3A_2498 = arith.andi %ne3A_2497, %ne3A_2492 : i1
    %add3A_2499 = arith.addi %rem3A_2490, %select_n3A_2489 : i32
    %select_n3A_2500 = arith.select %and3A_2498, %add3A_2499, %rem3A_2490 : i32
    %jit3A_2501 = arith.constant 4 : i32
    %div3A_2502 = arith.divsi %select_n3A_2500, %jit3A_2501 : i32
    %sign3A_2503 = arith.constant 0 : i32
    %sign3A_2504 = arith.cmpi sgt, %select_n3A_2500, %sign3A_2503 : i32
    %sign3A_2505 = arith.extui %sign3A_2504 : i1 to i32
    %sign3A_2506 = arith.constant 0 : i32
    %sign3A_2507 = arith.cmpi slt, %select_n3A_2500, %sign3A_2506 : i32
    %sign3A_2508 = arith.extui %sign3A_2507 : i1 to i32
    %sign3A_2509 = arith.subi %sign3A_2505, %sign3A_2508 : i32
    %sign3A_2510 = arith.constant 0 : i32
    %sign3A_2511 = arith.cmpi sgt, %jit3A_2501, %sign3A_2510 : i32
    %sign3A_2512 = arith.extui %sign3A_2511 : i1 to i32
    %sign3A_2513 = arith.constant 0 : i32
    %sign3A_2514 = arith.cmpi slt, %jit3A_2501, %sign3A_2513 : i32
    %sign3A_2515 = arith.extui %sign3A_2514 : i1 to i32
    %sign3A_2516 = arith.subi %sign3A_2512, %sign3A_2515 : i32
    %ne3A_2517 = arith.cmpi ne, %sign3A_2509, %sign3A_2516 : i32
    %rem3A_2518 = arith.remsi %select_n3A_2500, %jit3A_2501 : i32
    %ne3A_2519 = arith.constant 0 : i32
    %ne3A_2520 = arith.cmpi ne, %rem3A_2518, %ne3A_2519 : i32
    %and3A_2521 = arith.andi %ne3A_2517, %ne3A_2520 : i1
    %sub3A_2522 = arith.constant 1 : i32
    %sub3A_2523 = arith.subi %div3A_2502, %sub3A_2522 : i32
    %select_n3A_2524 = arith.select %and3A_2521, %sub3A_2523, %div3A_2502 : i32
    %jit3A_2525 = arith.constant 4 : i32
    %eq3A_2526 = arith.constant 0 : i32
    %eq3A_2527 = arith.cmpi eq, %jit3A_2525, %eq3A_2526 : i32
    %jit3A_2528 = arith.constant 1 : i32
    %select_n3A_2529 = arith.select %eq3A_2527, %jit3A_2528, %jit3A_2525 : i32
    %rem3A_2530 = arith.remsi %select_n3A_2500, %select_n3A_2529 : i32
    %ne3A_2531 = arith.constant 0 : i32
    %ne3A_2532 = arith.cmpi ne, %rem3A_2530, %ne3A_2531 : i32
    %lt3A_2533 = arith.constant 0 : i32
    %lt3A_2534 = arith.cmpi slt, %rem3A_2530, %lt3A_2533 : i32
    %lt3A_2535 = arith.constant 0 : i32
    %lt3A_2536 = arith.cmpi slt, %select_n3A_2529, %lt3A_2535 : i32
    %ne3A_2537 = arith.xori %lt3A_2534, %lt3A_2536 : i1
    %and3A_2538 = arith.andi %ne3A_2537, %ne3A_2532 : i1
    %add3A_2539 = arith.addi %rem3A_2530, %select_n3A_2529 : i32
    %select_n3A_2540 = arith.select %and3A_2538, %add3A_2539, %rem3A_2530 : i32
    %mul3A_2541 = arith.constant 63 : i32
    %mul3A_2542 = arith.muli %select_n3A_2524, %mul3A_2541 : i32
    %jit3A_2543 = arith.constant 15 : i32
    %div3A_2544 = arith.divsi %mul3A_2542, %jit3A_2543 : i32
    %sign3A_2545 = arith.constant 0 : i32
    %sign3A_2546 = arith.cmpi sgt, %mul3A_2542, %sign3A_2545 : i32
    %sign3A_2547 = arith.extui %sign3A_2546 : i1 to i32
    %sign3A_2548 = arith.constant 0 : i32
    %sign3A_2549 = arith.cmpi slt, %mul3A_2542, %sign3A_2548 : i32
    %sign3A_2550 = arith.extui %sign3A_2549 : i1 to i32
    %sign3A_2551 = arith.subi %sign3A_2547, %sign3A_2550 : i32
    %sign3A_2552 = arith.constant 0 : i32
    %sign3A_2553 = arith.cmpi sgt, %jit3A_2543, %sign3A_2552 : i32
    %sign3A_2554 = arith.extui %sign3A_2553 : i1 to i32
    %sign3A_2555 = arith.constant 0 : i32
    %sign3A_2556 = arith.cmpi slt, %jit3A_2543, %sign3A_2555 : i32
    %sign3A_2557 = arith.extui %sign3A_2556 : i1 to i32
    %sign3A_2558 = arith.subi %sign3A_2554, %sign3A_2557 : i32
    %ne3A_2559 = arith.cmpi ne, %sign3A_2551, %sign3A_2558 : i32
    %rem3A_2560 = arith.remsi %mul3A_2542, %jit3A_2543 : i32
    %ne3A_2561 = arith.constant 0 : i32
    %ne3A_2562 = arith.cmpi ne, %rem3A_2560, %ne3A_2561 : i32
    %and3A_2563 = arith.andi %ne3A_2559, %ne3A_2562 : i1
    %sub3A_2564 = arith.constant 1 : i32
    %sub3A_2565 = arith.subi %div3A_2544, %sub3A_2564 : i32
    %select_n3A_2566 = arith.select %and3A_2563, %sub3A_2565, %div3A_2544 : i32
    %mul3A_2567 = arith.constant 96 : i32
    %mul3A_2568 = arith.muli %select_n3A_2540, %mul3A_2567 : i32
    %dma_start3A_2569 = arith.constant 0 : i32
    %dma_start3A_2570 = tpu.memref_slice %arg3[%select_n3A_2484, %select_n3A_2524, %mul3A_2568, %dma_start3A_2569] : memref<3x16x384x384xf32, #tpu.memory_space<hbm>> -> memref<1x1x96x384xf32, #tpu.memory_space<hbm>>
    %dma_start3A_2571 = tpu.memref_squeeze %dma_start3A_2570 : memref<1x1x96x384xf32, #tpu.memory_space<hbm>> -> memref<96x384xf32, #tpu.memory_space<hbm>>
    %dma_start3A_2572 = arith.constant 0 : i32
    %dma_start3A_2573 = tpu.memref_slice %arg3[%select_n3A_2484, %select_n3A_2524, %mul3A_2568, %dma_start3A_2572] : memref<3x16x384x384xf32, #tpu.memory_space<hbm>> -> memref<1x1x96x384xf32, #tpu.memory_space<hbm>>
    %dma_start3A_2574 = tpu.memref_squeeze %dma_start3A_2573 : memref<1x1x96x384xf32, #tpu.memory_space<hbm>> -> memref<96x384xf32, #tpu.memory_space<hbm>>
    tpu.enqueue_dma source(%arg4 : memref<96x384xf32, #tpu.memory_space<vmem>>) target(%dma_start3A_2574 : memref<96x384xf32, #tpu.memory_space<hbm>>) target_semaphore(%arg10 : memref<!tpu.dma_semaphore, #tpu.memory_space<semaphore_mem>>)
    %mul3A_2575 = arith.constant 12 : i32
    %mul3A_2576 = arith.muli %add3A, %mul3A_2575 : i32
    %add3A_2577 = arith.constant 11 : i32
    %add3A_2578 = arith.addi %mul3A_2576, %add3A_2577 : i32
    %jit3A_2579 = arith.constant 64 : i32
    %div3A_2580 = arith.divsi %add3A_2578, %jit3A_2579 : i32
    %sign3A_2581 = arith.constant 0 : i32
    %sign3A_2582 = arith.cmpi sgt, %add3A_2578, %sign3A_2581 : i32
    %sign3A_2583 = arith.extui %sign3A_2582 : i1 to i32
    %sign3A_2584 = arith.constant 0 : i32
    %sign3A_2585 = arith.cmpi slt, %add3A_2578, %sign3A_2584 : i32
    %sign3A_2586 = arith.extui %sign3A_2585 : i1 to i32
    %sign3A_2587 = arith.subi %sign3A_2583, %sign3A_2586 : i32
    %sign3A_2588 = arith.constant 0 : i32
    %sign3A_2589 = arith.cmpi sgt, %jit3A_2579, %sign3A_2588 : i32
    %sign3A_2590 = arith.extui %sign3A_2589 : i1 to i32
    %sign3A_2591 = arith.constant 0 : i32
    %sign3A_2592 = arith.cmpi slt, %jit3A_2579, %sign3A_2591 : i32
    %sign3A_2593 = arith.extui %sign3A_2592 : i1 to i32
    %sign3A_2594 = arith.subi %sign3A_2590, %sign3A_2593 : i32
    %ne3A_2595 = arith.cmpi ne, %sign3A_2587, %sign3A_2594 : i32
    %rem3A_2596 = arith.remsi %add3A_2578, %jit3A_2579 : i32
    %ne3A_2597 = arith.constant 0 : i32
    %ne3A_2598 = arith.cmpi ne, %rem3A_2596, %ne3A_2597 : i32
    %and3A_2599 = arith.andi %ne3A_2595, %ne3A_2598 : i1
    %sub3A_2600 = arith.constant 1 : i32
    %sub3A_2601 = arith.subi %div3A_2580, %sub3A_2600 : i32
    %select_n3A_2602 = arith.select %and3A_2599, %sub3A_2601, %div3A_2580 : i32
    %jit3A_2603 = arith.constant 64 : i32
    %eq3A_2604 = arith.constant 0 : i32
    %eq3A_2605 = arith.cmpi eq, %jit3A_2603, %eq3A_2604 : i32
    %jit3A_2606 = arith.constant 1 : i32
    %select_n3A_2607 = arith.select %eq3A_2605, %jit3A_2606, %jit3A_2603 : i32
    %rem3A_2608 = arith.remsi %add3A_2578, %select_n3A_2607 : i32
    %ne3A_2609 = arith.constant 0 : i32
    %ne3A_2610 = arith.cmpi ne, %rem3A_2608, %ne3A_2609 : i32
    %lt3A_2611 = arith.constant 0 : i32
    %lt3A_2612 = arith.cmpi slt, %rem3A_2608, %lt3A_2611 : i32
    %lt3A_2613 = arith.constant 0 : i32
    %lt3A_2614 = arith.cmpi slt, %select_n3A_2607, %lt3A_2613 : i32
    %ne3A_2615 = arith.xori %lt3A_2612, %lt3A_2614 : i1
    %and3A_2616 = arith.andi %ne3A_2615, %ne3A_2610 : i1
    %add3A_2617 = arith.addi %rem3A_2608, %select_n3A_2607 : i32
    %select_n3A_2618 = arith.select %and3A_2616, %add3A_2617, %rem3A_2608 : i32
    %jit3A_2619 = arith.constant 4 : i32
    %div3A_2620 = arith.divsi %select_n3A_2618, %jit3A_2619 : i32
    %sign3A_2621 = arith.constant 0 : i32
    %sign3A_2622 = arith.cmpi sgt, %select_n3A_2618, %sign3A_2621 : i32
    %sign3A_2623 = arith.extui %sign3A_2622 : i1 to i32
    %sign3A_2624 = arith.constant 0 : i32
    %sign3A_2625 = arith.cmpi slt, %select_n3A_2618, %sign3A_2624 : i32
    %sign3A_2626 = arith.extui %sign3A_2625 : i1 to i32
    %sign3A_2627 = arith.subi %sign3A_2623, %sign3A_2626 : i32
    %sign3A_2628 = arith.constant 0 : i32
    %sign3A_2629 = arith.cmpi sgt, %jit3A_2619, %sign3A_2628 : i32
    %sign3A_2630 = arith.extui %sign3A_2629 : i1 to i32
    %sign3A_2631 = arith.constant 0 : i32
    %sign3A_2632 = arith.cmpi slt, %jit3A_2619, %sign3A_2631 : i32
    %sign3A_2633 = arith.extui %sign3A_2632 : i1 to i32
    %sign3A_2634 = arith.subi %sign3A_2630, %sign3A_2633 : i32
    %ne3A_2635 = arith.cmpi ne, %sign3A_2627, %sign3A_2634 : i32
    %rem3A_2636 = arith.remsi %select_n3A_2618, %jit3A_2619 : i32
    %ne3A_2637 = arith.constant 0 : i32
    %ne3A_2638 = arith.cmpi ne, %rem3A_2636, %ne3A_2637 : i32
    %and3A_2639 = arith.andi %ne3A_2635, %ne3A_2638 : i1
    %sub3A_2640 = arith.constant 1 : i32
    %sub3A_2641 = arith.subi %div3A_2620, %sub3A_2640 : i32
    %select_n3A_2642 = arith.select %and3A_2639, %sub3A_2641, %div3A_2620 : i32
    %jit3A_2643 = arith.constant 4 : i32
    %eq3A_2644 = arith.constant 0 : i32
    %eq3A_2645 = arith.cmpi eq, %jit3A_2643, %eq3A_2644 : i32
    %jit3A_2646 = arith.constant 1 : i32
    %select_n3A_2647 = arith.select %eq3A_2645, %jit3A_2646, %jit3A_2643 : i32
    %rem3A_2648 = arith.remsi %select_n3A_2618, %select_n3A_2647 : i32
    %ne3A_2649 = arith.constant 0 : i32
    %ne3A_2650 = arith.cmpi ne, %rem3A_2648, %ne3A_2649 : i32
    %lt3A_2651 = arith.constant 0 : i32
    %lt3A_2652 = arith.cmpi slt, %rem3A_2648, %lt3A_2651 : i32
    %lt3A_2653 = arith.constant 0 : i32
    %lt3A_2654 = arith.cmpi slt, %select_n3A_2647, %lt3A_2653 : i32
    %ne3A_2655 = arith.xori %lt3A_2652, %lt3A_2654 : i1
    %and3A_2656 = arith.andi %ne3A_2655, %ne3A_2650 : i1
    %add3A_2657 = arith.addi %rem3A_2648, %select_n3A_2647 : i32
    %select_n3A_2658 = arith.select %and3A_2656, %add3A_2657, %rem3A_2648 : i32
    %mul3A_2659 = arith.constant 63 : i32
    %mul3A_2660 = arith.muli %select_n3A_2642, %mul3A_2659 : i32
    %jit3A_2661 = arith.constant 15 : i32
    %div3A_2662 = arith.divsi %mul3A_2660, %jit3A_2661 : i32
    %sign3A_2663 = arith.constant 0 : i32
    %sign3A_2664 = arith.cmpi sgt, %mul3A_2660, %sign3A_2663 : i32
    %sign3A_2665 = arith.extui %sign3A_2664 : i1 to i32
    %sign3A_2666 = arith.constant 0 : i32
    %sign3A_2667 = arith.cmpi slt, %mul3A_2660, %sign3A_2666 : i32
    %sign3A_2668 = arith.extui %sign3A_2667 : i1 to i32
    %sign3A_2669 = arith.subi %sign3A_2665, %sign3A_2668 : i32
    %sign3A_2670 = arith.constant 0 : i32
    %sign3A_2671 = arith.cmpi sgt, %jit3A_2661, %sign3A_2670 : i32
    %sign3A_2672 = arith.extui %sign3A_2671 : i1 to i32
    %sign3A_2673 = arith.constant 0 : i32
    %sign3A_2674 = arith.cmpi slt, %jit3A_2661, %sign3A_2673 : i32
    %sign3A_2675 = arith.extui %sign3A_2674 : i1 to i32
    %sign3A_2676 = arith.subi %sign3A_2672, %sign3A_2675 : i32
    %ne3A_2677 = arith.cmpi ne, %sign3A_2669, %sign3A_2676 : i32
    %rem3A_2678 = arith.remsi %mul3A_2660, %jit3A_2661 : i32
    %ne3A_2679 = arith.constant 0 : i32
    %ne3A_2680 = arith.cmpi ne, %rem3A_2678, %ne3A_2679 : i32
    %and3A_2681 = arith.andi %ne3A_2677, %ne3A_2680 : i1
    %sub3A_2682 = arith.constant 1 : i32
    %sub3A_2683 = arith.subi %div3A_2662, %sub3A_2682 : i32
    %select_n3A_2684 = arith.select %and3A_2681, %sub3A_2683, %div3A_2662 : i32
    %mul3A_2685 = arith.constant 96 : i32
    %mul3A_2686 = arith.muli %select_n3A_2658, %mul3A_2685 : i32
    %dma_wait3A_2687 = arith.constant 0 : i32
    %dma_wait3A_2688 = tpu.memref_slice %arg3[%select_n3A_2236, %select_n3A_2276, %mul3A_2320, %dma_wait3A_2687] : memref<3x16x384x384xf32, #tpu.memory_space<hbm>> -> memref<1x1x96x384xf32, #tpu.memory_space<hbm>>
    %dma_wait3A_2689 = tpu.memref_squeeze %dma_wait3A_2688 : memref<1x1x96x384xf32, #tpu.memory_space<hbm>> -> memref<96x384xf32, #tpu.memory_space<hbm>>
    %dma_wait3A_2690 = arith.constant 0 : i32
    %dma_wait3A_2691 = tpu.memref_slice %arg3[%select_n3A_2236, %select_n3A_2276, %mul3A_2320, %dma_wait3A_2690] : memref<3x16x384x384xf32, #tpu.memory_space<hbm>> -> memref<1x1x96x384xf32, #tpu.memory_space<hbm>>
    %dma_wait3A_2692 = tpu.memref_squeeze %dma_wait3A_2691 : memref<1x1x96x384xf32, #tpu.memory_space<hbm>> -> memref<96x384xf32, #tpu.memory_space<hbm>>
    tpu.wait_dma2 semaphore(%arg12 : memref<!tpu.dma_semaphore, #tpu.memory_space<semaphore_mem>>) src(%arg6 : memref<96x384xf32, #tpu.memory_space<vmem>>) dst(%dma_wait3A_2692 : memref<96x384xf32, #tpu.memory_space<hbm>>)
    %dma_start3A_2693 = arith.constant 0 : i32
    %dma_start3A_2694 = tpu.memref_slice %arg2[%select_n3A_2602, %select_n3A_2684, %mul3A_2686, %dma_start3A_2693] : memref<3x64x384x384xf32, #tpu.memory_space<hbm>> -> memref<1x1x96x384xf32, #tpu.memory_space<hbm>>
    %dma_start3A_2695 = tpu.memref_squeeze %dma_start3A_2694 : memref<1x1x96x384xf32, #tpu.memory_space<hbm>> -> memref<96x384xf32, #tpu.memory_space<hbm>>
    %dma_start3A_2696 = arith.constant 0 : i32
    %dma_start3A_2697 = tpu.memref_slice %arg2[%select_n3A_2602, %select_n3A_2684, %mul3A_2686, %dma_start3A_2696] : memref<3x64x384x384xf32, #tpu.memory_space<hbm>> -> memref<1x1x96x384xf32, #tpu.memory_space<hbm>>
    %dma_start3A_2698 = tpu.memref_squeeze %dma_start3A_2697 : memref<1x1x96x384xf32, #tpu.memory_space<hbm>> -> memref<96x384xf32, #tpu.memory_space<hbm>>
    tpu.enqueue_dma source(%dma_start3A_2698 : memref<96x384xf32, #tpu.memory_space<hbm>>) target(%arg6 : memref<96x384xf32, #tpu.memory_space<vmem>>) target_semaphore(%arg9 : memref<!tpu.dma_semaphore, #tpu.memory_space<semaphore_mem>>)
    %dma_wait3A_2699 = arith.constant 0 : i32
    %dma_wait3A_2700 = tpu.memref_slice %arg2[%select_n3A_2354, %select_n3A_2436, %mul3A_2438, %dma_wait3A_2699] : memref<3x64x384x384xf32, #tpu.memory_space<hbm>> -> memref<1x1x96x384xf32, #tpu.memory_space<hbm>>
    %dma_wait3A_2701 = tpu.memref_squeeze %dma_wait3A_2700 : memref<1x1x96x384xf32, #tpu.memory_space<hbm>> -> memref<96x384xf32, #tpu.memory_space<hbm>>
    %dma_wait3A_2702 = arith.constant 0 : i32
    %dma_wait3A_2703 = tpu.memref_slice %arg2[%select_n3A_2354, %select_n3A_2436, %mul3A_2438, %dma_wait3A_2702] : memref<3x64x384x384xf32, #tpu.memory_space<hbm>> -> memref<1x1x96x384xf32, #tpu.memory_space<hbm>>
    %dma_wait3A_2704 = tpu.memref_squeeze %dma_wait3A_2703 : memref<1x1x96x384xf32, #tpu.memory_space<hbm>> -> memref<96x384xf32, #tpu.memory_space<hbm>>
    tpu.wait_dma2 semaphore(%arg8 : memref<!tpu.dma_semaphore, #tpu.memory_space<semaphore_mem>>) src(%dma_wait3A_2704 : memref<96x384xf32, #tpu.memory_space<hbm>>) dst(%arg5 : memref<96x384xf32, #tpu.memory_space<vmem>>)
    %mul3A_2705 = arith.constant 12 : i32
    %mul3A_2706 = arith.muli %add3A, %mul3A_2705 : i32
    %add3A_2707 = arith.constant 10 : i32
    %add3A_2708 = arith.addi %mul3A_2706, %add3A_2707 : i32
    %jit3A_2709 = arith.constant 64 : i32
    %div3A_2710 = arith.divsi %add3A_2708, %jit3A_2709 : i32
    %sign3A_2711 = arith.constant 0 : i32
    %sign3A_2712 = arith.cmpi sgt, %add3A_2708, %sign3A_2711 : i32
    %sign3A_2713 = arith.extui %sign3A_2712 : i1 to i32
    %sign3A_2714 = arith.constant 0 : i32
    %sign3A_2715 = arith.cmpi slt, %add3A_2708, %sign3A_2714 : i32
    %sign3A_2716 = arith.extui %sign3A_2715 : i1 to i32
    %sign3A_2717 = arith.subi %sign3A_2713, %sign3A_2716 : i32
    %sign3A_2718 = arith.constant 0 : i32
    %sign3A_2719 = arith.cmpi sgt, %jit3A_2709, %sign3A_2718 : i32
    %sign3A_2720 = arith.extui %sign3A_2719 : i1 to i32
    %sign3A_2721 = arith.constant 0 : i32
    %sign3A_2722 = arith.cmpi slt, %jit3A_2709, %sign3A_2721 : i32
    %sign3A_2723 = arith.extui %sign3A_2722 : i1 to i32
    %sign3A_2724 = arith.subi %sign3A_2720, %sign3A_2723 : i32
    %ne3A_2725 = arith.cmpi ne, %sign3A_2717, %sign3A_2724 : i32
    %rem3A_2726 = arith.remsi %add3A_2708, %jit3A_2709 : i32
    %ne3A_2727 = arith.constant 0 : i32
    %ne3A_2728 = arith.cmpi ne, %rem3A_2726, %ne3A_2727 : i32
    %and3A_2729 = arith.andi %ne3A_2725, %ne3A_2728 : i1
    %sub3A_2730 = arith.constant 1 : i32
    %sub3A_2731 = arith.subi %div3A_2710, %sub3A_2730 : i32
    %select_n3A_2732 = arith.select %and3A_2729, %sub3A_2731, %div3A_2710 : i32
    %jit3A_2733 = arith.constant 64 : i32
    %eq3A_2734 = arith.constant 0 : i32
    %eq3A_2735 = arith.cmpi eq, %jit3A_2733, %eq3A_2734 : i32
    %jit3A_2736 = arith.constant 1 : i32
    %select_n3A_2737 = arith.select %eq3A_2735, %jit3A_2736, %jit3A_2733 : i32
    %rem3A_2738 = arith.remsi %add3A_2708, %select_n3A_2737 : i32
    %ne3A_2739 = arith.constant 0 : i32
    %ne3A_2740 = arith.cmpi ne, %rem3A_2738, %ne3A_2739 : i32
    %lt3A_2741 = arith.constant 0 : i32
    %lt3A_2742 = arith.cmpi slt, %rem3A_2738, %lt3A_2741 : i32
    %lt3A_2743 = arith.constant 0 : i32
    %lt3A_2744 = arith.cmpi slt, %select_n3A_2737, %lt3A_2743 : i32
    %ne3A_2745 = arith.xori %lt3A_2742, %lt3A_2744 : i1
    %and3A_2746 = arith.andi %ne3A_2745, %ne3A_2740 : i1
    %add3A_2747 = arith.addi %rem3A_2738, %select_n3A_2737 : i32
    %select_n3A_2748 = arith.select %and3A_2746, %add3A_2747, %rem3A_2738 : i32
    %jit3A_2749 = arith.constant 4 : i32
    %div3A_2750 = arith.divsi %select_n3A_2748, %jit3A_2749 : i32
    %sign3A_2751 = arith.constant 0 : i32
    %sign3A_2752 = arith.cmpi sgt, %select_n3A_2748, %sign3A_2751 : i32
    %sign3A_2753 = arith.extui %sign3A_2752 : i1 to i32
    %sign3A_2754 = arith.constant 0 : i32
    %sign3A_2755 = arith.cmpi slt, %select_n3A_2748, %sign3A_2754 : i32
    %sign3A_2756 = arith.extui %sign3A_2755 : i1 to i32
    %sign3A_2757 = arith.subi %sign3A_2753, %sign3A_2756 : i32
    %sign3A_2758 = arith.constant 0 : i32
    %sign3A_2759 = arith.cmpi sgt, %jit3A_2749, %sign3A_2758 : i32
    %sign3A_2760 = arith.extui %sign3A_2759 : i1 to i32
    %sign3A_2761 = arith.constant 0 : i32
    %sign3A_2762 = arith.cmpi slt, %jit3A_2749, %sign3A_2761 : i32
    %sign3A_2763 = arith.extui %sign3A_2762 : i1 to i32
    %sign3A_2764 = arith.subi %sign3A_2760, %sign3A_2763 : i32
    %ne3A_2765 = arith.cmpi ne, %sign3A_2757, %sign3A_2764 : i32
    %rem3A_2766 = arith.remsi %select_n3A_2748, %jit3A_2749 : i32
    %ne3A_2767 = arith.constant 0 : i32
    %ne3A_2768 = arith.cmpi ne, %rem3A_2766, %ne3A_2767 : i32
    %and3A_2769 = arith.andi %ne3A_2765, %ne3A_2768 : i1
    %sub3A_2770 = arith.constant 1 : i32
    %sub3A_2771 = arith.subi %div3A_2750, %sub3A_2770 : i32
    %select_n3A_2772 = arith.select %and3A_2769, %sub3A_2771, %div3A_2750 : i32
    %jit3A_2773 = arith.constant 4 : i32
    %eq3A_2774 = arith.constant 0 : i32
    %eq3A_2775 = arith.cmpi eq, %jit3A_2773, %eq3A_2774 : i32
    %jit3A_2776 = arith.constant 1 : i32
    %select_n3A_2777 = arith.select %eq3A_2775, %jit3A_2776, %jit3A_2773 : i32
    %rem3A_2778 = arith.remsi %select_n3A_2748, %select_n3A_2777 : i32
    %ne3A_2779 = arith.constant 0 : i32
    %ne3A_2780 = arith.cmpi ne, %rem3A_2778, %ne3A_2779 : i32
    %lt3A_2781 = arith.constant 0 : i32
    %lt3A_2782 = arith.cmpi slt, %rem3A_2778, %lt3A_2781 : i32
    %lt3A_2783 = arith.constant 0 : i32
    %lt3A_2784 = arith.cmpi slt, %select_n3A_2777, %lt3A_2783 : i32
    %ne3A_2785 = arith.xori %lt3A_2782, %lt3A_2784 : i1
    %and3A_2786 = arith.andi %ne3A_2785, %ne3A_2780 : i1
    %add3A_2787 = arith.addi %rem3A_2778, %select_n3A_2777 : i32
    %select_n3A_2788 = arith.select %and3A_2786, %add3A_2787, %rem3A_2778 : i32
    %mul3A_2789 = arith.constant 63 : i32
    %mul3A_2790 = arith.muli %select_n3A_2772, %mul3A_2789 : i32
    %jit3A_2791 = arith.constant 15 : i32
    %div3A_2792 = arith.divsi %mul3A_2790, %jit3A_2791 : i32
    %sign3A_2793 = arith.constant 0 : i32
    %sign3A_2794 = arith.cmpi sgt, %mul3A_2790, %sign3A_2793 : i32
    %sign3A_2795 = arith.extui %sign3A_2794 : i1 to i32
    %sign3A_2796 = arith.constant 0 : i32
    %sign3A_2797 = arith.cmpi slt, %mul3A_2790, %sign3A_2796 : i32
    %sign3A_2798 = arith.extui %sign3A_2797 : i1 to i32
    %sign3A_2799 = arith.subi %sign3A_2795, %sign3A_2798 : i32
    %sign3A_2800 = arith.constant 0 : i32
    %sign3A_2801 = arith.cmpi sgt, %jit3A_2791, %sign3A_2800 : i32
    %sign3A_2802 = arith.extui %sign3A_2801 : i1 to i32
    %sign3A_2803 = arith.constant 0 : i32
    %sign3A_2804 = arith.cmpi slt, %jit3A_2791, %sign3A_2803 : i32
    %sign3A_2805 = arith.extui %sign3A_2804 : i1 to i32
    %sign3A_2806 = arith.subi %sign3A_2802, %sign3A_2805 : i32
    %ne3A_2807 = arith.cmpi ne, %sign3A_2799, %sign3A_2806 : i32
    %rem3A_2808 = arith.remsi %mul3A_2790, %jit3A_2791 : i32
    %ne3A_2809 = arith.constant 0 : i32
    %ne3A_2810 = arith.cmpi ne, %rem3A_2808, %ne3A_2809 : i32
    %and3A_2811 = arith.andi %ne3A_2807, %ne3A_2810 : i1
    %sub3A_2812 = arith.constant 1 : i32
    %sub3A_2813 = arith.subi %div3A_2792, %sub3A_2812 : i32
    %select_n3A_2814 = arith.select %and3A_2811, %sub3A_2813, %div3A_2792 : i32
    %mul3A_2815 = arith.constant 96 : i32
    %mul3A_2816 = arith.muli %select_n3A_2788, %mul3A_2815 : i32
    %dma_start3A_2817 = arith.constant 0 : i32
    %dma_start3A_2818 = tpu.memref_slice %arg3[%select_n3A_2732, %select_n3A_2772, %mul3A_2816, %dma_start3A_2817] : memref<3x16x384x384xf32, #tpu.memory_space<hbm>> -> memref<1x1x96x384xf32, #tpu.memory_space<hbm>>
    %dma_start3A_2819 = tpu.memref_squeeze %dma_start3A_2818 : memref<1x1x96x384xf32, #tpu.memory_space<hbm>> -> memref<96x384xf32, #tpu.memory_space<hbm>>
    %dma_start3A_2820 = arith.constant 0 : i32
    %dma_start3A_2821 = tpu.memref_slice %arg3[%select_n3A_2732, %select_n3A_2772, %mul3A_2816, %dma_start3A_2820] : memref<3x16x384x384xf32, #tpu.memory_space<hbm>> -> memref<1x1x96x384xf32, #tpu.memory_space<hbm>>
    %dma_start3A_2822 = tpu.memref_squeeze %dma_start3A_2821 : memref<1x1x96x384xf32, #tpu.memory_space<hbm>> -> memref<96x384xf32, #tpu.memory_space<hbm>>
    tpu.enqueue_dma source(%arg5 : memref<96x384xf32, #tpu.memory_space<vmem>>) target(%dma_start3A_2822 : memref<96x384xf32, #tpu.memory_space<hbm>>) target_semaphore(%arg11 : memref<!tpu.dma_semaphore, #tpu.memory_space<semaphore_mem>>)
    %dma_wait3A_2823 = arith.constant 0 : i32
    %dma_wait3A_2824 = tpu.memref_slice %arg2[%select_n3A_2602, %select_n3A_2684, %mul3A_2686, %dma_wait3A_2823] : memref<3x64x384x384xf32, #tpu.memory_space<hbm>> -> memref<1x1x96x384xf32, #tpu.memory_space<hbm>>
    %dma_wait3A_2825 = tpu.memref_squeeze %dma_wait3A_2824 : memref<1x1x96x384xf32, #tpu.memory_space<hbm>> -> memref<96x384xf32, #tpu.memory_space<hbm>>
    %dma_wait3A_2826 = arith.constant 0 : i32
    %dma_wait3A_2827 = tpu.memref_slice %arg2[%select_n3A_2602, %select_n3A_2684, %mul3A_2686, %dma_wait3A_2826] : memref<3x64x384x384xf32, #tpu.memory_space<hbm>> -> memref<1x1x96x384xf32, #tpu.memory_space<hbm>>
    %dma_wait3A_2828 = tpu.memref_squeeze %dma_wait3A_2827 : memref<1x1x96x384xf32, #tpu.memory_space<hbm>> -> memref<96x384xf32, #tpu.memory_space<hbm>>
    tpu.wait_dma2 semaphore(%arg9 : memref<!tpu.dma_semaphore, #tpu.memory_space<semaphore_mem>>) src(%dma_wait3A_2828 : memref<96x384xf32, #tpu.memory_space<hbm>>) dst(%arg6 : memref<96x384xf32, #tpu.memory_space<vmem>>)
    %mul3A_2829 = arith.constant 12 : i32
    %mul3A_2830 = arith.muli %add3A, %mul3A_2829 : i32
    %add3A_2831 = arith.constant 11 : i32
    %add3A_2832 = arith.addi %mul3A_2830, %add3A_2831 : i32
    %jit3A_2833 = arith.constant 64 : i32
    %div3A_2834 = arith.divsi %add3A_2832, %jit3A_2833 : i32
    %sign3A_2835 = arith.constant 0 : i32
    %sign3A_2836 = arith.cmpi sgt, %add3A_2832, %sign3A_2835 : i32
    %sign3A_2837 = arith.extui %sign3A_2836 : i1 to i32
    %sign3A_2838 = arith.constant 0 : i32
    %sign3A_2839 = arith.cmpi slt, %add3A_2832, %sign3A_2838 : i32
    %sign3A_2840 = arith.extui %sign3A_2839 : i1 to i32
    %sign3A_2841 = arith.subi %sign3A_2837, %sign3A_2840 : i32
    %sign3A_2842 = arith.constant 0 : i32
    %sign3A_2843 = arith.cmpi sgt, %jit3A_2833, %sign3A_2842 : i32
    %sign3A_2844 = arith.extui %sign3A_2843 : i1 to i32
    %sign3A_2845 = arith.constant 0 : i32
    %sign3A_2846 = arith.cmpi slt, %jit3A_2833, %sign3A_2845 : i32
    %sign3A_2847 = arith.extui %sign3A_2846 : i1 to i32
    %sign3A_2848 = arith.subi %sign3A_2844, %sign3A_2847 : i32
    %ne3A_2849 = arith.cmpi ne, %sign3A_2841, %sign3A_2848 : i32
    %rem3A_2850 = arith.remsi %add3A_2832, %jit3A_2833 : i32
    %ne3A_2851 = arith.constant 0 : i32
    %ne3A_2852 = arith.cmpi ne, %rem3A_2850, %ne3A_2851 : i32
    %and3A_2853 = arith.andi %ne3A_2849, %ne3A_2852 : i1
    %sub3A_2854 = arith.constant 1 : i32
    %sub3A_2855 = arith.subi %div3A_2834, %sub3A_2854 : i32
    %select_n3A_2856 = arith.select %and3A_2853, %sub3A_2855, %div3A_2834 : i32
    %jit3A_2857 = arith.constant 64 : i32
    %eq3A_2858 = arith.constant 0 : i32
    %eq3A_2859 = arith.cmpi eq, %jit3A_2857, %eq3A_2858 : i32
    %jit3A_2860 = arith.constant 1 : i32
    %select_n3A_2861 = arith.select %eq3A_2859, %jit3A_2860, %jit3A_2857 : i32
    %rem3A_2862 = arith.remsi %add3A_2832, %select_n3A_2861 : i32
    %ne3A_2863 = arith.constant 0 : i32
    %ne3A_2864 = arith.cmpi ne, %rem3A_2862, %ne3A_2863 : i32
    %lt3A_2865 = arith.constant 0 : i32
    %lt3A_2866 = arith.cmpi slt, %rem3A_2862, %lt3A_2865 : i32
    %lt3A_2867 = arith.constant 0 : i32
    %lt3A_2868 = arith.cmpi slt, %select_n3A_2861, %lt3A_2867 : i32
    %ne3A_2869 = arith.xori %lt3A_2866, %lt3A_2868 : i1
    %and3A_2870 = arith.andi %ne3A_2869, %ne3A_2864 : i1
    %add3A_2871 = arith.addi %rem3A_2862, %select_n3A_2861 : i32
    %select_n3A_2872 = arith.select %and3A_2870, %add3A_2871, %rem3A_2862 : i32
    %jit3A_2873 = arith.constant 4 : i32
    %div3A_2874 = arith.divsi %select_n3A_2872, %jit3A_2873 : i32
    %sign3A_2875 = arith.constant 0 : i32
    %sign3A_2876 = arith.cmpi sgt, %select_n3A_2872, %sign3A_2875 : i32
    %sign3A_2877 = arith.extui %sign3A_2876 : i1 to i32
    %sign3A_2878 = arith.constant 0 : i32
    %sign3A_2879 = arith.cmpi slt, %select_n3A_2872, %sign3A_2878 : i32
    %sign3A_2880 = arith.extui %sign3A_2879 : i1 to i32
    %sign3A_2881 = arith.subi %sign3A_2877, %sign3A_2880 : i32
    %sign3A_2882 = arith.constant 0 : i32
    %sign3A_2883 = arith.cmpi sgt, %jit3A_2873, %sign3A_2882 : i32
    %sign3A_2884 = arith.extui %sign3A_2883 : i1 to i32
    %sign3A_2885 = arith.constant 0 : i32
    %sign3A_2886 = arith.cmpi slt, %jit3A_2873, %sign3A_2885 : i32
    %sign3A_2887 = arith.extui %sign3A_2886 : i1 to i32
    %sign3A_2888 = arith.subi %sign3A_2884, %sign3A_2887 : i32
    %ne3A_2889 = arith.cmpi ne, %sign3A_2881, %sign3A_2888 : i32
    %rem3A_2890 = arith.remsi %select_n3A_2872, %jit3A_2873 : i32
    %ne3A_2891 = arith.constant 0 : i32
    %ne3A_2892 = arith.cmpi ne, %rem3A_2890, %ne3A_2891 : i32
    %and3A_2893 = arith.andi %ne3A_2889, %ne3A_2892 : i1
    %sub3A_2894 = arith.constant 1 : i32
    %sub3A_2895 = arith.subi %div3A_2874, %sub3A_2894 : i32
    %select_n3A_2896 = arith.select %and3A_2893, %sub3A_2895, %div3A_2874 : i32
    %jit3A_2897 = arith.constant 4 : i32
    %eq3A_2898 = arith.constant 0 : i32
    %eq3A_2899 = arith.cmpi eq, %jit3A_2897, %eq3A_2898 : i32
    %jit3A_2900 = arith.constant 1 : i32
    %select_n3A_2901 = arith.select %eq3A_2899, %jit3A_2900, %jit3A_2897 : i32
    %rem3A_2902 = arith.remsi %select_n3A_2872, %select_n3A_2901 : i32
    %ne3A_2903 = arith.constant 0 : i32
    %ne3A_2904 = arith.cmpi ne, %rem3A_2902, %ne3A_2903 : i32
    %lt3A_2905 = arith.constant 0 : i32
    %lt3A_2906 = arith.cmpi slt, %rem3A_2902, %lt3A_2905 : i32
    %lt3A_2907 = arith.constant 0 : i32
    %lt3A_2908 = arith.cmpi slt, %select_n3A_2901, %lt3A_2907 : i32
    %ne3A_2909 = arith.xori %lt3A_2906, %lt3A_2908 : i1
    %and3A_2910 = arith.andi %ne3A_2909, %ne3A_2904 : i1
    %add3A_2911 = arith.addi %rem3A_2902, %select_n3A_2901 : i32
    %select_n3A_2912 = arith.select %and3A_2910, %add3A_2911, %rem3A_2902 : i32
    %mul3A_2913 = arith.constant 63 : i32
    %mul3A_2914 = arith.muli %select_n3A_2896, %mul3A_2913 : i32
    %jit3A_2915 = arith.constant 15 : i32
    %div3A_2916 = arith.divsi %mul3A_2914, %jit3A_2915 : i32
    %sign3A_2917 = arith.constant 0 : i32
    %sign3A_2918 = arith.cmpi sgt, %mul3A_2914, %sign3A_2917 : i32
    %sign3A_2919 = arith.extui %sign3A_2918 : i1 to i32
    %sign3A_2920 = arith.constant 0 : i32
    %sign3A_2921 = arith.cmpi slt, %mul3A_2914, %sign3A_2920 : i32
    %sign3A_2922 = arith.extui %sign3A_2921 : i1 to i32
    %sign3A_2923 = arith.subi %sign3A_2919, %sign3A_2922 : i32
    %sign3A_2924 = arith.constant 0 : i32
    %sign3A_2925 = arith.cmpi sgt, %jit3A_2915, %sign3A_2924 : i32
    %sign3A_2926 = arith.extui %sign3A_2925 : i1 to i32
    %sign3A_2927 = arith.constant 0 : i32
    %sign3A_2928 = arith.cmpi slt, %jit3A_2915, %sign3A_2927 : i32
    %sign3A_2929 = arith.extui %sign3A_2928 : i1 to i32
    %sign3A_2930 = arith.subi %sign3A_2926, %sign3A_2929 : i32
    %ne3A_2931 = arith.cmpi ne, %sign3A_2923, %sign3A_2930 : i32
    %rem3A_2932 = arith.remsi %mul3A_2914, %jit3A_2915 : i32
    %ne3A_2933 = arith.constant 0 : i32
    %ne3A_2934 = arith.cmpi ne, %rem3A_2932, %ne3A_2933 : i32
    %and3A_2935 = arith.andi %ne3A_2931, %ne3A_2934 : i1
    %sub3A_2936 = arith.constant 1 : i32
    %sub3A_2937 = arith.subi %div3A_2916, %sub3A_2936 : i32
    %select_n3A_2938 = arith.select %and3A_2935, %sub3A_2937, %div3A_2916 : i32
    %mul3A_2939 = arith.constant 96 : i32
    %mul3A_2940 = arith.muli %select_n3A_2912, %mul3A_2939 : i32
    %dma_start3A_2941 = arith.constant 0 : i32
    %dma_start3A_2942 = tpu.memref_slice %arg3[%select_n3A_2856, %select_n3A_2896, %mul3A_2940, %dma_start3A_2941] : memref<3x16x384x384xf32, #tpu.memory_space<hbm>> -> memref<1x1x96x384xf32, #tpu.memory_space<hbm>>
    %dma_start3A_2943 = tpu.memref_squeeze %dma_start3A_2942 : memref<1x1x96x384xf32, #tpu.memory_space<hbm>> -> memref<96x384xf32, #tpu.memory_space<hbm>>
    %dma_start3A_2944 = arith.constant 0 : i32
    %dma_start3A_2945 = tpu.memref_slice %arg3[%select_n3A_2856, %select_n3A_2896, %mul3A_2940, %dma_start3A_2944] : memref<3x16x384x384xf32, #tpu.memory_space<hbm>> -> memref<1x1x96x384xf32, #tpu.memory_space<hbm>>
    %dma_start3A_2946 = tpu.memref_squeeze %dma_start3A_2945 : memref<1x1x96x384xf32, #tpu.memory_space<hbm>> -> memref<96x384xf32, #tpu.memory_space<hbm>>
    tpu.enqueue_dma source(%arg6 : memref<96x384xf32, #tpu.memory_space<vmem>>) target(%dma_start3A_2946 : memref<96x384xf32, #tpu.memory_space<hbm>>) target_semaphore(%arg12 : memref<!tpu.dma_semaphore, #tpu.memory_space<semaphore_mem>>)
    %dma_wait3A_2947 = arith.constant 0 : i32
    %dma_wait3A_2948 = tpu.memref_slice %arg3[%select_n3A_2484, %select_n3A_2524, %mul3A_2568, %dma_wait3A_2947] : memref<3x16x384x384xf32, #tpu.memory_space<hbm>> -> memref<1x1x96x384xf32, #tpu.memory_space<hbm>>
    %dma_wait3A_2949 = tpu.memref_squeeze %dma_wait3A_2948 : memref<1x1x96x384xf32, #tpu.memory_space<hbm>> -> memref<96x384xf32, #tpu.memory_space<hbm>>
    %dma_wait3A_2950 = arith.constant 0 : i32
    %dma_wait3A_2951 = tpu.memref_slice %arg3[%select_n3A_2484, %select_n3A_2524, %mul3A_2568, %dma_wait3A_2950] : memref<3x16x384x384xf32, #tpu.memory_space<hbm>> -> memref<1x1x96x384xf32, #tpu.memory_space<hbm>>
    %dma_wait3A_2952 = tpu.memref_squeeze %dma_wait3A_2951 : memref<1x1x96x384xf32, #tpu.memory_space<hbm>> -> memref<96x384xf32, #tpu.memory_space<hbm>>
    tpu.wait_dma2 semaphore(%arg10 : memref<!tpu.dma_semaphore, #tpu.memory_space<semaphore_mem>>) src(%arg4 : memref<96x384xf32, #tpu.memory_space<vmem>>) dst(%dma_wait3A_2952 : memref<96x384xf32, #tpu.memory_space<hbm>>)
    %dma_wait3A_2953 = arith.constant 0 : i32
    %dma_wait3A_2954 = tpu.memref_slice %arg3[%select_n3A_2732, %select_n3A_2772, %mul3A_2816, %dma_wait3A_2953] : memref<3x16x384x384xf32, #tpu.memory_space<hbm>> -> memref<1x1x96x384xf32, #tpu.memory_space<hbm>>
    %dma_wait3A_2955 = tpu.memref_squeeze %dma_wait3A_2954 : memref<1x1x96x384xf32, #tpu.memory_space<hbm>> -> memref<96x384xf32, #tpu.memory_space<hbm>>
    %dma_wait3A_2956 = arith.constant 0 : i32
    %dma_wait3A_2957 = tpu.memref_slice %arg3[%select_n3A_2732, %select_n3A_2772, %mul3A_2816, %dma_wait3A_2956] : memref<3x16x384x384xf32, #tpu.memory_space<hbm>> -> memref<1x1x96x384xf32, #tpu.memory_space<hbm>>
    %dma_wait3A_2958 = tpu.memref_squeeze %dma_wait3A_2957 : memref<1x1x96x384xf32, #tpu.memory_space<hbm>> -> memref<96x384xf32, #tpu.memory_space<hbm>>
    tpu.wait_dma2 semaphore(%arg11 : memref<!tpu.dma_semaphore, #tpu.memory_space<semaphore_mem>>) src(%arg5 : memref<96x384xf32, #tpu.memory_space<vmem>>) dst(%dma_wait3A_2958 : memref<96x384xf32, #tpu.memory_space<hbm>>)
    %dma_wait3A_2959 = arith.constant 0 : i32
    %dma_wait3A_2960 = tpu.memref_slice %arg3[%select_n3A_2856, %select_n3A_2896, %mul3A_2940, %dma_wait3A_2959] : memref<3x16x384x384xf32, #tpu.memory_space<hbm>> -> memref<1x1x96x384xf32, #tpu.memory_space<hbm>>
    %dma_wait3A_2961 = tpu.memref_squeeze %dma_wait3A_2960 : memref<1x1x96x384xf32, #tpu.memory_space<hbm>> -> memref<96x384xf32, #tpu.memory_space<hbm>>
    %dma_wait3A_2962 = arith.constant 0 : i32
    %dma_wait3A_2963 = tpu.memref_slice %arg3[%select_n3A_2856, %select_n3A_2896, %mul3A_2940, %dma_wait3A_2962] : memref<3x16x384x384xf32, #tpu.memory_space<hbm>> -> memref<1x1x96x384xf32, #tpu.memory_space<hbm>>
    %dma_wait3A_2964 = tpu.memref_squeeze %dma_wait3A_2963 : memref<1x1x96x384xf32, #tpu.memory_space<hbm>> -> memref<96x384xf32, #tpu.memory_space<hbm>>
    tpu.wait_dma2 semaphore(%arg12 : memref<!tpu.dma_semaphore, #tpu.memory_space<semaphore_mem>>) src(%arg6 : memref<96x384xf32, #tpu.memory_space<vmem>>) dst(%dma_wait3A_2964 : memref<96x384xf32, #tpu.memory_space<hbm>>)
    return
  }
}

module attributes {stable_mosaic.version = 14 : i64} {
  func.func @_copy_body(%arg0: i32, %arg1: memref<3x4x384x384xf32, #tpu.memory_space<vmem>>, %arg2: memref<3x4x384x384xf32, #tpu.memory_space<vmem>>) attributes {dimension_semantics = [#tpu.dimension_semantics<arbitrary>], iteration_bounds = array<i64: 16>, scalar_prefetch = 0 : i64, scratch_operands = 0 : i64, tpu.core_type = #tpu.core_type<tc>, window_params = [{transform_indices = @transform_0, window_bounds = array<i64: 3, 4, 384, 384>}, {transform_indices = @transform_1, window_bounds = array<i64: 3, 4, 384, 384>}]} {
    %get3A = arith.constant 0 : index
    %get3A_0 = arith.constant 0 : index
    %get3A_1 = arith.constant 0 : index
    %get3A_2 = arith.constant 0 : index
    %get3A_3 = vector.load %arg1[%get3A, %get3A_0, %get3A_1, %get3A_2] : memref<3x4x384x384xf32, #tpu.memory_space<vmem>>, vector<3x4x384x384xf32>
    %swap3A = arith.constant 0 : index
    %swap3A_4 = arith.constant 0 : index
    %swap3A_5 = arith.constant 0 : index
    %swap3A_6 = arith.constant 0 : index
    %swap3A_7 = vector.load %arg2[%swap3A, %swap3A_4, %swap3A_5, %swap3A_6] : memref<3x4x384x384xf32, #tpu.memory_space<vmem>>, vector<3x4x384x384xf32>
    tpu.vector_store %arg2[%swap3A, %swap3A_4, %swap3A_5, %swap3A_6], %get3A_3 {strides = array<i32>} : memref<3x4x384x384xf32, #tpu.memory_space<vmem>>, vector<3x4x384x384xf32>,
    return
  }
  func.func @transform_0(%arg0: i32) -> (i32, i32, i32, i32) {
    %c0_i32 = arith.constant 0 : i32
    %c0_i32_0 = arith.constant 0 : i32
    %c0_i32_1 = arith.constant 0 : i32
    %c0_i32_2 = arith.constant 0 : i32
    return %c0_i32, %arg0, %c0_i32_0, %c0_i32_1 : i32, i32, i32, i32
  }
  func.func @transform_1(%arg0: i32) -> (i32, i32, i32, i32) {
    %c0_i32 = arith.constant 0 : i32
    %c0_i32_0 = arith.constant 0 : i32
    %c0_i32_1 = arith.constant 0 : i32
    %c0_i32_2 = arith.constant 0 : i32
    return %c0_i32, %arg0, %c0_i32_0, %c0_i32_1 : i32, i32, i32, i32
  }
}

</mosaic_0001>

<sc_bundles>
// kernel: kernel.4.cloned.1.call-start
scs
__scs_entry_jumppad:
0x0: {  	(pc) =	sbr.rel $0x88, $3  }
0x1: {  	(tag) =	ssettag $0x0;
	lr =	simm.s32 $0x1  }
0x2: {  	[smem:$0x3FA0] =	sst lr;
	_ =	strace $0xD0000000  }
0x3: {  	_ = 	snop  }
0x4: {  	_ = 	snop  }
0x5: {  	_ = 	snop  }
0x6: {  	_ = 	snop  }
0x7: {  	_ = 	snop  }
__scs_overlays_trampoline_lowered:
0x8: {  	[smem:$0x3FAF] =	sst s0  }
0x9: {  	[smem:$0x3FB0] =	sst s1  }
0xa: {  	[smem:$0x3FB1] =	sst s2  }
0xb: {  	[smem:$0x3FB2] =	sst s3  }
0xc: {  	[smem:$0x3FB3] =	sst s4  }
0xd: {  	[smem:$0x3FB4] =	sst s5  }
0xe: {  	[smem:$0x3FB5] =	sst s6  }
0xf: {  	[smem:$0x3FB6] =	sst s7  }
0x10: {  	[smem:$0x3FB7] =	sst s8  }
0x11: {  	[smem:$0x3FB8] =	sst s9;
	s0 =	simm.s32 @!p0 $0x0  }
0x12: {  	s1 =	sld [smem:$0x3F9E];
	s0 =	simm.s32 @p0 $0x1  }
0x13: {  	[smem:$0x3FB9] =	sst s0;
	s0 =	simm.s32 @!p1 $0x0  }
0x14: {  	s2 =	sld [smem:$0x3F9D];
	s0 =	simm.s32 @p1 $0x1  }
0x15: {  	[smem:$0x3FBA] =	sst s0;
	s0 =	simm.s32 @!p2 $0x0  }
0x16: {  	s3 =	sld [smem:$0x3FDB];
	s0 =	simm.s32 @p2 $0x1  }
0x17: {  	s4 =	simm.s32 $0x1BF5;
	[smem:$0x3FBC] =	sst s0  }
0x18: {  	s0 =	sld [smem:$0x3F9F];
	_ =	swait.ge [sflag:s4], $0x0  }
0x19: {  	s7 =	sld [smem:$0x3FA0]  }
0x1a: {  	s8 =	sadd.s32 $0xFFFFE003, lr  }
0x1b: {  	s9 =	sadd.s32 $0xFFFFFEF7, lr;
	s5 =	simm.s32 $0xFFFFFFFF;
	p2 =	slt.u32 s8, $0xFFFFF086  }
0x1c: {  	p1 =	slt.u32 s9, $0xF7A;
	s5 =	simm.s32 @!p2 $0x0  }
0x1d: {  	s5 =	simm.s32 @p1 $0x1;
	p0 =	seq.s32 s7, s2  }
0x1e: {  	s7 =	smul.u32 @!p0 $0xF7A, s2;
	p2 =	seq.s32 @!p0 s5, $0x0  }
0x1f: {  	s9 =	smul.u32 $0xF7A, s1;
	s8 =	simm.s32 @!p0 $0x1BF5;
	p2 =	por !p2, p0  }
0x20: {  	[sflag:s8] =	ssyncset.s32 @!p0 $0xFFFFF086;
	s6 =	sadd.s32 @!p0 s3, s7;
	s7 =	simm.s32 @!p0 $0x108  }
0x21: {  	s3 =	sadd.s32 s3, s9;
	s6 =	sadd.s32 @!p0 $0x88, s6;
	s7 =	simm.s32 @p2 $0x1082  }
0x22: {  	[simem:s7], [sflag:s8] =	dma.local @!p0 [hbm:s6], $0xF7A  }
0x23: {  	s9 =	sor.u32 $0xD0000000, s2;
	s6 =	simm.s32 $0x108;
	_ =	swait.ge @!p0 [sflag:s8], $0x0  }
0x24: {  	s3 =	sadd.s32 $0x88, s3;
	s6 =	simm.s32 @!p1 $0x1082;
	[sflag:s4] =	ssyncset.s32 $0xFFFFF086  }
0x25: {  	[simem:s6], [sflag:s4] =	dma.local [hbm:s3], $0xF7A  }
0x26: {  	[smem:$0x3FA0] =	sst s1;
	(tag) =	ssettag s2;
	_ =	strace s9  }
0x27: {  	s1 =	sld [smem:$0x3FB0]  }
0x28: {  	s2 =	sld [smem:$0x3FB1]  }
0x29: {  	s4 =	sld [smem:$0x3FB3]  }
0x2a: {  	p0 =	seq.s32 s5, $0x0;
	s5 =	sld [smem:$0x3FB4]  }
0x2b: {  	s6 =	sld [smem:$0x3FB5]  }
0x2c: {  	s7 =	sld [smem:$0x3FB6]  }
0x2d: {  	s3 =	simm.s32 $0x108;
	s8 =	sld [smem:$0x3FB7]  }
0x2e: {  	s3 =	simm.s32 @!p0 $0x1082;
	s9 =	sld [smem:$0x3FB8]  }
0x2f: {  	lr =	sadd.s32 s0, s3;
	s0 =	sld [smem:$0x3FAF]  }
0x30: {  	s3 =	sld [smem:$0x3FB2]  }
0x31: {  	[smem:$0x3FBB] =	sst s10  }
0x32: {  	s10 =	sld [smem:$0x3FB9];
	_ =	sdelay $0x3  }
0x33: {  	p0 =	seq.s32 s10, $0x1;
	s10 =	sld [smem:$0x3FBB];
	_ =	sdelay $0x3  }
0x34: {  	[smem:$0x3FBB] =	sst s10  }
0x35: {  	s10 =	sld [smem:$0x3FBA];
	_ =	sdelay $0x3  }
0x36: {  	p1 =	seq.s32 s10, $0x1;
	s10 =	sld [smem:$0x3FBB];
	_ =	sdelay $0x3  }
0x37: {  	[smem:$0x3FBB] =	sst s10  }
0x38: {  	s10 =	sld [smem:$0x3FBC]  }
0x39: {  	_ = 	snop;
	(pc) =	sbr.ind lr, $3  }
0x3a: {  	_ = 	snop  }
0x3b: {  	_ = 	snop  }
0x3c: {  	p2 =	seq.s32 s10, $0x1;
	s10 =	sld [smem:$0x3FBB]  }
0x3d: {  	_ =	shalt  }
0x3e: {  	_ =	shalt  }
0x3f: {  	_ =	shalt  }
0x40: {  	_ =	shalt  }
0x41: {  	_ =	shalt  }
0x42: {  	_ =	shalt  }
0x43: {  	_ =	shalt  }
0x44: {  	_ =	shalt  }
0x45: {  	_ =	shalt  }
0x46: {  	_ =	shalt  }
0x47: {  	_ =	shalt  }
0x48: {  	_ =	shalt  }
0x49: {  	_ =	shalt  }
0x4a: {  	_ =	shalt  }
0x4b: {  	_ =	shalt  }
0x4c: {  	_ =	shalt  }
0x4d: {  	_ =	shalt  }
0x4e: {  	_ =	shalt  }
0x4f: {  	_ =	shalt  }
0x50: {  	_ =	shalt  }
0x51: {  	_ =	shalt  }
0x52: {  	_ =	shalt  }
0x53: {  	_ =	shalt  }
0x54: {  	_ =	shalt  }
0x55: {  	_ =	shalt  }
0x56: {  	_ =	shalt  }
0x57: {  	_ =	shalt  }
0x58: {  	_ =	shalt  }
0x59: {  	_ =	shalt  }
0x5a: {  	_ =	shalt  }
0x5b: {  	_ =	shalt  }
0x5c: {  	_ =	shalt  }
0x5d: {  	_ =	shalt  }
0x5e: {  	_ =	shalt  }
0x5f: {  	_ =	shalt  }
0x60: {  	_ =	shalt  }
0x61: {  	_ =	shalt  }
0x62: {  	_ =	shalt  }
0x63: {  	_ =	shalt  }
0x64: {  	_ =	shalt  }
0x65: {  	_ =	shalt  }
0x66: {  	_ =	shalt  }
0x67: {  	_ =	shalt  }
0x68: {  	_ =	shalt  }
0x69: {  	_ =	shalt  }
0x6a: {  	_ =	shalt  }
0x6b: {  	_ =	shalt  }
0x6c: {  	_ =	shalt  }
0x6d: {  	_ =	shalt  }
0x6e: {  	_ =	shalt  }
0x6f: {  	_ =	shalt  }
0x70: {  	_ =	shalt  }
0x71: {  	_ =	shalt  }
0x72: {  	_ =	shalt  }
0x73: {  	_ =	shalt  }
0x74: {  	_ =	shalt  }
0x75: {  	_ =	shalt  }
0x76: {  	_ =	shalt  }
0x77: {  	_ =	shalt  }
0x78: {  	_ =	shalt  }
0x79: {  	_ =	shalt  }
0x7a: {  	_ =	shalt  }
0x7b: {  	_ =	shalt  }
0x7c: {  	_ =	shalt  }
0x7d: {  	_ =	shalt  }
0x7e: {  	_ =	shalt  }
0x7f: {  	_ =	shalt  }
0x80: {  	_ =	shalt  }
0x81: {  	_ =	shalt  }
0x82: {  	_ =	shalt  }
0x83: {  	_ =	shalt  }
0x84: {  	_ =	shalt  }
0x85: {  	_ =	shalt  }
0x86: {  	_ =	shalt  }
0x87: {  	_ =	shalt  }
.Lfunc_end0:
.L_simem_size_0:
called_computation_lowered:
.L_overlay_start_0:
0x88: {  	s0 =	sld [smem:$0x3FD9]  }
0x89: {  	s1 =	sld [smem:$0x3FFE];
	_ =	sdelay $0x3  }
0x8a: {  	s0 =	sadd.s32 s1, s0  }
0x8b: {  	[smem:$0x3FC7] =	sst s0  }
0x8c: {  	_ = 	snop  }
0x8d: {  	s0 =	sld [smem:$0x3FD0];
	_ =	sdelay $0x2  }
0x8e: {  	s2 =	simm.s32 $0xA;
	s3 =	simm.s32 $0x10;
	s14 =	sld [smem:$0x3FC9]  }
0x8f: {  	[smem:s3], [sflag:s2] =	dma.local [hbm:s0], $0x1  }
0x90: {  	_ =	swait.eq [sflag:s2], $0x1  }
0x91: {  	[sflag:s2] =	ssyncset.done $0x0  }
0x92: {  	[sflag:s2] =	ssyncadd.s32 $0xFFFFFFFF  }
0x93: {  	s15 =	sld [smem:$0x10];
	(tm) =	ssettm $0x1  }
0x94: {  	s16 =	sld [smem:$0x3FFB];
	_ =	sdelay $0x3  }
0x95: {  	_ =	strace s16  }
0x96: {  	s2 =	sld [smem:$0x3FFC];
	_ =	sdelay $0x3  }
0x97: {  	_ =	strace s2  }
0x98: {  	s2 =	sld [smem:$0x3FFD];
	_ =	sdelay $0x3  }
0x99: {  	_ =	strace s2  }
0x9a: {  	_ =	strace $0x8FFFFFFF  }
0x9b: {  	s17 =	sld [smem:$0x3FDB];
	_ =	sdelay $0x1  }
0x9c: {  	s18 =	simm.s32 $_scs_section_size  }
0x9d: {  	s4 =	simm.s32 $_size__tile_overlayer_lowered;
	s5 =	simm.s32 $_tile_overlayer_lowered  }
0x9e: {  	s21 =	simm.s32 $0x1BFF;
	s20 =	sshll.u32 s5, $0x1;
	s2 =	sadd.s32 s18, s17  }
0x9f: {  	s6 =	simm.s32 $0x0;
	s19 =	sshll.u32 s4, $0x1;
	s4 =	sadd.s32 s20, s2  }
0xa0: {  	[timem:s6], [sflag:s21] =	dma.local [hbm:s4], s19  }
0xa1: {  	_ =	swait.ge [sflag:s21], s19  }
0xa2: {  	s3 =	ssub.s32 $0x0, s19;
	[sflag:s21] =	ssyncset.done $0x0  }
0xa3: {  	[sflag:s21] =	ssyncadd.s32 s3;
	_ =	sdelay $0x1  }
0xa4: {  	s22 =	simm.s32 $0x1B8B  }
0xa5: {  	_ =	swait.ge [sflag:s22], $0x1  }
0xa6: {  	[sflag:s22] =	ssyncset.done $0x0  }
0xa7: {  	s23 =	simm.s32 $0x1B8E;
	[sflag:s22] =	ssyncadd.s32 $0xFFFFFFFF  }
0xa8: {  	s24 =	simm.s32 $execute0_lowered;
	[smem:$0x3FD2] =	sst s23  }
0xa9: {  	s3 =	sshll.u32 s24, $0x1;
	_ =	strace $0x80000046;
	[dreg:$0x1] =	wrdreg $0xFFFFFFFF  }
0xaa: {  	s25 =	simm.s32 $_size_execute0_lowered;
	s2 =	sadd.s32 s2, s3;
	[dreg:$0x0] =	wrdreg $0x0  }
0xab: {  	s3 =	sshll.u32 s25, $0x1;
	[dreg:$0x2] =	wrdreg s2  }
0xac: {  	[dreg:$0x3] =	wrdreg s3  }
0xad: {  	[dreg:$0x4] =	wrdreg $0xC0  }
0xae: {  	_ =	task [dreg:s6], $0x5FFFF  }
0xaf: {  	[dreg:$0x1] =	wrdreg $0xFFFFFFFF  }
0xb0: {  	[dreg:$0x0] =	wrdreg $0x60  }
0xb1: {  	[dreg:$0x2] =	wrdreg s14  }
0xb2: {  	[dreg:$0x3] =	wrdreg s15  }
0xb3: {  	[dreg:$0x4] =	wrdreg $0x9  }
0xb4: {  	_ =	task.clear_ibuf [dreg:s6], $0x5FFFF;
	_ =	strace $0x90000046  }
0xb5: {  	s26 =	simm.s32 $0x9;
	_ =	strace $0x80000048  }
0xb6: {  	_ =	swait.ge [sflag:s26], $0x1  }
0xb7: {  	[sflag:s26] =	ssyncadd.s32 $0xFFFFFFFF  }
0xb8: {  	_ =	strace $0x90000048  }
0xb9: {  	_ =	sfence  }
0xba: {  	s28 =	sld [smem:$0x0];
	_ =	sdelay $0x1  }
0xbb: {  	s29 =	srdreg.scid  }
0xbc: {  	s30 =	sshll.u32 s29, $0xD;
	s31 =	sshrl.u32 s29, $0x2  }
0xbd: {  	s1 =	sand.u32 $0x1, s29;
	s2 =	sand.u32 $0x4000, s30;
	s0 =	sadd.s32 s31, s28  }
0xbe: {  	s1 =	sor.u32 s2, s1;
	s0 =	sshll.u32 s0, $0x11  }
0xbf: {  	s0 =	sor.u32 s0, s1  }
0xc0: {  	s0 =	sadd.s32 $0x8F2B, s0  }
0xc1: {  	[sflag:s0] =	ssyncadd.remote.s32 $0x1  }
0xc2: {  	_ =	sfence.sel $0xFFFF  }
0xc3: {  	[dreg:$0x0] =	wrdreg $0xFFFFFFFF;
	(pc) =	sbr.abs _section_cstart, $3  }
0xc4: {  	[dreg:$0x1] =	wrdreg $0xFFFFFFFF  }
0xc5: {  	_ =	task.clear_ibuf [dreg:s6], $0x2FFFF;
	_ =	strace $0x9FFFFFFF  }
0xc6: {  	(tm) =	ssettm $0x7FFFFFFF  }
0xc7: {  	_ =	shalt  }
tec
execute0_lowered:
.L_overlay_start_1:
0x0: {  	(tag) =	ssettag $0x1  }
0x1: {  	s0 =	stileid.u32  }
0x2: {  	s9 =	smul.u32 $0xC, s0;
	_ =	sdelay $0x1  }
0x3: {  	s6 =	sshrl.u32 s9, $0x6  }
0x4: {  	s1 =	sshrl.u32 s9, $0x2;
	s7 =	smul.u32 $0x900000, s6  }
0x5: {  	s5 =	sand.u32 $0xF, s1;
	s6 =	smul.u32 $0x240000, s6  }
0x6: {  	s4 =	rddreg [dreg:$0x0];
	s19 =	sadd.s32 $0x4, s9;
	s1 =	smul.u32 $0x4336E, s5  }
0x7: {  	s2 =	rddreg [dreg:$0x1];
	s16 =	sshrl.u32 s19, $0x6;
	s11 =	smul.u32 $0x24000, s5  }
0x8: {  	s3 =	simm.s32 $0x0;
	s14 =	sshrl.u32 s19, $0x2;
	s21 =	smul.u32 $0x900000, s16  }
0x9: {  	s10 =	simm.s32 $0x1;
	s14 =	sand.u32 $0xF, s14;
	s16 =	smul.u32 $0x240000, s16  }
0xa: {  	[smem:$0x7FF] =	sst s3;
	s25 =	sadd.s32 $0x6, s9;
	s20 =	smul.u32 $0x4336E, s14  }
0xb: {  	s30 =	sadd.s32 $0x7, s9;
	s14 =	smul.u32 $0x24000, s14;
	s1 =	sshrl.u32 s1, $0x10  }
0xc: {  	s28 =	sshrl.u32 s25, $0x2;
	s5 =	simm.s32 $0x9000;
	s8 =	smul.u32 $0x24000, s1  }
0xd: {  	s6 =	sadd.s32 s6, s11;
	s1 =	rddreg [dreg:$0x2];
	_ =	strace $0x80000047  }
0xe: {  	s6 =	sshrl.u32 s6, $0x3;
	s11 =	sshrl.u32 s20, $0x10;
	s7 =	sadd.s32 s7, s8  }
0xf: {  	s14 =	sadd.s32 s16, s14;
	s16 =	sand.u32 $0xF, s28;
	s7 =	sshrl.u32 s7, $0x3  }
0x10: {  	s13 =	sadd.s32 s2, s6;
	s6 =	simm.s32 $0x12000;
	s7 =	sadd.s32 s4, s7  }
0x11: {  	[tilespmem:s3], [sflag:$0x1] =	stream.linear.gather [hbm4b:s7+s3], $0x9000, $0x38;
	[tilespmem:$0x1B000] =	vst v63  }
0x12: {  	s19 =	smul.u32 $0x24000, s11;
	s11 =	simm.s32 $0x3;
	s17 =	sadd.s32 $0x1200, s7  }
0x13: {  	[tilespmem:s5], [sflag:$0x2] =	stream.linear.gather [hbm4b:s17+s3], $0x9000, $0x38;
	[tilespmem:$0x1B000] =	vst v63  }
0x14: {  	s29 =	smul.u32 $0x4336E, s16;
	s14 =	sshrl.u32 s14, $0x3;
	_ =	swait.ge [sflag:s10], $0x9000  }
0x15: {  	s16 =	smul.u32 $0x24000, s16;
	s8 =	simm.s32 $0x2;
	[sflag:s10] =	ssyncset.done $0x0  }
0x16: {  	s12 =	sadd.s32 $0x1200, s13;
	s22 =	sadd.s32 $0x2400, s13;
	[sflag:s10] =	ssyncadd.s32 $0xFFFF7000  }
0x17: {  	[hbm4b:s13+s3] =	stream.linear.scatter [tilespmem:s3], [sflag:$0x4], $0x9000, $0x38;
	[tilespmem:$0x1B000] =	vst v63  }
0x18: {  	s18 =	sadd.s32 $0x2400, s7;
	s15 =	sadd.s32 $0x3600, s7;
	s17 =	sadd.s32 $0x5, s9  }
0x19: {  	[tilespmem:s6], [sflag:$0x3] =	stream.linear.gather [hbm4b:s18+s3], $0x9000, $0x38;
	[tilespmem:$0x1B000] =	vst v63  }
0x1a: {  	s18 =	sshrl.u32 s17, $0x2;
	s17 =	sshrl.u32 s17, $0x6;
	_ =	swait.ge [sflag:s8], $0x9000  }
0x1b: {  	s18 =	sand.u32 $0xF, s18;
	s23 =	smul.u32 $0x900000, s17;
	[sflag:s8] =	ssyncset.done $0x0  }
0x1c: {  	s7 =	simm.s32 $0x4;
	s20 =	smul.u32 $0x4336E, s18;
	[sflag:s8] =	ssyncadd.s32 $0xFFFF7000  }
0x1d: {  	[hbm4b:s12+s3] =	stream.linear.scatter [tilespmem:s5], [sflag:$0x5], $0x9000, $0x38;
	[tilespmem:$0x1B000] =	vst v63  }
0x1e: {  	s14 =	sadd.s32 s2, s14;
	s31 =	smul.u32 $0x240000, s17;
	_ =	swait.ge [sflag:s7], $0x9000  }
0x1f: {  	s12 =	sadd.s32 s21, s19;
	s20 =	sshrl.u32 s20, $0x10;
	[sflag:s7] =	ssyncset.done $0x0  }
0x20: {  	s12 =	sshrl.u32 s12, $0x3;
	s20 =	smul.u32 $0x24000, s20;
	[sflag:s7] =	ssyncadd.s32 $0xFFFF7000  }
0x21: {  	[tilespmem:s3], [sflag:$0x1] =	stream.linear.gather [hbm4b:s15+s3], $0x9000, $0x38;
	[tilespmem:$0x1B000] =	vst v63  }
0x22: {  	s18 =	smul.u32 $0x24000, s18;
	s24 =	sadd.s32 s4, s12;
	_ =	swait.ge [sflag:s11], $0x9000  }
0x23: {  	s12 =	simm.s32 $0x5;
	s19 =	sadd.s32 s23, s20;
	[sflag:s11] =	ssyncset.done $0x0  }
0x24: {  	s20 =	sshrl.u32 s29, $0x10;
	s23 =	sshrl.u32 s30, $0x2;
	[sflag:s11] =	ssyncadd.s32 $0xFFFF7000  }
0x25: {  	[hbm4b:s22+s3] =	stream.linear.scatter [tilespmem:s6], [sflag:$0x6], $0x9000, $0x38;
	[tilespmem:$0x1B000] =	vst v63  }
0x26: {  	s19 =	sadd.s32 $0x9000, s19;
	s20 =	smul.u32 $0x24000, s20;
	_ =	swait.ge [sflag:s12], $0x9000  }
0x27: {  	s26 =	sshrl.u32 s19, $0x3;
	s19 =	sshrl.u32 s25, $0x6;
	[sflag:s12] =	ssyncset.done $0x0  }
0x28: {  	s17 =	sand.u32 $0xF, s23;
	s21 =	smul.u32 $0x900000, s19;
	[sflag:s12] =	ssyncadd.s32 $0xFFFF7000  }
0x29: {  	[tilespmem:s5], [sflag:$0x2] =	stream.linear.gather [hbm4b:s24+s3], $0x9000, $0x38;
	[tilespmem:$0x1B000] =	vst v63  }
0x2a: {  	s20 =	sadd.s32 s21, s20;
	s22 =	smul.u32 $0x4336E, s17;
	_ =	swait.ge [sflag:s10], $0x9000  }
0x2b: {  	s21 =	sshrl.u32 s30, $0x6;
	s30 =	smul.u32 $0x240000, s19;
	[sflag:s10] =	ssyncset.done $0x0  }
0x2c: {  	s13 =	sadd.s32 $0x3600, s13;
	s17 =	smul.u32 $0x24000, s17;
	[sflag:s10] =	ssyncadd.s32 $0xFFFF7000  }
0x2d: {  	[hbm4b:s13+s3] =	stream.linear.scatter [tilespmem:s3], [sflag:$0x4], $0x9000, $0x38;
	[tilespmem:$0x1B000] =	vst v63  }
0x2e: {  	s25 =	smul.u32 $0x900000, s21;
	s22 =	sshrl.u32 s22, $0x10;
	s13 =	simm.s32 $0x6  }
0x2f: {  	s15 =	sadd.s32 s4, s26;
	s22 =	smul.u32 $0x24000, s22;
	_ =	swait.ge [sflag:s13], $0x9000  }
0x30: {  	s24 =	sadd.s32 $0x12000, s20;
	s20 =	sadd.s32 s30, s16;
	[sflag:s13] =	ssyncset.done $0x0  }
0x31: {  	s26 =	sadd.s32 s25, s22;
	s25 =	sadd.s32 $0x9, s9;
	[sflag:s13] =	ssyncadd.s32 $0xFFFF7000  }
0x32: {  	[tilespmem:s6], [sflag:$0x3] =	stream.linear.gather [hbm4b:s15+s3], $0x9000, $0x38;
	[tilespmem:$0x1B000] =	vst v63  }
0x33: {  	s15 =	sadd.s32 s31, s18;
	s18 =	sadd.s32 $0x1B000, s26;
	s31 =	sadd.s32 $0x8, s9  }
0x34: {  	s26 =	smul.u32 $0x240000, s21;
	_ =	swait.ge [sflag:s8], $0x9000;
	s15 =	sadd.s32 $0x9000, s15  }
0x35: {  	s29 =	sshrl.u32 s18, $0x3;
	s22 =	sshrl.u32 s31, $0x2;
	[sflag:s8] =	ssyncset.done $0x0  }
0x36: {  	s15 =	sshrl.u32 s15, $0x3;
	s16 =	sand.u32 $0xF, s22;
	[sflag:s8] =	ssyncadd.s32 $0xFFFF7000  }
0x37: {  	[hbm4b:s14+s3] =	stream.linear.scatter [tilespmem:s5], [sflag:$0x5], $0x9000, $0x38;
	[tilespmem:$0x1B000] =	vst v63  }
0x38: {  	s28 =	sadd.s32 s2, s15;
	s15 =	sadd.s32 s4, s29;
	_ =	swait.ge [sflag:s7], $0x9000  }
0x39: {  	s23 =	smul.u32 $0x4336E, s16;
	s14 =	sshrl.u32 s24, $0x3;
	[sflag:s7] =	ssyncset.done $0x0  }
0x3a: {  	s16 =	smul.u32 $0x24000, s16;
	s14 =	sadd.s32 s4, s14;
	[sflag:s7] =	ssyncadd.s32 $0xFFFF7000  }
0x3b: {  	[tilespmem:s3], [sflag:$0x1] =	stream.linear.gather [hbm4b:s14+s3], $0x9000, $0x38;
	[tilespmem:$0x1B000] =	vst v63  }
0x3c: {  	s24 =	sshrl.u32 s31, $0x6;
	s31 =	sadd.s32 $0xA, s9;
	_ =	swait.ge [sflag:s11], $0x9000  }
0x3d: {  	s19 =	smul.u32 $0x900000, s24;
	s18 =	sshrl.u32 s23, $0x10;
	[sflag:s11] =	ssyncset.done $0x0  }
0x3e: {  	s9 =	sadd.s32 $0xB, s9;
	s18 =	smul.u32 $0x24000, s18;
	[sflag:s11] =	ssyncadd.s32 $0xFFFF7000  }
0x3f: {  	[hbm4b:s28+s3] =	stream.linear.scatter [tilespmem:s6], [sflag:$0x6], $0x9000, $0x38;
	[tilespmem:$0x1B000] =	vst v63  }
0x40: {  	s22 =	sshrl.u32 s31, $0x2;
	s14 =	sadd.s32 $0x12000, s20;
	_ =	swait.ge [sflag:s12], $0x9000  }
0x41: {  	s18 =	sadd.s32 s19, s18;
	s20 =	sshrl.u32 s25, $0x6;
	[sflag:s12] =	ssyncset.done $0x0  }
0x42: {  	s14 =	sshrl.u32 s14, $0x3;
	s18 =	sshrl.u32 s18, $0x3;
	[sflag:s12] =	ssyncadd.s32 $0xFFFF7000  }
0x43: {  	[tilespmem:s5], [sflag:$0x2] =	stream.linear.gather [hbm4b:s15+s3], $0x9000, $0x38;
	[tilespmem:$0x1B000] =	vst v63  }
0x44: {  	s30 =	smul.u32 $0x900000, s20;
	s28 =	sshrl.u32 s25, $0x2;
	_ =	swait.ge [sflag:s10], $0x9000  }
0x45: {  	s14 =	sadd.s32 s2, s14;
	s21 =	sand.u32 $0xF, s28;
	[sflag:s10] =	ssyncset.done $0x0  }
0x46: {  	s18 =	sadd.s32 s4, s18;
	s29 =	smul.u32 $0x4336E, s21;
	[sflag:s10] =	ssyncadd.s32 $0xFFFF7000  }
0x47: {  	[hbm4b:s14+s3] =	stream.linear.scatter [tilespmem:s3], [sflag:$0x4], $0x9000, $0x38;
	[tilespmem:$0x1B000] =	vst v63  }
0x48: {  	s25 =	sshrl.u32 s31, $0x6;
	s28 =	smul.u32 $0x240000, s20;
	_ =	swait.ge [sflag:s13], $0x9000  }
0x49: {  	s19 =	sshrl.u32 s29, $0x10;
	s15 =	smul.u32 $0x240000, s24;
	[sflag:s13] =	ssyncset.done $0x0  }
0x4a: {  	s29 =	smul.u32 $0x24000, s21;
	s14 =	sadd.s32 s26, s17;
	[sflag:s13] =	ssyncadd.s32 $0xFFFF7000  }
0x4b: {  	[tilespmem:s6], [sflag:$0x3] =	stream.linear.gather [hbm4b:s18+s3], $0x9000, $0x38;
	[tilespmem:$0x1B000] =	vst v63  }
0x4c: {  	s19 =	smul.u32 $0x24000, s19;
	s14 =	sadd.s32 $0x1B000, s14;
	_ =	swait.ge [sflag:s8], $0x9000  }
0x4d: {  	s15 =	sadd.s32 s15, s16;
	s14 =	sshrl.u32 s14, $0x3;
	[sflag:s8] =	ssyncset.done $0x0  }
0x4e: {  	s17 =	sadd.s32 s30, s19;
	s14 =	sadd.s32 s2, s14;
	[sflag:s8] =	ssyncadd.s32 $0xFFFF7000  }
0x4f: {  	[hbm4b:s14+s3] =	stream.linear.scatter [tilespmem:s5], [sflag:$0x5], $0x9000, $0x38;
	[tilespmem:$0x1B000] =	vst v63  }
0x50: {  	s15 =	sshrl.u32 s15, $0x3;
	s17 =	sadd.s32 $0x9000, s17;
	_ =	swait.ge [sflag:s7], $0x9000  }
0x51: {  	s19 =	sand.u32 $0xF, s22;
	s23 =	sshrl.u32 s17, $0x3;
	[sflag:s7] =	ssyncset.done $0x0  }
0x52: {  	s24 =	smul.u32 $0x4336E, s19;
	s14 =	sadd.s32 s4, s23;
	[sflag:s7] =	ssyncadd.s32 $0xFFFF7000  }
0x53: {  	[tilespmem:s3], [sflag:$0x1] =	stream.linear.gather [hbm4b:s14+s3], $0x9000, $0x38;
	[tilespmem:$0x1B000] =	vst v63  }
0x54: {  	s15 =	sadd.s32 s2, s15;
	s30 =	sshrl.u32 s9, $0x2;
	_ =	swait.ge [sflag:s11], $0x9000  }
0x55: {  	s17 =	sshrl.u32 s24, $0x10;
	s18 =	smul.u32 $0x900000, s25;
	[sflag:s11] =	ssyncset.done $0x0  }
0x56: {  	s9 =	sshrl.u32 s9, $0x6;
	s17 =	smul.u32 $0x24000, s17;
	[sflag:s11] =	ssyncadd.s32 $0xFFFF7000  }
0x57: {  	[hbm4b:s15+s3] =	stream.linear.scatter [tilespmem:s6], [sflag:$0x6], $0x9000, $0x38;
	[tilespmem:$0x1B000] =	vst v63  }
0x58: {  	s21 =	smul.u32 $0x900000, s9;
	s26 =	sadd.s32 s18, s17;
	s15 =	sand.u32 $0xF, s30  }
0x59: {  	s14 =	sadd.s32 $0x12000, s26;
	_ =	swait.ge [sflag:s12], $0x9000;
	s31 =	smul.u32 $0x4336E, s15  }
0x5a: {  	s17 =	sadd.s32 s28, s29;
	s14 =	sshrl.u32 s14, $0x3;
	[sflag:s12] =	ssyncset.done $0x0  }
0x5b: {  	s14 =	sadd.s32 s4, s14;
	[sflag:s12] =	ssyncadd.s32 $0xFFFF7000;
	s18 =	sshrl.u32 s31, $0x10  }
0x5c: {  	[tilespmem:s5], [sflag:$0x2] =	stream.linear.gather [hbm4b:s14+s3], $0x9000, $0x38;
	[tilespmem:$0x1B000] =	vst v63  }
0x5d: {  	s17 =	sadd.s32 $0x9000, s17;
	s23 =	smul.u32 $0x24000, s18;
	_ =	swait.ge [sflag:s10], $0x9000  }
0x5e: {  	s25 =	smul.u32 $0x240000, s25;
	s20 =	sshrl.u32 s17, $0x3;
	[sflag:s10] =	ssyncset.done $0x0  }
0x5f: {  	s22 =	sadd.s32 s2, s20;
	s24 =	sadd.s32 s21, s23;
	[sflag:s10] =	ssyncadd.s32 $0xFFFF7000  }
0x60: {  	[hbm4b:s22+s3] =	stream.linear.scatter [tilespmem:s3], [sflag:$0x4], $0x9000, $0x38;
	[tilespmem:$0x1B000] =	vst v63  }
0x61: {  	s26 =	smul.u32 $0x24000, s19;
	s10 =	sadd.s32 $0x1B000, s24;
	_ =	swait.ge [sflag:s13], $0x9000  }
0x62: {  	s9 =	smul.u32 $0x240000, s9;
	s10 =	sshrl.u32 s10, $0x3;
	[sflag:s13] =	ssyncset.done $0x0  }
0x63: {  	s28 =	sadd.s32 s25, s26;
	s4 =	sadd.s32 s4, s10;
	[sflag:s13] =	ssyncadd.s32 $0xFFFF7000  }
0x64: {  	[tilespmem:s6], [sflag:$0x3] =	stream.linear.gather [hbm4b:s4+s3], $0x9000, $0x38;
	[tilespmem:$0x1B000] =	vst v63  }
0x65: {  	s29 =	sadd.s32 $0x12000, s28;
	s30 =	smul.u32 $0x24000, s15;
	_ =	swait.ge [sflag:s8], $0x9000  }
0x66: {  	s4 =	sshrl.u32 s29, $0x3;
	[sflag:s8] =	ssyncset.done $0x0  }
0x67: {  	s31 =	sadd.s32 s9, s30;
	s4 =	sadd.s32 s2, s4;
	[sflag:s8] =	ssyncadd.s32 $0xFFFF7000  }
0x68: {  	[hbm4b:s4+s3] =	stream.linear.scatter [tilespmem:s5], [sflag:$0x5], $0x9000, $0x38;
	[tilespmem:$0x1B000] =	vst v63  }
0x69: {  	s4 =	sadd.s32 $0x1B000, s31;
	_ =	swait.ge [sflag:s11], $0x9000  }
0x6a: {  	s4 =	sshrl.u32 s4, $0x3;
	[sflag:s11] =	ssyncset.done $0x0  }
0x6b: {  	s2 =	sadd.s32 s2, s4;
	[sflag:s11] =	ssyncadd.s32 $0xFFFF7000  }
0x6c: {  	[hbm4b:s2+s3] =	stream.linear.scatter [tilespmem:s6], [sflag:$0x6], $0x9000, $0x38;
	[tilespmem:$0x1B000] =	vst v63  }
0x6d: {  	_ =	swait.ge [sflag:s7], $0x9000  }
0x6e: {  	[sflag:s7] =	ssyncset.done $0x0  }
0x6f: {  	[sflag:s7] =	ssyncadd.s32 $0xFFFF7000  }
0x70: {  	_ =	swait.ge [sflag:s12], $0x9000  }
0x71: {  	[sflag:s12] =	ssyncset.done $0x0  }
0x72: {  	[sflag:s12] =	ssyncadd.s32 $0xFFFF7000  }
0x73: {  	_ =	swait.ge [sflag:s13], $0x9000  }
0x74: {  	[sflag:s13] =	ssyncset.done $0x0  }
0x75: {  	[sflag:s13] =	ssyncadd.s32 $0xFFFF7000  }
0x76: {  	_ =	sfence.sel $0x180000  }
0x77: {  	[bflag:$0x0] =	sbarrier.arrive $0xFFFF  }
0x78: {  	p0 =	sne.s32 s0, $0x0;
	_ =	strace $0x90000047  }
0x79: {  	s0 =	sadd.s32 @!p0 $0x100000, s1;
	[bflag:$0x2] =	sbarrier.arrive $0xFFFF  }
0x7a: {  	[sflag:s0] =	ssyncadd.tile.s32 @!p0 $0x1;
	_ =	shalt  }
.Lfunc_end2:
_tile_overlayer_lowered:
.L_overlay_start_2:
0x7b: {  	(tag) =	ssettag $0x2  }
0x7c: {  	s0 =	rddreg [dreg:$0x0];
	s2 =	stileid.u32  }
0x7d: {  	s1 =	rddreg [dreg:$0x1];
	p0 =	sne.s32 s2, $0x0  }
0x7e: {  	s3 =	rddreg [dreg:$0x2];
	[bflag:$0x3] =	sbarrier.arrive $0xFFFF;
	s2 =	simm.s32 @!p0 $0x1C07  }
0x7f: {  	[timem:s3], [sflag:s2] =	dma.local @!p0 [hbm:s0], s1  }
0x80: {  	s0 =	simm.s32 @!p0 $0x7  }
0x81: {  	_ =	swait.ge @!p0 [sflag:s0], s1  }
0x82: {  	s1 =	ssub.s32 @!p0 $0x0, s1;
	[sflag:s0] =	ssyncset.done @!p0 $0x0  }
0x83: {  	[sflag:s0] =	ssyncadd.s32 @!p0 s1  }
0x84: {  	[bflag:$0x3] =	sbarrier.arrive $0xFFFF  }
0x85: {  	_ =	shalt  }

</sc_bundles>
